<compile_context>
chip_gen: v7x
topology: tpu7x:2x2x1
jax: 0.10.2.dev20260603
libtpu: 0.0.44.dev20260713+nightly
codegen_flags: <defaults>
</compile_context>

<pallas_src>
import functools

import jax
import jax.numpy as jnp
from jax import lax
from jax.experimental import pallas as pl
from jax.experimental.pallas import tpu as pltpu
from jax.experimental.pallas import tpu_sc as plsc

N = 10000
D = 128
G = 64
K = 8
E = 320000
BN_EPS = 1e-5

NPAD = 10240
DUMMY = N
CHUNK = 128
NPH = 2
PCH = 40
NCH = NPH * PCH
EPAD = 2 * 16 * NCH * CHUNK
ROWS_PER_TILE = NPAD // 16


def _sc_aggregate(h_pad, zeros_pad, ei_r):
    mesh = plsc.VectorSubcoreMesh(core_axis_name="c", subcore_axis_name="s")

    @functools.partial(
        pl.kernel,
        mesh=mesh,
        out_type=jax.ShapeDtypeStruct((2, NPAD, D), jnp.float32),
        scratch_types=[
            pltpu.VMEM((2 * PCH, CHUNK), jnp.int32),
            pltpu.VMEM((2, CHUNK, D), jnp.float32),
            pltpu.VMEM_SHARED((NPAD, D), jnp.float32),
            pltpu.SemaphoreType.DMA,
            pltpu.SemaphoreType.DMA,
            pltpu.SemaphoreType.DMA,
            pltpu.SemaphoreType.DMA,
            pltpu.SemaphoreType.DMA,
        ],
    )
    def agg_kernel(h_hbm, z_hbm, ei_hbm, out_hbm,
                   idx_v, rows_v, acc_sh, sem_g0, sem_g1, sem_s0, sem_s1,
                   sem_z):
        c = lax.axis_index("c")
        s = lax.axis_index("s")
        base = s * ROWS_PER_TILE
        seed_dst = acc_sh.at[pl.ds(base, ROWS_PER_TILE)]
        sem_g = (sem_g0, sem_g1)
        sem_s = (sem_s0, sem_s1)

        def gather(j, b):
            pltpu.async_copy(h_hbm.at[idx_v.at[2 * j]], rows_v.at[b],
                             sem_g[b])

        def process_pair(q, prefetch):
            for b in (0, 1):
                j = 2 * q + b
                pltpu.make_async_copy(h_hbm.at[idx_v.at[2 * j]],
                                      rows_v.at[b], sem_g[b]).wait()
                pltpu.async_copy(rows_v.at[b], acc_sh.at[idx_v.at[2 * j + 1]],
                                 sem_s[b], add=True)
            for b in (0, 1):
                j = 2 * q + b
                pltpu.make_async_copy(rows_v.at[b],
                                      acc_sh.at[idx_v.at[2 * j + 1]],
                                      sem_s[b]).wait()
                if prefetch:
                    gather(j + 2, b)

        pltpu.sync_copy(ei_hbm.at[c, s, 0], idx_v)

        @pl.when(c == 0)
        def _():
            pltpu.async_copy(h_hbm.at[pl.ds(base, ROWS_PER_TILE)],
                             seed_dst, sem_z)

        @pl.when(c != 0)
        def _():
            pltpu.async_copy(z_hbm.at[pl.ds(base, ROWS_PER_TILE)],
                             seed_dst, sem_z)

        pltpu.make_async_copy(z_hbm.at[pl.ds(base, ROWS_PER_TILE)],
                              seed_dst, sem_z).wait()
        plsc.subcore_barrier()

        def pair_body(q, carry):
            process_pair(q, True)
            return carry

        for p in range(NPH):
            if p > 0:
                pltpu.sync_copy(ei_hbm.at[c, s, p], idx_v)
            gather(0, 0)
            gather(1, 1)
            lax.fori_loop(0, PCH // 2 - 1, pair_body, 0)
            process_pair(PCH // 2 - 1, False)

        plsc.subcore_barrier()

        pltpu.sync_copy(acc_sh.at[pl.ds(base, ROWS_PER_TILE)],
                        out_hbm.at[c, pl.ds(base, ROWS_PER_TILE)])

    return agg_kernel(h_pad, zeros_pad, ei_r)


_BLK = NPAD // 4


def _mlp_body(p_ref, w1_ref, b1_ref, w2_ref, b2_ref):
    hin = p_ref[0] + p_ref[1]
    t = lax.dot_general(hin, w1_ref[...], (((1,), (0,)), ((), ())))
    t = jnp.maximum(t + b1_ref[...], 0.0)
    h = lax.dot_general(t, w2_ref[...], (((1,), (0,)), ((), ())))
    return jnp.maximum(h + b2_ref[...], 0.0)


def _tc_layer(part, w1, b1, w2, b2):

    def body(p_ref, w1_ref, b1_ref, w2_ref, b2_ref, o_ref):
        o_ref[...] = _mlp_body(p_ref, w1_ref, b1_ref, w2_ref, b2_ref)

    return pl.pallas_call(
        body,
        grid=(NPAD // _BLK,),
        in_specs=[
            pl.BlockSpec((2, _BLK, D), lambda i: (0, i, 0)),
            pl.BlockSpec((D, D), lambda i: (0, 0)),
            pl.BlockSpec((1, D), lambda i: (0, 0)),
            pl.BlockSpec((D, D), lambda i: (0, 0)),
            pl.BlockSpec((1, D), lambda i: (0, 0)),
        ],
        out_specs=pl.BlockSpec((_BLK, D), lambda i: (i, 0)),
        out_shape=jax.ShapeDtypeStruct((NPAD, D), jnp.float32),
    )(part, w1, b1, w2, b2)


def _tc_final(part, w1, b1, w2, b2, batch_pad, rt, head_w, head_b):

    grid = NPAD // _BLK

    def body(p_ref, w1_ref, b1_ref, w2_ref, b2_ref, batch_ref, rt_ref,
             hw_ref, hb_ref, o_ref, pooled_acc):
        i = pl.program_id(0)
        h = _mlp_body(p_ref, w1_ref, b1_ref, w2_ref, b2_ref)

        seg = lax.broadcasted_iota(jnp.int32, (_BLK, G), 1)
        onehot = (batch_ref[...] == seg).astype(jnp.float32)
        part_pool = lax.dot_general(onehot, h, (((0,), (0,)), ((), ())))

        @pl.when(i == 0)
        def _():
            pooled_acc[...] = jnp.zeros_like(pooled_acc)

        pooled_acc[...] += part_pool

        @pl.when(i == grid - 1)
        def _():
            kio = lax.broadcasted_iota(jnp.int32, (G, K), 1)
            oh_r = (rt_ref[...] == kio).astype(jnp.float32)
            wsel = lax.dot_general(oh_r, hw_ref[...], (((1,), (0,)), ((), ())))
            bsel = lax.dot_general(oh_r, hb_ref[...], (((1,), (0,)), ((), ())))
            o_ref[...] = jnp.sum(pooled_acc[...] * wsel, axis=1,
                                 keepdims=True) + bsel

    return pl.pallas_call(
        body,
        grid=(grid,),
        in_specs=[
            pl.BlockSpec((2, _BLK, D), lambda i: (0, i, 0)),
            pl.BlockSpec((D, D), lambda i: (0, 0)),
            pl.BlockSpec((1, D), lambda i: (0, 0)),
            pl.BlockSpec((D, D), lambda i: (0, 0)),
            pl.BlockSpec((1, D), lambda i: (0, 0)),
            pl.BlockSpec((_BLK, 1), lambda i: (i, 0)),
            pl.BlockSpec((G, 1), lambda i: (0, 0)),
            pl.BlockSpec((K, D), lambda i: (0, 0)),
            pl.BlockSpec((K, 1), lambda i: (0, 0)),
        ],
        out_specs=pl.BlockSpec((G, 1), lambda i: (0, 0)),
        out_shape=jax.ShapeDtypeStruct((G, 1), jnp.float32),
        scratch_shapes=[pltpu.VMEM((G, D), jnp.float32)],
    )(part, w1, b1, w2, b2, batch_pad, rt, head_w, head_b)


def _fold_bn(p):
    scale = p["bn_gamma"] / jnp.sqrt(1.0 + BN_EPS)
    w1 = p["lin1"]["W"] * scale[None, :]
    b1 = p["lin1"]["b"] * scale + p["bn_beta"]
    return w1, b1.reshape(1, D), p["lin2"]["W"], p["lin2"]["b"].reshape(1, D)


def kernel(x, edge_index, batch, r_target, params):
    src = edge_index[0].astype(jnp.int32)
    dst = edge_index[1].astype(jnp.int32)
    pad = EPAD - E
    pad_i = jnp.arange(pad, dtype=jnp.int32)
    src_r = jnp.concatenate([src, pad_i % N])
    dst_r = jnp.concatenate([dst, DUMMY + pad_i % (NPAD - N)])
    ei_r = jnp.stack([src_r.reshape(2, 16, NPH, PCH, CHUNK),
                      dst_r.reshape(2, 16, NPH, PCH, CHUNK)], axis=4)
    ei_r = ei_r.reshape(2, 16, NPH, 2 * PCH, CHUNK)

    zeros_pad = jnp.zeros((NPAD, D), jnp.float32)
    h = zeros_pad.at[:N].set(x)
    batch_pad = jnp.concatenate(
        [batch.astype(jnp.int32), jnp.full((NPAD - N,), G, jnp.int32)]
    ).reshape(NPAD, 1)
    rt = r_target.astype(jnp.int32).reshape(G, 1)
    head_w = params["head_W"].reshape(K, D)
    head_b = params["head_b"].reshape(K, 1)

    for name in ("conv1", "conv2"):
        w1, b1, w2, b2 = _fold_bn(params[name])
        part = _sc_aggregate(h, zeros_pad, ei_r)
        h = _tc_layer(part, w1, b1, w2, b2)

    w1, b1, w2, b2 = _fold_bn(params["conv3"])
    part = _sc_aggregate(h, zeros_pad, ei_r)
    out = _tc_final(part, w1, b1, w2, b2, batch_pad, rt, head_w, head_b)
    return out.reshape(G)

# --- scband reference (transcript-rebuilt; emitter-appended) ---
"""Pipeline reference for scband-gin-60009283060273 (READ-ONLY COPY).

The authoritative reference and input builder live on the scoring server;
editing this copy changes nothing except your own understanding.
"""

import jax, jax.numpy as jnp
import numpy as np

N = 10000
E = 320000
D = 128
H = 128
G = 64
K = 8
BN_EPS = 1e-5


def _lin_init(k, fan_in, fan_out):
    kw, kb = jax.random.split(k)
    s = 1.0 / np.sqrt(fan_in)
    return {
        "W": jax.random.uniform(kw, (fan_in, fan_out), minval=-s, maxval=s, dtype=jnp.float32),
        "b": jax.random.uniform(kb, (fan_out,), minval=-s, maxval=s, dtype=jnp.float32),
    }


def _conv_init(k, fan_in, hidden):
    k1, k2 = jax.random.split(k)
    return {
        "lin1": _lin_init(k1, fan_in, hidden),
        "bn_gamma": jnp.ones((hidden,), dtype=jnp.float32),
        "bn_beta": jnp.zeros((hidden,), dtype=jnp.float32),
        "lin2": _lin_init(k2, hidden, hidden),
    }


def setup_inputs(seed: int = 0) -> dict:
    key = jax.random.key(seed)
    k_x, k_e, k_b, k_r, k_p = jax.random.split(key, 5)
    x = jax.random.normal(k_x, (N, D), dtype=jnp.float32)
    edge_index = jax.random.randint(k_e, (2, E), 0, N, dtype=jnp.int64)
    batch = jnp.sort(jax.random.randint(k_b, (N,), 0, G, dtype=jnp.int64))
    r_target = jax.random.randint(k_r, (G,), 0, K, dtype=jnp.int64)
    kp = jax.random.split(k_p, 4)
    params = {
        "conv1": _conv_init(kp[0], D, H),
        "conv2": _conv_init(kp[1], H, H),
        "conv3": _conv_init(kp[2], H, H),
        "head_W": jax.random.normal(kp[3], (K, H, 1), dtype=jnp.float32) * 0.05,
        "head_b": jnp.zeros((K, 1), dtype=jnp.float32),
    }
    return {"x": x, "edge_index": edge_index, "batch": batch, "r_target": r_target, "params": params}


def _gin_conv(x, edge_index, p):
    # PyG GINConv (eps=0): mlp((1+eps)*x + sum_{j in N(i)} x_j)
    src = edge_index[0]
    dst = edge_index[1]
    agg = jax.ops.segment_sum(jnp.take(x, src, axis=0), dst, num_segments=x.shape[0])
    h = x + agg
    h = h @ p["lin1"]["W"] + p["lin1"]["b"]
    # BatchNorm1d in eval mode with running_mean=0, running_var=1 (buffers)
    h = (h / jnp.sqrt(1.0 + BN_EPS)) * p["bn_gamma"] + p["bn_beta"]
    h = jax.nn.relu(h)
    h = h @ p["lin2"]["W"] + p["lin2"]["b"]
    h = jax.nn.relu(h)
    return h


def reference(x, edge_index, batch, r_target, params):
    h = _gin_conv(x, edge_index, params["conv1"])
    h = jax.nn.relu(h)
    h = _gin_conv(h, edge_index, params["conv2"])
    h = jax.nn.relu(h)
    h = _gin_conv(h, edge_index, params["conv3"])
    pooled = jax.ops.segment_sum(h, batch, num_segments=G)
    # dropout p=0.5 is identity in eval mode
    Wh = jnp.take(params["head_W"], r_target, axis=0)  # [G, H, 1]
    bh = jnp.take(params["head_b"], r_target, axis=0)  # [G, 1]
    out = jnp.einsum("gh,gho->go", pooled, Wh) + bh
    return out.squeeze(-1)

if __name__ == "__main__":
    import jax
    _d = setup_inputs()
    print(jax.jit(kernel)(*tuple(_d.values())))

</pallas_src>

<mosaic_0001>
#map = affine_map<(d0, d1) -> (0, 0)>
#map1 = affine_map<(d0, d1) -> (0, 0, 0, 0, 0)>
#map2 = affine_map<(d0, d1) -> (0, 0, 0)>
module attributes {stable_mosaic.version = 14 : i64} {
  func.func @agg_kernel(%arg0: i32, %arg1: i32, %arg2: memref<10240x128xf32, #tpu.memory_space<hbm>>, %arg3: memref<10240x128xf32, #tpu.memory_space<hbm>>, %arg4: memref<2x16x2x80x128xi32, #tpu.memory_space<hbm>>, %arg5: memref<2x10240x128xf32, #tpu.memory_space<hbm>>, %arg6: memref<80x128xi32, #tpu.memory_space<vmem>>, %arg7: memref<2x128x128xf32, #tpu.memory_space<vmem>>, %arg8: memref<10240x128xf32, #tpu.memory_space<vmem_shared>>, %arg9: memref<!tpu.dma_semaphore, #tpu.memory_space<semaphore_mem>>, %arg10: memref<!tpu.dma_semaphore, #tpu.memory_space<semaphore_mem>>, %arg11: memref<!tpu.dma_semaphore, #tpu.memory_space<semaphore_mem>>, %arg12: memref<!tpu.dma_semaphore, #tpu.memory_space<semaphore_mem>>, %arg13: memref<!tpu.dma_semaphore, #tpu.memory_space<semaphore_mem>>) attributes {dimension_semantics = [#tpu.dimension_semantics<core_parallel>, #tpu.dimension_semantics<subcore_parallel>], iteration_bounds = array<i64: 2, 16>, scalar_prefetch = 0 : i64, scratch_operands = 8 : i64, tpu.core_type = #tpu.core_type<sc_vector_subcore>, window_params = [{transform_indices = #map}, {transform_indices = #map}, {transform_indices = #map1}, {transform_indices = #map2}]} {
    %mul3A = arith.constant 640 : i32
    %mul3A_0 = arith.muli %arg1, %mul3A : i32
    %run_scoped3A = arith.constant 0 : i32
    "tpu.region"() ({
      %run_scoped3A_214 = tpu.sem_alloc : memref<!tpu.dma_semaphore, #tpu.memory_space<semaphore_mem>>
      %dma_start3A_215 = arith.constant 0 : i32
      %dma_start3A_216 = arith.constant 0 : i32
      %dma_start3A_217 = tpu.memref_slice %arg4[%arg0, %arg1, %run_scoped3A, %dma_start3A_215, %dma_start3A_216] : memref<2x16x2x80x128xi32, #tpu.memory_space<hbm>> -> memref<1x1x1x80x128xi32, #tpu.memory_space<hbm>>
      %dma_start3A_218 = tpu.memref_squeeze %dma_start3A_217 : memref<1x1x1x80x128xi32, #tpu.memory_space<hbm>> -> memref<80x128xi32, #tpu.memory_space<hbm>>
      %dma_start3A_219 = arith.constant 0 : i32
      %dma_start3A_220 = arith.constant 0 : i32
      %dma_start3A_221 = tpu.memref_slice %arg4[%arg0, %arg1, %run_scoped3A, %dma_start3A_219, %dma_start3A_220] : memref<2x16x2x80x128xi32, #tpu.memory_space<hbm>> -> memref<1x1x1x80x128xi32, #tpu.memory_space<hbm>>
      %dma_start3A_222 = tpu.memref_squeeze %dma_start3A_221 : memref<1x1x1x80x128xi32, #tpu.memory_space<hbm>> -> memref<80x128xi32, #tpu.memory_space<hbm>>
      tpu.enqueue_dma source(%dma_start3A_222 : memref<80x128xi32, #tpu.memory_space<hbm>>) target(%arg6 : memref<80x128xi32, #tpu.memory_space<vmem>>) target_semaphore(%run_scoped3A_214 : memref<!tpu.dma_semaphore, #tpu.memory_space<semaphore_mem>>)
      %dma_wait3A_223 = arith.constant 0 : i32
      %dma_wait3A_224 = arith.constant 0 : i32
      %dma_wait3A_225 = tpu.memref_slice %arg4[%arg0, %arg1, %run_scoped3A, %dma_wait3A_223, %dma_wait3A_224] : memref<2x16x2x80x128xi32, #tpu.memory_space<hbm>> -> memref<1x1x1x80x128xi32, #tpu.memory_space<hbm>>
      %dma_wait3A_226 = tpu.memref_squeeze %dma_wait3A_225 : memref<1x1x1x80x128xi32, #tpu.memory_space<hbm>> -> memref<80x128xi32, #tpu.memory_space<hbm>>
      %dma_wait3A_227 = arith.constant 0 : i32
      %dma_wait3A_228 = arith.constant 0 : i32
      %dma_wait3A_229 = tpu.memref_slice %arg4[%arg0, %arg1, %run_scoped3A, %dma_wait3A_227, %dma_wait3A_228] : memref<2x16x2x80x128xi32, #tpu.memory_space<hbm>> -> memref<1x1x1x80x128xi32, #tpu.memory_space<hbm>>
      %dma_wait3A_230 = tpu.memref_squeeze %dma_wait3A_229 : memref<1x1x1x80x128xi32, #tpu.memory_space<hbm>> -> memref<80x128xi32, #tpu.memory_space<hbm>>
      tpu.wait_dma2 semaphore(%run_scoped3A_214 : memref<!tpu.dma_semaphore, #tpu.memory_space<semaphore_mem>>) src(%dma_wait3A_230 : memref<80x128xi32, #tpu.memory_space<hbm>>) dst(%arg6 : memref<80x128xi32, #tpu.memory_space<vmem>>)
      tpu.yield
    }) : () -> ()
    %eq3A = arith.constant 0 : i32
    %eq3A_1 = arith.cmpi eq, %arg0, %eq3A : i32
    %convert_element_type3A = arith.extui %eq3A_1 : i1 to i32
    %cond3A = arith.constant 0 : i32
    %cond3A_2 = arith.cmpi ne, %convert_element_type3A, %cond3A : i32
    scf.if %cond3A_2 {
      %dma_start3A_214 = arith.constant 0 : i32
      %dma_start3A_215 = tpu.memref_slice %arg8[%mul3A_0, %dma_start3A_214] : memref<10240x128xf32, #tpu.memory_space<vmem_shared>> -> memref<640x128xf32, #tpu.memory_space<vmem_shared>>
      %dma_start3A_216 = arith.constant 0 : i32
      %dma_start3A_217 = tpu.memref_slice %arg2[%mul3A_0, %dma_start3A_216] : memref<10240x128xf32, #tpu.memory_space<hbm>> -> memref<640x128xf32, #tpu.memory_space<hbm>>
      tpu.enqueue_dma source(%dma_start3A_217 : memref<640x128xf32, #tpu.memory_space<hbm>>) target(%dma_start3A_215 : memref<640x128xf32, #tpu.memory_space<vmem_shared>>) target_semaphore(%arg13 : memref<!tpu.dma_semaphore, #tpu.memory_space<semaphore_mem>>)
    } else {
    }
    %ne3A = arith.constant 0 : i32
    %ne3A_3 = arith.cmpi ne, %arg0, %ne3A : i32
    %convert_element_type3A_4 = arith.extui %ne3A_3 : i1 to i32
    %cond3A_5 = arith.constant 0 : i32
    %cond3A_6 = arith.cmpi ne, %convert_element_type3A_4, %cond3A_5 : i32
    scf.if %cond3A_6 {
      %dma_start3A_214 = arith.constant 0 : i32
      %dma_start3A_215 = tpu.memref_slice %arg8[%mul3A_0, %dma_start3A_214] : memref<10240x128xf32, #tpu.memory_space<vmem_shared>> -> memref<640x128xf32, #tpu.memory_space<vmem_shared>>
      %dma_start3A_216 = arith.constant 0 : i32
      %dma_start3A_217 = tpu.memref_slice %arg3[%mul3A_0, %dma_start3A_216] : memref<10240x128xf32, #tpu.memory_space<hbm>> -> memref<640x128xf32, #tpu.memory_space<hbm>>
      tpu.enqueue_dma source(%dma_start3A_217 : memref<640x128xf32, #tpu.memory_space<hbm>>) target(%dma_start3A_215 : memref<640x128xf32, #tpu.memory_space<vmem_shared>>) target_semaphore(%arg13 : memref<!tpu.dma_semaphore, #tpu.memory_space<semaphore_mem>>)
    } else {
    }
    %dma_wait3A = arith.constant 0 : i32
    %dma_wait3A_7 = tpu.memref_slice %arg8[%mul3A_0, %dma_wait3A] : memref<10240x128xf32, #tpu.memory_space<vmem_shared>> -> memref<640x128xf32, #tpu.memory_space<vmem_shared>>
    %dma_wait3A_8 = arith.constant 0 : i32
    %dma_wait3A_9 = tpu.memref_slice %arg3[%mul3A_0, %dma_wait3A_8] : memref<10240x128xf32, #tpu.memory_space<hbm>> -> memref<640x128xf32, #tpu.memory_space<hbm>>
    tpu.wait_dma2 semaphore(%arg13 : memref<!tpu.dma_semaphore, #tpu.memory_space<semaphore_mem>>) src(%dma_wait3A_9 : memref<640x128xf32, #tpu.memory_space<hbm>>) dst(%dma_wait3A_7 : memref<640x128xf32, #tpu.memory_space<vmem_shared>>)
    %barrier3A = arith.constant 0 : index
    tpu.barrier barrier_id(%barrier3A)
    %dma_start3A = arith.constant 0 : i32
    %dma_start3A_10 = arith.constant 0 : i32
    %dma_start3A_11 = arith.constant 0 : i32
    %dma_start3A_12 = arith.constant 0 : i32
    %dma_start3A_13 = tpu.memref_slice %arg7[%dma_start3A_10, %dma_start3A_11, %dma_start3A_12] : memref<2x128x128xf32, #tpu.memory_space<vmem>> -> memref<1x128x128xf32, #tpu.memory_space<vmem>>
    %dma_start3A_14 = tpu.memref_squeeze %dma_start3A_13 : memref<1x128x128xf32, #tpu.memory_space<vmem>> -> memref<128x128xf32, #tpu.memory_space<vmem>>
    %dma_start3A_15 = arith.constant 0 : i32
    %dma_start3A_16 = tpu.memref_slice %arg6[%dma_start3A, %dma_start3A_15] : memref<80x128xi32, #tpu.memory_space<vmem>> -> memref<1x128xi32, #tpu.memory_space<vmem>>
    %dma_start3A_17 = tpu.memref_squeeze %dma_start3A_16 : memref<1x128xi32, #tpu.memory_space<vmem>> -> memref<128xi32, #tpu.memory_space<vmem>>
    %dma_start3A_18 = arith.constant 0 : i32
    %dma_start3A_19 = arith.constant 0 : i32
    %dma_start3A_20 = tpu.memref_slice %arg2[%dma_start3A_18, %dma_start3A_19] : memref<10240x128xf32, #tpu.memory_space<hbm>> -> memref<10240x128xf32, #tpu.memory_space<hbm>>
    tpu.enqueue_indirect_dma source(%dma_start3A_20 : memref<10240x128xf32, #tpu.memory_space<hbm>>) target(%dma_start3A_14 : memref<128x128xf32, #tpu.memory_space<vmem>>) offsets(%dma_start3A_17 : memref<128xi32, #tpu.memory_space<vmem>>) semaphore(%arg9 : memref<!tpu.dma_semaphore, #tpu.memory_space<semaphore_mem>>)
    %dma_start3A_21 = arith.constant 2 : i32
    %dma_start3A_22 = arith.constant 1 : i32
    %dma_start3A_23 = arith.constant 0 : i32
    %dma_start3A_24 = arith.constant 0 : i32
    %dma_start3A_25 = tpu.memref_slice %arg7[%dma_start3A_22, %dma_start3A_23, %dma_start3A_24] : memref<2x128x128xf32, #tpu.memory_space<vmem>> -> memref<1x128x128xf32, #tpu.memory_space<vmem>>
    %dma_start3A_26 = tpu.memref_squeeze %dma_start3A_25 : memref<1x128x128xf32, #tpu.memory_space<vmem>> -> memref<128x128xf32, #tpu.memory_space<vmem>>
    %dma_start3A_27 = arith.constant 0 : i32
    %dma_start3A_28 = tpu.memref_slice %arg6[%dma_start3A_21, %dma_start3A_27] : memref<80x128xi32, #tpu.memory_space<vmem>> -> memref<1x128xi32, #tpu.memory_space<vmem>>
    %dma_start3A_29 = tpu.memref_squeeze %dma_start3A_28 : memref<1x128xi32, #tpu.memory_space<vmem>> -> memref<128xi32, #tpu.memory_space<vmem>>
    %dma_start3A_30 = arith.constant 0 : i32
    %dma_start3A_31 = arith.constant 0 : i32
    %dma_start3A_32 = tpu.memref_slice %arg2[%dma_start3A_30, %dma_start3A_31] : memref<10240x128xf32, #tpu.memory_space<hbm>> -> memref<10240x128xf32, #tpu.memory_space<hbm>>
    tpu.enqueue_indirect_dma source(%dma_start3A_32 : memref<10240x128xf32, #tpu.memory_space<hbm>>) target(%dma_start3A_26 : memref<128x128xf32, #tpu.memory_space<vmem>>) offsets(%dma_start3A_29 : memref<128xi32, #tpu.memory_space<vmem>>) semaphore(%arg10 : memref<!tpu.dma_semaphore, #tpu.memory_space<semaphore_mem>>)
    %scan3A = arith.constant 0 : i32
    %scan3A_33 = arith.constant 0 : i32
    %scan3A_34 = arith.constant 19 : i32
    %scan3A_35 = arith.addi %scan3A_33, %scan3A_34 : i32
    %scan3A_36 = arith.constant 1 : i32
    scf.for %scan3A_214 = %scan3A_33 to %scan3A_35 step %scan3A_36  : i32 {
      %mul3A_215 = arith.constant 2 : i32
      %mul3A_216 = arith.muli %mul3A_215, %scan3A_214 : i32
      %add3A = arith.constant 0 : i32
      %add3A_217 = arith.addi %mul3A_216, %add3A : i32
      %mul3A_218 = arith.constant 2 : i32
      %mul3A_219 = arith.muli %mul3A_218, %add3A_217 : i32
      %dma_wait3A_220 = arith.constant 0 : i32
      %dma_wait3A_221 = arith.constant 0 : i32
      %dma_wait3A_222 = arith.constant 0 : i32
      %dma_wait3A_223 = tpu.memref_slice %arg7[%dma_wait3A_220, %dma_wait3A_221, %dma_wait3A_222] : memref<2x128x128xf32, #tpu.memory_space<vmem>> -> memref<1x128x128xf32, #tpu.memory_space<vmem>>
      %dma_wait3A_224 = tpu.memref_squeeze %dma_wait3A_223 : memref<1x128x128xf32, #tpu.memory_space<vmem>> -> memref<128x128xf32, #tpu.memory_space<vmem>>
      %dma_wait3A_225 = arith.constant 0 : i32
      %dma_wait3A_226 = tpu.memref_slice %arg6[%mul3A_219, %dma_wait3A_225] : memref<80x128xi32, #tpu.memory_space<vmem>> -> memref<1x128xi32, #tpu.memory_space<vmem>>
      %dma_wait3A_227 = tpu.memref_squeeze %dma_wait3A_226 : memref<1x128xi32, #tpu.memory_space<vmem>> -> memref<128xi32, #tpu.memory_space<vmem>>
      %dma_wait3A_228 = arith.constant 0 : i32
      %dma_wait3A_229 = arith.constant 0 : i32
      %dma_wait3A_230 = tpu.memref_slice %arg2[%dma_wait3A_228, %dma_wait3A_229] : memref<10240x128xf32, #tpu.memory_space<hbm>> -> memref<10240x128xf32, #tpu.memory_space<hbm>>
      tpu.wait_indirect_dma semaphore(%arg9 : memref<!tpu.dma_semaphore, #tpu.memory_space<semaphore_mem>>) src(%dma_wait3A_230 : memref<10240x128xf32, #tpu.memory_space<hbm>>) dst(%dma_wait3A_224 : memref<128x128xf32, #tpu.memory_space<vmem>>)
      %mul3A_231 = arith.constant 2 : i32
      %mul3A_232 = arith.muli %mul3A_231, %add3A_217 : i32
      %add3A_233 = arith.constant 1 : i32
      %add3A_234 = arith.addi %mul3A_232, %add3A_233 : i32
      %dma_start3A_235 = arith.constant 0 : i32
      %dma_start3A_236 = arith.constant 0 : i32
      %dma_start3A_237 = arith.constant 0 : i32
      %dma_start3A_238 = tpu.memref_slice %arg7[%dma_start3A_235, %dma_start3A_236, %dma_start3A_237] : memref<2x128x128xf32, #tpu.memory_space<vmem>> -> memref<1x128x128xf32, #tpu.memory_space<vmem>>
      %dma_start3A_239 = tpu.memref_squeeze %dma_start3A_238 : memref<1x128x128xf32, #tpu.memory_space<vmem>> -> memref<128x128xf32, #tpu.memory_space<vmem>>
      %dma_start3A_240 = arith.constant 0 : i32
      %dma_start3A_241 = tpu.memref_slice %arg6[%add3A_234, %dma_start3A_240] : memref<80x128xi32, #tpu.memory_space<vmem>> -> memref<1x128xi32, #tpu.memory_space<vmem>>
      %dma_start3A_242 = tpu.memref_squeeze %dma_start3A_241 : memref<1x128xi32, #tpu.memory_space<vmem>> -> memref<128xi32, #tpu.memory_space<vmem>>
      %dma_start3A_243 = arith.constant 0 : i32
      %dma_start3A_244 = arith.constant 0 : i32
      %dma_start3A_245 = tpu.memref_slice %arg8[%dma_start3A_243, %dma_start3A_244] : memref<10240x128xf32, #tpu.memory_space<vmem_shared>> -> memref<10240x128xf32, #tpu.memory_space<vmem_shared>>
      tpu.enqueue_indirect_dma source(%dma_start3A_239 : memref<128x128xf32, #tpu.memory_space<vmem>>) target(%dma_start3A_245 : memref<10240x128xf32, #tpu.memory_space<vmem_shared>>) offsets(%dma_start3A_242 : memref<128xi32, #tpu.memory_space<vmem>>) semaphore(%arg11 : memref<!tpu.dma_semaphore, #tpu.memory_space<semaphore_mem>>) {add = true}
      %mul3A_246 = arith.constant 2 : i32
      %mul3A_247 = arith.muli %mul3A_246, %scan3A_214 : i32
      %add3A_248 = arith.constant 1 : i32
      %add3A_249 = arith.addi %mul3A_247, %add3A_248 : i32
      %mul3A_250 = arith.constant 2 : i32
      %mul3A_251 = arith.muli %mul3A_250, %add3A_249 : i32
      %dma_wait3A_252 = arith.constant 1 : i32
      %dma_wait3A_253 = arith.constant 0 : i32
      %dma_wait3A_254 = arith.constant 0 : i32
      %dma_wait3A_255 = tpu.memref_slice %arg7[%dma_wait3A_252, %dma_wait3A_253, %dma_wait3A_254] : memref<2x128x128xf32, #tpu.memory_space<vmem>> -> memref<1x128x128xf32, #tpu.memory_space<vmem>>
      %dma_wait3A_256 = tpu.memref_squeeze %dma_wait3A_255 : memref<1x128x128xf32, #tpu.memory_space<vmem>> -> memref<128x128xf32, #tpu.memory_space<vmem>>
      %dma_wait3A_257 = arith.constant 0 : i32
      %dma_wait3A_258 = tpu.memref_slice %arg6[%mul3A_251, %dma_wait3A_257] : memref<80x128xi32, #tpu.memory_space<vmem>> -> memref<1x128xi32, #tpu.memory_space<vmem>>
      %dma_wait3A_259 = tpu.memref_squeeze %dma_wait3A_258 : memref<1x128xi32, #tpu.memory_space<vmem>> -> memref<128xi32, #tpu.memory_space<vmem>>
      %dma_wait3A_260 = arith.constant 0 : i32
      %dma_wait3A_261 = arith.constant 0 : i32
      %dma_wait3A_262 = tpu.memref_slice %arg2[%dma_wait3A_260, %dma_wait3A_261] : memref<10240x128xf32, #tpu.memory_space<hbm>> -> memref<10240x128xf32, #tpu.memory_space<hbm>>
      tpu.wait_indirect_dma semaphore(%arg10 : memref<!tpu.dma_semaphore, #tpu.memory_space<semaphore_mem>>) src(%dma_wait3A_262 : memref<10240x128xf32, #tpu.memory_space<hbm>>) dst(%dma_wait3A_256 : memref<128x128xf32, #tpu.memory_space<vmem>>)
      %mul3A_263 = arith.constant 2 : i32
      %mul3A_264 = arith.muli %mul3A_263, %add3A_249 : i32
      %add3A_265 = arith.constant 1 : i32
      %add3A_266 = arith.addi %mul3A_264, %add3A_265 : i32
      %dma_start3A_267 = arith.constant 1 : i32
      %dma_start3A_268 = arith.constant 0 : i32
      %dma_start3A_269 = arith.constant 0 : i32
      %dma_start3A_270 = tpu.memref_slice %arg7[%dma_start3A_267, %dma_start3A_268, %dma_start3A_269] : memref<2x128x128xf32, #tpu.memory_space<vmem>> -> memref<1x128x128xf32, #tpu.memory_space<vmem>>
      %dma_start3A_271 = tpu.memref_squeeze %dma_start3A_270 : memref<1x128x128xf32, #tpu.memory_space<vmem>> -> memref<128x128xf32, #tpu.memory_space<vmem>>
      %dma_start3A_272 = arith.constant 0 : i32
      %dma_start3A_273 = tpu.memref_slice %arg6[%add3A_266, %dma_start3A_272] : memref<80x128xi32, #tpu.memory_space<vmem>> -> memref<1x128xi32, #tpu.memory_space<vmem>>
      %dma_start3A_274 = tpu.memref_squeeze %dma_start3A_273 : memref<1x128xi32, #tpu.memory_space<vmem>> -> memref<128xi32, #tpu.memory_space<vmem>>
      %dma_start3A_275 = arith.constant 0 : i32
      %dma_start3A_276 = arith.constant 0 : i32
      %dma_start3A_277 = tpu.memref_slice %arg8[%dma_start3A_275, %dma_start3A_276] : memref<10240x128xf32, #tpu.memory_space<vmem_shared>> -> memref<10240x128xf32, #tpu.memory_space<vmem_shared>>
      tpu.enqueue_indirect_dma source(%dma_start3A_271 : memref<128x128xf32, #tpu.memory_space<vmem>>) target(%dma_start3A_277 : memref<10240x128xf32, #tpu.memory_space<vmem_shared>>) offsets(%dma_start3A_274 : memref<128xi32, #tpu.memory_space<vmem>>) semaphore(%arg12 : memref<!tpu.dma_semaphore, #tpu.memory_space<semaphore_mem>>) {add = true}
      %mul3A_278 = arith.constant 2 : i32
      %mul3A_279 = arith.muli %mul3A_278, %scan3A_214 : i32
      %add3A_280 = arith.constant 0 : i32
      %add3A_281 = arith.addi %mul3A_279, %add3A_280 : i32
      %mul3A_282 = arith.constant 2 : i32
      %mul3A_283 = arith.muli %mul3A_282, %add3A_281 : i32
      %add3A_284 = arith.constant 1 : i32
      %add3A_285 = arith.addi %mul3A_283, %add3A_284 : i32
      %dma_wait3A_286 = arith.constant 0 : i32
      %dma_wait3A_287 = arith.constant 0 : i32
      %dma_wait3A_288 = arith.constant 0 : i32
      %dma_wait3A_289 = tpu.memref_slice %arg7[%dma_wait3A_286, %dma_wait3A_287, %dma_wait3A_288] : memref<2x128x128xf32, #tpu.memory_space<vmem>> -> memref<1x128x128xf32, #tpu.memory_space<vmem>>
      %dma_wait3A_290 = tpu.memref_squeeze %dma_wait3A_289 : memref<1x128x128xf32, #tpu.memory_space<vmem>> -> memref<128x128xf32, #tpu.memory_space<vmem>>
      %dma_wait3A_291 = arith.constant 0 : i32
      %dma_wait3A_292 = tpu.memref_slice %arg6[%add3A_285, %dma_wait3A_291] : memref<80x128xi32, #tpu.memory_space<vmem>> -> memref<1x128xi32, #tpu.memory_space<vmem>>
      %dma_wait3A_293 = tpu.memref_squeeze %dma_wait3A_292 : memref<1x128xi32, #tpu.memory_space<vmem>> -> memref<128xi32, #tpu.memory_space<vmem>>
      %dma_wait3A_294 = arith.constant 0 : i32
      %dma_wait3A_295 = arith.constant 0 : i32
      %dma_wait3A_296 = tpu.memref_slice %arg8[%dma_wait3A_294, %dma_wait3A_295] : memref<10240x128xf32, #tpu.memory_space<vmem_shared>> -> memref<10240x128xf32, #tpu.memory_space<vmem_shared>>
      tpu.wait_indirect_dma semaphore(%arg11 : memref<!tpu.dma_semaphore, #tpu.memory_space<semaphore_mem>>) src(%dma_wait3A_290 : memref<128x128xf32, #tpu.memory_space<vmem>>) dst(%dma_wait3A_296 : memref<10240x128xf32, #tpu.memory_space<vmem_shared>>)
      %add3A_297 = arith.constant 2 : i32
      %add3A_298 = arith.addi %add3A_281, %add3A_297 : i32
      %mul3A_299 = arith.constant 2 : i32
      %mul3A_300 = arith.muli %mul3A_299, %add3A_298 : i32
      %dma_start3A_301 = arith.constant 0 : i32
      %dma_start3A_302 = arith.constant 0 : i32
      %dma_start3A_303 = arith.constant 0 : i32
      %dma_start3A_304 = tpu.memref_slice %arg7[%dma_start3A_301, %dma_start3A_302, %dma_start3A_303] : memref<2x128x128xf32, #tpu.memory_space<vmem>> -> memref<1x128x128xf32, #tpu.memory_space<vmem>>
      %dma_start3A_305 = tpu.memref_squeeze %dma_start3A_304 : memref<1x128x128xf32, #tpu.memory_space<vmem>> -> memref<128x128xf32, #tpu.memory_space<vmem>>
      %dma_start3A_306 = arith.constant 0 : i32
      %dma_start3A_307 = tpu.memref_slice %arg6[%mul3A_300, %dma_start3A_306] : memref<80x128xi32, #tpu.memory_space<vmem>> -> memref<1x128xi32, #tpu.memory_space<vmem>>
      %dma_start3A_308 = tpu.memref_squeeze %dma_start3A_307 : memref<1x128xi32, #tpu.memory_space<vmem>> -> memref<128xi32, #tpu.memory_space<vmem>>
      %dma_start3A_309 = arith.constant 0 : i32
      %dma_start3A_310 = arith.constant 0 : i32
      %dma_start3A_311 = tpu.memref_slice %arg2[%dma_start3A_309, %dma_start3A_310] : memref<10240x128xf32, #tpu.memory_space<hbm>> -> memref<10240x128xf32, #tpu.memory_space<hbm>>
      tpu.enqueue_indirect_dma source(%dma_start3A_311 : memref<10240x128xf32, #tpu.memory_space<hbm>>) target(%dma_start3A_305 : memref<128x128xf32, #tpu.memory_space<vmem>>) offsets(%dma_start3A_308 : memref<128xi32, #tpu.memory_space<vmem>>) semaphore(%arg9 : memref<!tpu.dma_semaphore, #tpu.memory_space<semaphore_mem>>)
      %mul3A_312 = arith.constant 2 : i32
      %mul3A_313 = arith.muli %mul3A_312, %scan3A_214 : i32
      %add3A_314 = arith.constant 1 : i32
      %add3A_315 = arith.addi %mul3A_313, %add3A_314 : i32
      %mul3A_316 = arith.constant 2 : i32
      %mul3A_317 = arith.muli %mul3A_316, %add3A_315 : i32
      %add3A_318 = arith.constant 1 : i32
      %add3A_319 = arith.addi %mul3A_317, %add3A_318 : i32
      %dma_wait3A_320 = arith.constant 1 : i32
      %dma_wait3A_321 = arith.constant 0 : i32
      %dma_wait3A_322 = arith.constant 0 : i32
      %dma_wait3A_323 = tpu.memref_slice %arg7[%dma_wait3A_320, %dma_wait3A_321, %dma_wait3A_322] : memref<2x128x128xf32, #tpu.memory_space<vmem>> -> memref<1x128x128xf32, #tpu.memory_space<vmem>>
      %dma_wait3A_324 = tpu.memref_squeeze %dma_wait3A_323 : memref<1x128x128xf32, #tpu.memory_space<vmem>> -> memref<128x128xf32, #tpu.memory_space<vmem>>
      %dma_wait3A_325 = arith.constant 0 : i32
      %dma_wait3A_326 = tpu.memref_slice %arg6[%add3A_319, %dma_wait3A_325] : memref<80x128xi32, #tpu.memory_space<vmem>> -> memref<1x128xi32, #tpu.memory_space<vmem>>
      %dma_wait3A_327 = tpu.memref_squeeze %dma_wait3A_326 : memref<1x128xi32, #tpu.memory_space<vmem>> -> memref<128xi32, #tpu.memory_space<vmem>>
      %dma_wait3A_328 = arith.constant 0 : i32
      %dma_wait3A_329 = arith.constant 0 : i32
      %dma_wait3A_330 = tpu.memref_slice %arg8[%dma_wait3A_328, %dma_wait3A_329] : memref<10240x128xf32, #tpu.memory_space<vmem_shared>> -> memref<10240x128xf32, #tpu.memory_space<vmem_shared>>
      tpu.wait_indirect_dma semaphore(%arg12 : memref<!tpu.dma_semaphore, #tpu.memory_space<semaphore_mem>>) src(%dma_wait3A_324 : memref<128x128xf32, #tpu.memory_space<vmem>>) dst(%dma_wait3A_330 : memref<10240x128xf32, #tpu.memory_space<vmem_shared>>)
      %add3A_331 = arith.constant 2 : i32
      %add3A_332 = arith.addi %add3A_315, %add3A_331 : i32
      %mul3A_333 = arith.constant 2 : i32
      %mul3A_334 = arith.muli %mul3A_333, %add3A_332 : i32
      %dma_start3A_335 = arith.constant 1 : i32
      %dma_start3A_336 = arith.constant 0 : i32
      %dma_start3A_337 = arith.constant 0 : i32
      %dma_start3A_338 = tpu.memref_slice %arg7[%dma_start3A_335, %dma_start3A_336, %dma_start3A_337] : memref<2x128x128xf32, #tpu.memory_space<vmem>> -> memref<1x128x128xf32, #tpu.memory_space<vmem>>
      %dma_start3A_339 = tpu.memref_squeeze %dma_start3A_338 : memref<1x128x128xf32, #tpu.memory_space<vmem>> -> memref<128x128xf32, #tpu.memory_space<vmem>>
      %dma_start3A_340 = arith.constant 0 : i32
      %dma_start3A_341 = tpu.memref_slice %arg6[%mul3A_334, %dma_start3A_340] : memref<80x128xi32, #tpu.memory_space<vmem>> -> memref<1x128xi32, #tpu.memory_space<vmem>>
      %dma_start3A_342 = tpu.memref_squeeze %dma_start3A_341 : memref<1x128xi32, #tpu.memory_space<vmem>> -> memref<128xi32, #tpu.memory_space<vmem>>
      %dma_start3A_343 = arith.constant 0 : i32
      %dma_start3A_344 = arith.constant 0 : i32
      %dma_start3A_345 = tpu.memref_slice %arg2[%dma_start3A_343, %dma_start3A_344] : memref<10240x128xf32, #tpu.memory_space<hbm>> -> memref<10240x128xf32, #tpu.memory_space<hbm>>
      tpu.enqueue_indirect_dma source(%dma_start3A_345 : memref<10240x128xf32, #tpu.memory_space<hbm>>) target(%dma_start3A_339 : memref<128x128xf32, #tpu.memory_space<vmem>>) offsets(%dma_start3A_342 : memref<128xi32, #tpu.memory_space<vmem>>) semaphore(%arg10 : memref<!tpu.dma_semaphore, #tpu.memory_space<semaphore_mem>>)
    }
    %scan3A_37 = arith.constant 19 : i32
    %dma_wait3A_38 = arith.constant 76 : i32
    %dma_wait3A_39 = arith.constant 0 : i32
    %dma_wait3A_40 = arith.constant 0 : i32
    %dma_wait3A_41 = arith.constant 0 : i32
    %dma_wait3A_42 = tpu.memref_slice %arg7[%dma_wait3A_39, %dma_wait3A_40, %dma_wait3A_41] : memref<2x128x128xf32, #tpu.memory_space<vmem>> -> memref<1x128x128xf32, #tpu.memory_space<vmem>>
    %dma_wait3A_43 = tpu.memref_squeeze %dma_wait3A_42 : memref<1x128x128xf32, #tpu.memory_space<vmem>> -> memref<128x128xf32, #tpu.memory_space<vmem>>
    %dma_wait3A_44 = arith.constant 0 : i32
    %dma_wait3A_45 = tpu.memref_slice %arg6[%dma_wait3A_38, %dma_wait3A_44] : memref<80x128xi32, #tpu.memory_space<vmem>> -> memref<1x128xi32, #tpu.memory_space<vmem>>
    %dma_wait3A_46 = tpu.memref_squeeze %dma_wait3A_45 : memref<1x128xi32, #tpu.memory_space<vmem>> -> memref<128xi32, #tpu.memory_space<vmem>>
    %dma_wait3A_47 = arith.constant 0 : i32
    %dma_wait3A_48 = arith.constant 0 : i32
    %dma_wait3A_49 = tpu.memref_slice %arg2[%dma_wait3A_47, %dma_wait3A_48] : memref<10240x128xf32, #tpu.memory_space<hbm>> -> memref<10240x128xf32, #tpu.memory_space<hbm>>
    tpu.wait_indirect_dma semaphore(%arg9 : memref<!tpu.dma_semaphore, #tpu.memory_space<semaphore_mem>>) src(%dma_wait3A_49 : memref<10240x128xf32, #tpu.memory_space<hbm>>) dst(%dma_wait3A_43 : memref<128x128xf32, #tpu.memory_space<vmem>>)
    %dma_start3A_50 = arith.constant 0 : i32
    %dma_start3A_51 = arith.constant 77 : i32
    %dma_start3A_52 = arith.constant 0 : i32
    %dma_start3A_53 = arith.constant 0 : i32
    %dma_start3A_54 = tpu.memref_slice %arg7[%dma_start3A_50, %dma_start3A_52, %dma_start3A_53] : memref<2x128x128xf32, #tpu.memory_space<vmem>> -> memref<1x128x128xf32, #tpu.memory_space<vmem>>
    %dma_start3A_55 = tpu.memref_squeeze %dma_start3A_54 : memref<1x128x128xf32, #tpu.memory_space<vmem>> -> memref<128x128xf32, #tpu.memory_space<vmem>>
    %dma_start3A_56 = arith.constant 0 : i32
    %dma_start3A_57 = tpu.memref_slice %arg6[%dma_start3A_51, %dma_start3A_56] : memref<80x128xi32, #tpu.memory_space<vmem>> -> memref<1x128xi32, #tpu.memory_space<vmem>>
    %dma_start3A_58 = tpu.memref_squeeze %dma_start3A_57 : memref<1x128xi32, #tpu.memory_space<vmem>> -> memref<128xi32, #tpu.memory_space<vmem>>
    %dma_start3A_59 = arith.constant 0 : i32
    %dma_start3A_60 = arith.constant 0 : i32
    %dma_start3A_61 = tpu.memref_slice %arg8[%dma_start3A_59, %dma_start3A_60] : memref<10240x128xf32, #tpu.memory_space<vmem_shared>> -> memref<10240x128xf32, #tpu.memory_space<vmem_shared>>
    tpu.enqueue_indirect_dma source(%dma_start3A_55 : memref<128x128xf32, #tpu.memory_space<vmem>>) target(%dma_start3A_61 : memref<10240x128xf32, #tpu.memory_space<vmem_shared>>) offsets(%dma_start3A_58 : memref<128xi32, #tpu.memory_space<vmem>>) semaphore(%arg11 : memref<!tpu.dma_semaphore, #tpu.memory_space<semaphore_mem>>) {add = true}
    %dma_wait3A_62 = arith.constant 78 : i32
    %dma_wait3A_63 = arith.constant 1 : i32
    %dma_wait3A_64 = arith.constant 0 : i32
    %dma_wait3A_65 = arith.constant 0 : i32
    %dma_wait3A_66 = tpu.memref_slice %arg7[%dma_wait3A_63, %dma_wait3A_64, %dma_wait3A_65] : memref<2x128x128xf32, #tpu.memory_space<vmem>> -> memref<1x128x128xf32, #tpu.memory_space<vmem>>
    %dma_wait3A_67 = tpu.memref_squeeze %dma_wait3A_66 : memref<1x128x128xf32, #tpu.memory_space<vmem>> -> memref<128x128xf32, #tpu.memory_space<vmem>>
    %dma_wait3A_68 = arith.constant 0 : i32
    %dma_wait3A_69 = tpu.memref_slice %arg6[%dma_wait3A_62, %dma_wait3A_68] : memref<80x128xi32, #tpu.memory_space<vmem>> -> memref<1x128xi32, #tpu.memory_space<vmem>>
    %dma_wait3A_70 = tpu.memref_squeeze %dma_wait3A_69 : memref<1x128xi32, #tpu.memory_space<vmem>> -> memref<128xi32, #tpu.memory_space<vmem>>
    %dma_wait3A_71 = arith.constant 0 : i32
    %dma_wait3A_72 = arith.constant 0 : i32
    %dma_wait3A_73 = tpu.memref_slice %arg2[%dma_wait3A_71, %dma_wait3A_72] : memref<10240x128xf32, #tpu.memory_space<hbm>> -> memref<10240x128xf32, #tpu.memory_space<hbm>>
    tpu.wait_indirect_dma semaphore(%arg10 : memref<!tpu.dma_semaphore, #tpu.memory_space<semaphore_mem>>) src(%dma_wait3A_73 : memref<10240x128xf32, #tpu.memory_space<hbm>>) dst(%dma_wait3A_67 : memref<128x128xf32, #tpu.memory_space<vmem>>)
    %dma_start3A_74 = arith.constant 1 : i32
    %dma_start3A_75 = arith.constant 79 : i32
    %dma_start3A_76 = arith.constant 0 : i32
    %dma_start3A_77 = arith.constant 0 : i32
    %dma_start3A_78 = tpu.memref_slice %arg7[%dma_start3A_74, %dma_start3A_76, %dma_start3A_77] : memref<2x128x128xf32, #tpu.memory_space<vmem>> -> memref<1x128x128xf32, #tpu.memory_space<vmem>>
    %dma_start3A_79 = tpu.memref_squeeze %dma_start3A_78 : memref<1x128x128xf32, #tpu.memory_space<vmem>> -> memref<128x128xf32, #tpu.memory_space<vmem>>
    %dma_start3A_80 = arith.constant 0 : i32
    %dma_start3A_81 = tpu.memref_slice %arg6[%dma_start3A_75, %dma_start3A_80] : memref<80x128xi32, #tpu.memory_space<vmem>> -> memref<1x128xi32, #tpu.memory_space<vmem>>
    %dma_start3A_82 = tpu.memref_squeeze %dma_start3A_81 : memref<1x128xi32, #tpu.memory_space<vmem>> -> memref<128xi32, #tpu.memory_space<vmem>>
    %dma_start3A_83 = arith.constant 0 : i32
    %dma_start3A_84 = arith.constant 0 : i32
    %dma_start3A_85 = tpu.memref_slice %arg8[%dma_start3A_83, %dma_start3A_84] : memref<10240x128xf32, #tpu.memory_space<vmem_shared>> -> memref<10240x128xf32, #tpu.memory_space<vmem_shared>>
    tpu.enqueue_indirect_dma source(%dma_start3A_79 : memref<128x128xf32, #tpu.memory_space<vmem>>) target(%dma_start3A_85 : memref<10240x128xf32, #tpu.memory_space<vmem_shared>>) offsets(%dma_start3A_82 : memref<128xi32, #tpu.memory_space<vmem>>) semaphore(%arg12 : memref<!tpu.dma_semaphore, #tpu.memory_space<semaphore_mem>>) {add = true}
    %dma_wait3A_86 = arith.constant 0 : i32
    %dma_wait3A_87 = arith.constant 77 : i32
    %dma_wait3A_88 = arith.constant 0 : i32
    %dma_wait3A_89 = arith.constant 0 : i32
    %dma_wait3A_90 = tpu.memref_slice %arg7[%dma_wait3A_86, %dma_wait3A_88, %dma_wait3A_89] : memref<2x128x128xf32, #tpu.memory_space<vmem>> -> memref<1x128x128xf32, #tpu.memory_space<vmem>>
    %dma_wait3A_91 = tpu.memref_squeeze %dma_wait3A_90 : memref<1x128x128xf32, #tpu.memory_space<vmem>> -> memref<128x128xf32, #tpu.memory_space<vmem>>
    %dma_wait3A_92 = arith.constant 0 : i32
    %dma_wait3A_93 = tpu.memref_slice %arg6[%dma_wait3A_87, %dma_wait3A_92] : memref<80x128xi32, #tpu.memory_space<vmem>> -> memref<1x128xi32, #tpu.memory_space<vmem>>
    %dma_wait3A_94 = tpu.memref_squeeze %dma_wait3A_93 : memref<1x128xi32, #tpu.memory_space<vmem>> -> memref<128xi32, #tpu.memory_space<vmem>>
    %dma_wait3A_95 = arith.constant 0 : i32
    %dma_wait3A_96 = arith.constant 0 : i32
    %dma_wait3A_97 = tpu.memref_slice %arg8[%dma_wait3A_95, %dma_wait3A_96] : memref<10240x128xf32, #tpu.memory_space<vmem_shared>> -> memref<10240x128xf32, #tpu.memory_space<vmem_shared>>
    tpu.wait_indirect_dma semaphore(%arg11 : memref<!tpu.dma_semaphore, #tpu.memory_space<semaphore_mem>>) src(%dma_wait3A_91 : memref<128x128xf32, #tpu.memory_space<vmem>>) dst(%dma_wait3A_97 : memref<10240x128xf32, #tpu.memory_space<vmem_shared>>)
    %dma_wait3A_98 = arith.constant 1 : i32
    %dma_wait3A_99 = arith.constant 79 : i32
    %dma_wait3A_100 = arith.constant 0 : i32
    %dma_wait3A_101 = arith.constant 0 : i32
    %dma_wait3A_102 = tpu.memref_slice %arg7[%dma_wait3A_98, %dma_wait3A_100, %dma_wait3A_101] : memref<2x128x128xf32, #tpu.memory_space<vmem>> -> memref<1x128x128xf32, #tpu.memory_space<vmem>>
    %dma_wait3A_103 = tpu.memref_squeeze %dma_wait3A_102 : memref<1x128x128xf32, #tpu.memory_space<vmem>> -> memref<128x128xf32, #tpu.memory_space<vmem>>
    %dma_wait3A_104 = arith.constant 0 : i32
    %dma_wait3A_105 = tpu.memref_slice %arg6[%dma_wait3A_99, %dma_wait3A_104] : memref<80x128xi32, #tpu.memory_space<vmem>> -> memref<1x128xi32, #tpu.memory_space<vmem>>
    %dma_wait3A_106 = tpu.memref_squeeze %dma_wait3A_105 : memref<1x128xi32, #tpu.memory_space<vmem>> -> memref<128xi32, #tpu.memory_space<vmem>>
    %dma_wait3A_107 = arith.constant 0 : i32
    %dma_wait3A_108 = arith.constant 0 : i32
    %dma_wait3A_109 = tpu.memref_slice %arg8[%dma_wait3A_107, %dma_wait3A_108] : memref<10240x128xf32, #tpu.memory_space<vmem_shared>> -> memref<10240x128xf32, #tpu.memory_space<vmem_shared>>
    tpu.wait_indirect_dma semaphore(%arg12 : memref<!tpu.dma_semaphore, #tpu.memory_space<semaphore_mem>>) src(%dma_wait3A_103 : memref<128x128xf32, #tpu.memory_space<vmem>>) dst(%dma_wait3A_109 : memref<10240x128xf32, #tpu.memory_space<vmem_shared>>)
    %run_scoped3A_110 = arith.constant 1 : i32
    "tpu.region"() ({
      %run_scoped3A_214 = tpu.sem_alloc : memref<!tpu.dma_semaphore, #tpu.memory_space<semaphore_mem>>
      %dma_start3A_215 = arith.constant 0 : i32
      %dma_start3A_216 = arith.constant 0 : i32
      %dma_start3A_217 = tpu.memref_slice %arg4[%arg0, %arg1, %run_scoped3A_110, %dma_start3A_215, %dma_start3A_216] : memref<2x16x2x80x128xi32, #tpu.memory_space<hbm>> -> memref<1x1x1x80x128xi32, #tpu.memory_space<hbm>>
      %dma_start3A_218 = tpu.memref_squeeze %dma_start3A_217 : memref<1x1x1x80x128xi32, #tpu.memory_space<hbm>> -> memref<80x128xi32, #tpu.memory_space<hbm>>
      %dma_start3A_219 = arith.constant 0 : i32
      %dma_start3A_220 = arith.constant 0 : i32
      %dma_start3A_221 = tpu.memref_slice %arg4[%arg0, %arg1, %run_scoped3A_110, %dma_start3A_219, %dma_start3A_220] : memref<2x16x2x80x128xi32, #tpu.memory_space<hbm>> -> memref<1x1x1x80x128xi32, #tpu.memory_space<hbm>>
      %dma_start3A_222 = tpu.memref_squeeze %dma_start3A_221 : memref<1x1x1x80x128xi32, #tpu.memory_space<hbm>> -> memref<80x128xi32, #tpu.memory_space<hbm>>
      tpu.enqueue_dma source(%dma_start3A_222 : memref<80x128xi32, #tpu.memory_space<hbm>>) target(%arg6 : memref<80x128xi32, #tpu.memory_space<vmem>>) target_semaphore(%run_scoped3A_214 : memref<!tpu.dma_semaphore, #tpu.memory_space<semaphore_mem>>)
      %dma_wait3A_223 = arith.constant 0 : i32
      %dma_wait3A_224 = arith.constant 0 : i32
      %dma_wait3A_225 = tpu.memref_slice %arg4[%arg0, %arg1, %run_scoped3A_110, %dma_wait3A_223, %dma_wait3A_224] : memref<2x16x2x80x128xi32, #tpu.memory_space<hbm>> -> memref<1x1x1x80x128xi32, #tpu.memory_space<hbm>>
      %dma_wait3A_226 = tpu.memref_squeeze %dma_wait3A_225 : memref<1x1x1x80x128xi32, #tpu.memory_space<hbm>> -> memref<80x128xi32, #tpu.memory_space<hbm>>
      %dma_wait3A_227 = arith.constant 0 : i32
      %dma_wait3A_228 = arith.constant 0 : i32
      %dma_wait3A_229 = tpu.memref_slice %arg4[%arg0, %arg1, %run_scoped3A_110, %dma_wait3A_227, %dma_wait3A_228] : memref<2x16x2x80x128xi32, #tpu.memory_space<hbm>> -> memref<1x1x1x80x128xi32, #tpu.memory_space<hbm>>
      %dma_wait3A_230 = tpu.memref_squeeze %dma_wait3A_229 : memref<1x1x1x80x128xi32, #tpu.memory_space<hbm>> -> memref<80x128xi32, #tpu.memory_space<hbm>>
      tpu.wait_dma2 semaphore(%run_scoped3A_214 : memref<!tpu.dma_semaphore, #tpu.memory_space<semaphore_mem>>) src(%dma_wait3A_230 : memref<80x128xi32, #tpu.memory_space<hbm>>) dst(%arg6 : memref<80x128xi32, #tpu.memory_space<vmem>>)
      tpu.yield
    }) : () -> ()
    %dma_start3A_111 = arith.constant 0 : i32
    %dma_start3A_112 = arith.constant 0 : i32
    %dma_start3A_113 = arith.constant 0 : i32
    %dma_start3A_114 = arith.constant 0 : i32
    %dma_start3A_115 = tpu.memref_slice %arg7[%dma_start3A_112, %dma_start3A_113, %dma_start3A_114] : memref<2x128x128xf32, #tpu.memory_space<vmem>> -> memref<1x128x128xf32, #tpu.memory_space<vmem>>
    %dma_start3A_116 = tpu.memref_squeeze %dma_start3A_115 : memref<1x128x128xf32, #tpu.memory_space<vmem>> -> memref<128x128xf32, #tpu.memory_space<vmem>>
    %dma_start3A_117 = arith.constant 0 : i32
    %dma_start3A_118 = tpu.memref_slice %arg6[%dma_start3A_111, %dma_start3A_117] : memref<80x128xi32, #tpu.memory_space<vmem>> -> memref<1x128xi32, #tpu.memory_space<vmem>>
    %dma_start3A_119 = tpu.memref_squeeze %dma_start3A_118 : memref<1x128xi32, #tpu.memory_space<vmem>> -> memref<128xi32, #tpu.memory_space<vmem>>
    %dma_start3A_120 = arith.constant 0 : i32
    %dma_start3A_121 = arith.constant 0 : i32
    %dma_start3A_122 = tpu.memref_slice %arg2[%dma_start3A_120, %dma_start3A_121] : memref<10240x128xf32, #tpu.memory_space<hbm>> -> memref<10240x128xf32, #tpu.memory_space<hbm>>
    tpu.enqueue_indirect_dma source(%dma_start3A_122 : memref<10240x128xf32, #tpu.memory_space<hbm>>) target(%dma_start3A_116 : memref<128x128xf32, #tpu.memory_space<vmem>>) offsets(%dma_start3A_119 : memref<128xi32, #tpu.memory_space<vmem>>) semaphore(%arg9 : memref<!tpu.dma_semaphore, #tpu.memory_space<semaphore_mem>>)
    %dma_start3A_123 = arith.constant 2 : i32
    %dma_start3A_124 = arith.constant 1 : i32
    %dma_start3A_125 = arith.constant 0 : i32
    %dma_start3A_126 = arith.constant 0 : i32
    %dma_start3A_127 = tpu.memref_slice %arg7[%dma_start3A_124, %dma_start3A_125, %dma_start3A_126] : memref<2x128x128xf32, #tpu.memory_space<vmem>> -> memref<1x128x128xf32, #tpu.memory_space<vmem>>
    %dma_start3A_128 = tpu.memref_squeeze %dma_start3A_127 : memref<1x128x128xf32, #tpu.memory_space<vmem>> -> memref<128x128xf32, #tpu.memory_space<vmem>>
    %dma_start3A_129 = arith.constant 0 : i32
    %dma_start3A_130 = tpu.memref_slice %arg6[%dma_start3A_123, %dma_start3A_129] : memref<80x128xi32, #tpu.memory_space<vmem>> -> memref<1x128xi32, #tpu.memory_space<vmem>>
    %dma_start3A_131 = tpu.memref_squeeze %dma_start3A_130 : memref<1x128xi32, #tpu.memory_space<vmem>> -> memref<128xi32, #tpu.memory_space<vmem>>
    %dma_start3A_132 = arith.constant 0 : i32
    %dma_start3A_133 = arith.constant 0 : i32
    %dma_start3A_134 = tpu.memref_slice %arg2[%dma_start3A_132, %dma_start3A_133] : memref<10240x128xf32, #tpu.memory_space<hbm>> -> memref<10240x128xf32, #tpu.memory_space<hbm>>
    tpu.enqueue_indirect_dma source(%dma_start3A_134 : memref<10240x128xf32, #tpu.memory_space<hbm>>) target(%dma_start3A_128 : memref<128x128xf32, #tpu.memory_space<vmem>>) offsets(%dma_start3A_131 : memref<128xi32, #tpu.memory_space<vmem>>) semaphore(%arg10 : memref<!tpu.dma_semaphore, #tpu.memory_space<semaphore_mem>>)
    %scan3A_135 = arith.constant 0 : i32
    %scan3A_136 = arith.constant 0 : i32
    %scan3A_137 = arith.constant 19 : i32
    %scan3A_138 = arith.addi %scan3A_136, %scan3A_137 : i32
    %scan3A_139 = arith.constant 1 : i32
    scf.for %scan3A_214 = %scan3A_136 to %scan3A_138 step %scan3A_139  : i32 {
      %mul3A_215 = arith.constant 2 : i32
      %mul3A_216 = arith.muli %mul3A_215, %scan3A_214 : i32
      %add3A = arith.constant 0 : i32
      %add3A_217 = arith.addi %mul3A_216, %add3A : i32
      %mul3A_218 = arith.constant 2 : i32
      %mul3A_219 = arith.muli %mul3A_218, %add3A_217 : i32
      %dma_wait3A_220 = arith.constant 0 : i32
      %dma_wait3A_221 = arith.constant 0 : i32
      %dma_wait3A_222 = arith.constant 0 : i32
      %dma_wait3A_223 = tpu.memref_slice %arg7[%dma_wait3A_220, %dma_wait3A_221, %dma_wait3A_222] : memref<2x128x128xf32, #tpu.memory_space<vmem>> -> memref<1x128x128xf32, #tpu.memory_space<vmem>>
      %dma_wait3A_224 = tpu.memref_squeeze %dma_wait3A_223 : memref<1x128x128xf32, #tpu.memory_space<vmem>> -> memref<128x128xf32, #tpu.memory_space<vmem>>
      %dma_wait3A_225 = arith.constant 0 : i32
      %dma_wait3A_226 = tpu.memref_slice %arg6[%mul3A_219, %dma_wait3A_225] : memref<80x128xi32, #tpu.memory_space<vmem>> -> memref<1x128xi32, #tpu.memory_space<vmem>>
      %dma_wait3A_227 = tpu.memref_squeeze %dma_wait3A_226 : memref<1x128xi32, #tpu.memory_space<vmem>> -> memref<128xi32, #tpu.memory_space<vmem>>
      %dma_wait3A_228 = arith.constant 0 : i32
      %dma_wait3A_229 = arith.constant 0 : i32
      %dma_wait3A_230 = tpu.memref_slice %arg2[%dma_wait3A_228, %dma_wait3A_229] : memref<10240x128xf32, #tpu.memory_space<hbm>> -> memref<10240x128xf32, #tpu.memory_space<hbm>>
      tpu.wait_indirect_dma semaphore(%arg9 : memref<!tpu.dma_semaphore, #tpu.memory_space<semaphore_mem>>) src(%dma_wait3A_230 : memref<10240x128xf32, #tpu.memory_space<hbm>>) dst(%dma_wait3A_224 : memref<128x128xf32, #tpu.memory_space<vmem>>)
      %mul3A_231 = arith.constant 2 : i32
      %mul3A_232 = arith.muli %mul3A_231, %add3A_217 : i32
      %add3A_233 = arith.constant 1 : i32
      %add3A_234 = arith.addi %mul3A_232, %add3A_233 : i32
      %dma_start3A_235 = arith.constant 0 : i32
      %dma_start3A_236 = arith.constant 0 : i32
      %dma_start3A_237 = arith.constant 0 : i32
      %dma_start3A_238 = tpu.memref_slice %arg7[%dma_start3A_235, %dma_start3A_236, %dma_start3A_237] : memref<2x128x128xf32, #tpu.memory_space<vmem>> -> memref<1x128x128xf32, #tpu.memory_space<vmem>>
      %dma_start3A_239 = tpu.memref_squeeze %dma_start3A_238 : memref<1x128x128xf32, #tpu.memory_space<vmem>> -> memref<128x128xf32, #tpu.memory_space<vmem>>
      %dma_start3A_240 = arith.constant 0 : i32
      %dma_start3A_241 = tpu.memref_slice %arg6[%add3A_234, %dma_start3A_240] : memref<80x128xi32, #tpu.memory_space<vmem>> -> memref<1x128xi32, #tpu.memory_space<vmem>>
      %dma_start3A_242 = tpu.memref_squeeze %dma_start3A_241 : memref<1x128xi32, #tpu.memory_space<vmem>> -> memref<128xi32, #tpu.memory_space<vmem>>
      %dma_start3A_243 = arith.constant 0 : i32
      %dma_start3A_244 = arith.constant 0 : i32
      %dma_start3A_245 = tpu.memref_slice %arg8[%dma_start3A_243, %dma_start3A_244] : memref<10240x128xf32, #tpu.memory_space<vmem_shared>> -> memref<10240x128xf32, #tpu.memory_space<vmem_shared>>
      tpu.enqueue_indirect_dma source(%dma_start3A_239 : memref<128x128xf32, #tpu.memory_space<vmem>>) target(%dma_start3A_245 : memref<10240x128xf32, #tpu.memory_space<vmem_shared>>) offsets(%dma_start3A_242 : memref<128xi32, #tpu.memory_space<vmem>>) semaphore(%arg11 : memref<!tpu.dma_semaphore, #tpu.memory_space<semaphore_mem>>) {add = true}
      %mul3A_246 = arith.constant 2 : i32
      %mul3A_247 = arith.muli %mul3A_246, %scan3A_214 : i32
      %add3A_248 = arith.constant 1 : i32
      %add3A_249 = arith.addi %mul3A_247, %add3A_248 : i32
      %mul3A_250 = arith.constant 2 : i32
      %mul3A_251 = arith.muli %mul3A_250, %add3A_249 : i32
      %dma_wait3A_252 = arith.constant 1 : i32
      %dma_wait3A_253 = arith.constant 0 : i32
      %dma_wait3A_254 = arith.constant 0 : i32
      %dma_wait3A_255 = tpu.memref_slice %arg7[%dma_wait3A_252, %dma_wait3A_253, %dma_wait3A_254] : memref<2x128x128xf32, #tpu.memory_space<vmem>> -> memref<1x128x128xf32, #tpu.memory_space<vmem>>
      %dma_wait3A_256 = tpu.memref_squeeze %dma_wait3A_255 : memref<1x128x128xf32, #tpu.memory_space<vmem>> -> memref<128x128xf32, #tpu.memory_space<vmem>>
      %dma_wait3A_257 = arith.constant 0 : i32
      %dma_wait3A_258 = tpu.memref_slice %arg6[%mul3A_251, %dma_wait3A_257] : memref<80x128xi32, #tpu.memory_space<vmem>> -> memref<1x128xi32, #tpu.memory_space<vmem>>
      %dma_wait3A_259 = tpu.memref_squeeze %dma_wait3A_258 : memref<1x128xi32, #tpu.memory_space<vmem>> -> memref<128xi32, #tpu.memory_space<vmem>>
      %dma_wait3A_260 = arith.constant 0 : i32
      %dma_wait3A_261 = arith.constant 0 : i32
      %dma_wait3A_262 = tpu.memref_slice %arg2[%dma_wait3A_260, %dma_wait3A_261] : memref<10240x128xf32, #tpu.memory_space<hbm>> -> memref<10240x128xf32, #tpu.memory_space<hbm>>
      tpu.wait_indirect_dma semaphore(%arg10 : memref<!tpu.dma_semaphore, #tpu.memory_space<semaphore_mem>>) src(%dma_wait3A_262 : memref<10240x128xf32, #tpu.memory_space<hbm>>) dst(%dma_wait3A_256 : memref<128x128xf32, #tpu.memory_space<vmem>>)
      %mul3A_263 = arith.constant 2 : i32
      %mul3A_264 = arith.muli %mul3A_263, %add3A_249 : i32
      %add3A_265 = arith.constant 1 : i32
      %add3A_266 = arith.addi %mul3A_264, %add3A_265 : i32
      %dma_start3A_267 = arith.constant 1 : i32
      %dma_start3A_268 = arith.constant 0 : i32
      %dma_start3A_269 = arith.constant 0 : i32
      %dma_start3A_270 = tpu.memref_slice %arg7[%dma_start3A_267, %dma_start3A_268, %dma_start3A_269] : memref<2x128x128xf32, #tpu.memory_space<vmem>> -> memref<1x128x128xf32, #tpu.memory_space<vmem>>
      %dma_start3A_271 = tpu.memref_squeeze %dma_start3A_270 : memref<1x128x128xf32, #tpu.memory_space<vmem>> -> memref<128x128xf32, #tpu.memory_space<vmem>>
      %dma_start3A_272 = arith.constant 0 : i32
      %dma_start3A_273 = tpu.memref_slice %arg6[%add3A_266, %dma_start3A_272] : memref<80x128xi32, #tpu.memory_space<vmem>> -> memref<1x128xi32, #tpu.memory_space<vmem>>
      %dma_start3A_274 = tpu.memref_squeeze %dma_start3A_273 : memref<1x128xi32, #tpu.memory_space<vmem>> -> memref<128xi32, #tpu.memory_space<vmem>>
      %dma_start3A_275 = arith.constant 0 : i32
      %dma_start3A_276 = arith.constant 0 : i32
      %dma_start3A_277 = tpu.memref_slice %arg8[%dma_start3A_275, %dma_start3A_276] : memref<10240x128xf32, #tpu.memory_space<vmem_shared>> -> memref<10240x128xf32, #tpu.memory_space<vmem_shared>>
      tpu.enqueue_indirect_dma source(%dma_start3A_271 : memref<128x128xf32, #tpu.memory_space<vmem>>) target(%dma_start3A_277 : memref<10240x128xf32, #tpu.memory_space<vmem_shared>>) offsets(%dma_start3A_274 : memref<128xi32, #tpu.memory_space<vmem>>) semaphore(%arg12 : memref<!tpu.dma_semaphore, #tpu.memory_space<semaphore_mem>>) {add = true}
      %mul3A_278 = arith.constant 2 : i32
      %mul3A_279 = arith.muli %mul3A_278, %scan3A_214 : i32
      %add3A_280 = arith.constant 0 : i32
      %add3A_281 = arith.addi %mul3A_279, %add3A_280 : i32
      %mul3A_282 = arith.constant 2 : i32
      %mul3A_283 = arith.muli %mul3A_282, %add3A_281 : i32
      %add3A_284 = arith.constant 1 : i32
      %add3A_285 = arith.addi %mul3A_283, %add3A_284 : i32
      %dma_wait3A_286 = arith.constant 0 : i32
      %dma_wait3A_287 = arith.constant 0 : i32
      %dma_wait3A_288 = arith.constant 0 : i32
      %dma_wait3A_289 = tpu.memref_slice %arg7[%dma_wait3A_286, %dma_wait3A_287, %dma_wait3A_288] : memref<2x128x128xf32, #tpu.memory_space<vmem>> -> memref<1x128x128xf32, #tpu.memory_space<vmem>>
      %dma_wait3A_290 = tpu.memref_squeeze %dma_wait3A_289 : memref<1x128x128xf32, #tpu.memory_space<vmem>> -> memref<128x128xf32, #tpu.memory_space<vmem>>
      %dma_wait3A_291 = arith.constant 0 : i32
      %dma_wait3A_292 = tpu.memref_slice %arg6[%add3A_285, %dma_wait3A_291] : memref<80x128xi32, #tpu.memory_space<vmem>> -> memref<1x128xi32, #tpu.memory_space<vmem>>
      %dma_wait3A_293 = tpu.memref_squeeze %dma_wait3A_292 : memref<1x128xi32, #tpu.memory_space<vmem>> -> memref<128xi32, #tpu.memory_space<vmem>>
      %dma_wait3A_294 = arith.constant 0 : i32
      %dma_wait3A_295 = arith.constant 0 : i32
      %dma_wait3A_296 = tpu.memref_slice %arg8[%dma_wait3A_294, %dma_wait3A_295] : memref<10240x128xf32, #tpu.memory_space<vmem_shared>> -> memref<10240x128xf32, #tpu.memory_space<vmem_shared>>
      tpu.wait_indirect_dma semaphore(%arg11 : memref<!tpu.dma_semaphore, #tpu.memory_space<semaphore_mem>>) src(%dma_wait3A_290 : memref<128x128xf32, #tpu.memory_space<vmem>>) dst(%dma_wait3A_296 : memref<10240x128xf32, #tpu.memory_space<vmem_shared>>)
      %add3A_297 = arith.constant 2 : i32
      %add3A_298 = arith.addi %add3A_281, %add3A_297 : i32
      %mul3A_299 = arith.constant 2 : i32
      %mul3A_300 = arith.muli %mul3A_299, %add3A_298 : i32
      %dma_start3A_301 = arith.constant 0 : i32
      %dma_start3A_302 = arith.constant 0 : i32
      %dma_start3A_303 = arith.constant 0 : i32
      %dma_start3A_304 = tpu.memref_slice %arg7[%dma_start3A_301, %dma_start3A_302, %dma_start3A_303] : memref<2x128x128xf32, #tpu.memory_space<vmem>> -> memref<1x128x128xf32, #tpu.memory_space<vmem>>
      %dma_start3A_305 = tpu.memref_squeeze %dma_start3A_304 : memref<1x128x128xf32, #tpu.memory_space<vmem>> -> memref<128x128xf32, #tpu.memory_space<vmem>>
      %dma_start3A_306 = arith.constant 0 : i32
      %dma_start3A_307 = tpu.memref_slice %arg6[%mul3A_300, %dma_start3A_306] : memref<80x128xi32, #tpu.memory_space<vmem>> -> memref<1x128xi32, #tpu.memory_space<vmem>>
      %dma_start3A_308 = tpu.memref_squeeze %dma_start3A_307 : memref<1x128xi32, #tpu.memory_space<vmem>> -> memref<128xi32, #tpu.memory_space<vmem>>
      %dma_start3A_309 = arith.constant 0 : i32
      %dma_start3A_310 = arith.constant 0 : i32
      %dma_start3A_311 = tpu.memref_slice %arg2[%dma_start3A_309, %dma_start3A_310] : memref<10240x128xf32, #tpu.memory_space<hbm>> -> memref<10240x128xf32, #tpu.memory_space<hbm>>
      tpu.enqueue_indirect_dma source(%dma_start3A_311 : memref<10240x128xf32, #tpu.memory_space<hbm>>) target(%dma_start3A_305 : memref<128x128xf32, #tpu.memory_space<vmem>>) offsets(%dma_start3A_308 : memref<128xi32, #tpu.memory_space<vmem>>) semaphore(%arg9 : memref<!tpu.dma_semaphore, #tpu.memory_space<semaphore_mem>>)
      %mul3A_312 = arith.constant 2 : i32
      %mul3A_313 = arith.muli %mul3A_312, %scan3A_214 : i32
      %add3A_314 = arith.constant 1 : i32
      %add3A_315 = arith.addi %mul3A_313, %add3A_314 : i32
      %mul3A_316 = arith.constant 2 : i32
      %mul3A_317 = arith.muli %mul3A_316, %add3A_315 : i32
      %add3A_318 = arith.constant 1 : i32
      %add3A_319 = arith.addi %mul3A_317, %add3A_318 : i32
      %dma_wait3A_320 = arith.constant 1 : i32
      %dma_wait3A_321 = arith.constant 0 : i32
      %dma_wait3A_322 = arith.constant 0 : i32
      %dma_wait3A_323 = tpu.memref_slice %arg7[%dma_wait3A_320, %dma_wait3A_321, %dma_wait3A_322] : memref<2x128x128xf32, #tpu.memory_space<vmem>> -> memref<1x128x128xf32, #tpu.memory_space<vmem>>
      %dma_wait3A_324 = tpu.memref_squeeze %dma_wait3A_323 : memref<1x128x128xf32, #tpu.memory_space<vmem>> -> memref<128x128xf32, #tpu.memory_space<vmem>>
      %dma_wait3A_325 = arith.constant 0 : i32
      %dma_wait3A_326 = tpu.memref_slice %arg6[%add3A_319, %dma_wait3A_325] : memref<80x128xi32, #tpu.memory_space<vmem>> -> memref<1x128xi32, #tpu.memory_space<vmem>>
      %dma_wait3A_327 = tpu.memref_squeeze %dma_wait3A_326 : memref<1x128xi32, #tpu.memory_space<vmem>> -> memref<128xi32, #tpu.memory_space<vmem>>
      %dma_wait3A_328 = arith.constant 0 : i32
      %dma_wait3A_329 = arith.constant 0 : i32
      %dma_wait3A_330 = tpu.memref_slice %arg8[%dma_wait3A_328, %dma_wait3A_329] : memref<10240x128xf32, #tpu.memory_space<vmem_shared>> -> memref<10240x128xf32, #tpu.memory_space<vmem_shared>>
      tpu.wait_indirect_dma semaphore(%arg12 : memref<!tpu.dma_semaphore, #tpu.memory_space<semaphore_mem>>) src(%dma_wait3A_324 : memref<128x128xf32, #tpu.memory_space<vmem>>) dst(%dma_wait3A_330 : memref<10240x128xf32, #tpu.memory_space<vmem_shared>>)
      %add3A_331 = arith.constant 2 : i32
      %add3A_332 = arith.addi %add3A_315, %add3A_331 : i32
      %mul3A_333 = arith.constant 2 : i32
      %mul3A_334 = arith.muli %mul3A_333, %add3A_332 : i32
      %dma_start3A_335 = arith.constant 1 : i32
      %dma_start3A_336 = arith.constant 0 : i32
      %dma_start3A_337 = arith.constant 0 : i32
      %dma_start3A_338 = tpu.memref_slice %arg7[%dma_start3A_335, %dma_start3A_336, %dma_start3A_337] : memref<2x128x128xf32, #tpu.memory_space<vmem>> -> memref<1x128x128xf32, #tpu.memory_space<vmem>>
      %dma_start3A_339 = tpu.memref_squeeze %dma_start3A_338 : memref<1x128x128xf32, #tpu.memory_space<vmem>> -> memref<128x128xf32, #tpu.memory_space<vmem>>
      %dma_start3A_340 = arith.constant 0 : i32
      %dma_start3A_341 = tpu.memref_slice %arg6[%mul3A_334, %dma_start3A_340] : memref<80x128xi32, #tpu.memory_space<vmem>> -> memref<1x128xi32, #tpu.memory_space<vmem>>
      %dma_start3A_342 = tpu.memref_squeeze %dma_start3A_341 : memref<1x128xi32, #tpu.memory_space<vmem>> -> memref<128xi32, #tpu.memory_space<vmem>>
      %dma_start3A_343 = arith.constant 0 : i32
      %dma_start3A_344 = arith.constant 0 : i32
      %dma_start3A_345 = tpu.memref_slice %arg2[%dma_start3A_343, %dma_start3A_344] : memref<10240x128xf32, #tpu.memory_space<hbm>> -> memref<10240x128xf32, #tpu.memory_space<hbm>>
      tpu.enqueue_indirect_dma source(%dma_start3A_345 : memref<10240x128xf32, #tpu.memory_space<hbm>>) target(%dma_start3A_339 : memref<128x128xf32, #tpu.memory_space<vmem>>) offsets(%dma_start3A_342 : memref<128xi32, #tpu.memory_space<vmem>>) semaphore(%arg10 : memref<!tpu.dma_semaphore, #tpu.memory_space<semaphore_mem>>)
    }
    %scan3A_140 = arith.constant 19 : i32
    %dma_wait3A_141 = arith.constant 76 : i32
    %dma_wait3A_142 = arith.constant 0 : i32
    %dma_wait3A_143 = arith.constant 0 : i32
    %dma_wait3A_144 = arith.constant 0 : i32
    %dma_wait3A_145 = tpu.memref_slice %arg7[%dma_wait3A_142, %dma_wait3A_143, %dma_wait3A_144] : memref<2x128x128xf32, #tpu.memory_space<vmem>> -> memref<1x128x128xf32, #tpu.memory_space<vmem>>
    %dma_wait3A_146 = tpu.memref_squeeze %dma_wait3A_145 : memref<1x128x128xf32, #tpu.memory_space<vmem>> -> memref<128x128xf32, #tpu.memory_space<vmem>>
    %dma_wait3A_147 = arith.constant 0 : i32
    %dma_wait3A_148 = tpu.memref_slice %arg6[%dma_wait3A_141, %dma_wait3A_147] : memref<80x128xi32, #tpu.memory_space<vmem>> -> memref<1x128xi32, #tpu.memory_space<vmem>>
    %dma_wait3A_149 = tpu.memref_squeeze %dma_wait3A_148 : memref<1x128xi32, #tpu.memory_space<vmem>> -> memref<128xi32, #tpu.memory_space<vmem>>
    %dma_wait3A_150 = arith.constant 0 : i32
    %dma_wait3A_151 = arith.constant 0 : i32
    %dma_wait3A_152 = tpu.memref_slice %arg2[%dma_wait3A_150, %dma_wait3A_151] : memref<10240x128xf32, #tpu.memory_space<hbm>> -> memref<10240x128xf32, #tpu.memory_space<hbm>>
    tpu.wait_indirect_dma semaphore(%arg9 : memref<!tpu.dma_semaphore, #tpu.memory_space<semaphore_mem>>) src(%dma_wait3A_152 : memref<10240x128xf32, #tpu.memory_space<hbm>>) dst(%dma_wait3A_146 : memref<128x128xf32, #tpu.memory_space<vmem>>)
    %dma_start3A_153 = arith.constant 0 : i32
    %dma_start3A_154 = arith.constant 77 : i32
    %dma_start3A_155 = arith.constant 0 : i32
    %dma_start3A_156 = arith.constant 0 : i32
    %dma_start3A_157 = tpu.memref_slice %arg7[%dma_start3A_153, %dma_start3A_155, %dma_start3A_156] : memref<2x128x128xf32, #tpu.memory_space<vmem>> -> memref<1x128x128xf32, #tpu.memory_space<vmem>>
    %dma_start3A_158 = tpu.memref_squeeze %dma_start3A_157 : memref<1x128x128xf32, #tpu.memory_space<vmem>> -> memref<128x128xf32, #tpu.memory_space<vmem>>
    %dma_start3A_159 = arith.constant 0 : i32
    %dma_start3A_160 = tpu.memref_slice %arg6[%dma_start3A_154, %dma_start3A_159] : memref<80x128xi32, #tpu.memory_space<vmem>> -> memref<1x128xi32, #tpu.memory_space<vmem>>
    %dma_start3A_161 = tpu.memref_squeeze %dma_start3A_160 : memref<1x128xi32, #tpu.memory_space<vmem>> -> memref<128xi32, #tpu.memory_space<vmem>>
    %dma_start3A_162 = arith.constant 0 : i32
    %dma_start3A_163 = arith.constant 0 : i32
    %dma_start3A_164 = tpu.memref_slice %arg8[%dma_start3A_162, %dma_start3A_163] : memref<10240x128xf32, #tpu.memory_space<vmem_shared>> -> memref<10240x128xf32, #tpu.memory_space<vmem_shared>>
    tpu.enqueue_indirect_dma source(%dma_start3A_158 : memref<128x128xf32, #tpu.memory_space<vmem>>) target(%dma_start3A_164 : memref<10240x128xf32, #tpu.memory_space<vmem_shared>>) offsets(%dma_start3A_161 : memref<128xi32, #tpu.memory_space<vmem>>) semaphore(%arg11 : memref<!tpu.dma_semaphore, #tpu.memory_space<semaphore_mem>>) {add = true}
    %dma_wait3A_165 = arith.constant 78 : i32
    %dma_wait3A_166 = arith.constant 1 : i32
    %dma_wait3A_167 = arith.constant 0 : i32
    %dma_wait3A_168 = arith.constant 0 : i32
    %dma_wait3A_169 = tpu.memref_slice %arg7[%dma_wait3A_166, %dma_wait3A_167, %dma_wait3A_168] : memref<2x128x128xf32, #tpu.memory_space<vmem>> -> memref<1x128x128xf32, #tpu.memory_space<vmem>>
    %dma_wait3A_170 = tpu.memref_squeeze %dma_wait3A_169 : memref<1x128x128xf32, #tpu.memory_space<vmem>> -> memref<128x128xf32, #tpu.memory_space<vmem>>
    %dma_wait3A_171 = arith.constant 0 : i32
    %dma_wait3A_172 = tpu.memref_slice %arg6[%dma_wait3A_165, %dma_wait3A_171] : memref<80x128xi32, #tpu.memory_space<vmem>> -> memref<1x128xi32, #tpu.memory_space<vmem>>
    %dma_wait3A_173 = tpu.memref_squeeze %dma_wait3A_172 : memref<1x128xi32, #tpu.memory_space<vmem>> -> memref<128xi32, #tpu.memory_space<vmem>>
    %dma_wait3A_174 = arith.constant 0 : i32
    %dma_wait3A_175 = arith.constant 0 : i32
    %dma_wait3A_176 = tpu.memref_slice %arg2[%dma_wait3A_174, %dma_wait3A_175] : memref<10240x128xf32, #tpu.memory_space<hbm>> -> memref<10240x128xf32, #tpu.memory_space<hbm>>
    tpu.wait_indirect_dma semaphore(%arg10 : memref<!tpu.dma_semaphore, #tpu.memory_space<semaphore_mem>>) src(%dma_wait3A_176 : memref<10240x128xf32, #tpu.memory_space<hbm>>) dst(%dma_wait3A_170 : memref<128x128xf32, #tpu.memory_space<vmem>>)
    %dma_start3A_177 = arith.constant 1 : i32
    %dma_start3A_178 = arith.constant 79 : i32
    %dma_start3A_179 = arith.constant 0 : i32
    %dma_start3A_180 = arith.constant 0 : i32
    %dma_start3A_181 = tpu.memref_slice %arg7[%dma_start3A_177, %dma_start3A_179, %dma_start3A_180] : memref<2x128x128xf32, #tpu.memory_space<vmem>> -> memref<1x128x128xf32, #tpu.memory_space<vmem>>
    %dma_start3A_182 = tpu.memref_squeeze %dma_start3A_181 : memref<1x128x128xf32, #tpu.memory_space<vmem>> -> memref<128x128xf32, #tpu.memory_space<vmem>>
    %dma_start3A_183 = arith.constant 0 : i32
    %dma_start3A_184 = tpu.memref_slice %arg6[%dma_start3A_178, %dma_start3A_183] : memref<80x128xi32, #tpu.memory_space<vmem>> -> memref<1x128xi32, #tpu.memory_space<vmem>>
    %dma_start3A_185 = tpu.memref_squeeze %dma_start3A_184 : memref<1x128xi32, #tpu.memory_space<vmem>> -> memref<128xi32, #tpu.memory_space<vmem>>
    %dma_start3A_186 = arith.constant 0 : i32
    %dma_start3A_187 = arith.constant 0 : i32
    %dma_start3A_188 = tpu.memref_slice %arg8[%dma_start3A_186, %dma_start3A_187] : memref<10240x128xf32, #tpu.memory_space<vmem_shared>> -> memref<10240x128xf32, #tpu.memory_space<vmem_shared>>
    tpu.enqueue_indirect_dma source(%dma_start3A_182 : memref<128x128xf32, #tpu.memory_space<vmem>>) target(%dma_start3A_188 : memref<10240x128xf32, #tpu.memory_space<vmem_shared>>) offsets(%dma_start3A_185 : memref<128xi32, #tpu.memory_space<vmem>>) semaphore(%arg12 : memref<!tpu.dma_semaphore, #tpu.memory_space<semaphore_mem>>) {add = true}
    %dma_wait3A_189 = arith.constant 0 : i32
    %dma_wait3A_190 = arith.constant 77 : i32
    %dma_wait3A_191 = arith.constant 0 : i32
    %dma_wait3A_192 = arith.constant 0 : i32
    %dma_wait3A_193 = tpu.memref_slice %arg7[%dma_wait3A_189, %dma_wait3A_191, %dma_wait3A_192] : memref<2x128x128xf32, #tpu.memory_space<vmem>> -> memref<1x128x128xf32, #tpu.memory_space<vmem>>
    %dma_wait3A_194 = tpu.memref_squeeze %dma_wait3A_193 : memref<1x128x128xf32, #tpu.memory_space<vmem>> -> memref<128x128xf32, #tpu.memory_space<vmem>>
    %dma_wait3A_195 = arith.constant 0 : i32
    %dma_wait3A_196 = tpu.memref_slice %arg6[%dma_wait3A_190, %dma_wait3A_195] : memref<80x128xi32, #tpu.memory_space<vmem>> -> memref<1x128xi32, #tpu.memory_space<vmem>>
    %dma_wait3A_197 = tpu.memref_squeeze %dma_wait3A_196 : memref<1x128xi32, #tpu.memory_space<vmem>> -> memref<128xi32, #tpu.memory_space<vmem>>
    %dma_wait3A_198 = arith.constant 0 : i32
    %dma_wait3A_199 = arith.constant 0 : i32
    %dma_wait3A_200 = tpu.memref_slice %arg8[%dma_wait3A_198, %dma_wait3A_199] : memref<10240x128xf32, #tpu.memory_space<vmem_shared>> -> memref<10240x128xf32, #tpu.memory_space<vmem_shared>>
    tpu.wait_indirect_dma semaphore(%arg11 : memref<!tpu.dma_semaphore, #tpu.memory_space<semaphore_mem>>) src(%dma_wait3A_194 : memref<128x128xf32, #tpu.memory_space<vmem>>) dst(%dma_wait3A_200 : memref<10240x128xf32, #tpu.memory_space<vmem_shared>>)
    %dma_wait3A_201 = arith.constant 1 : i32
    %dma_wait3A_202 = arith.constant 79 : i32
    %dma_wait3A_203 = arith.constant 0 : i32
    %dma_wait3A_204 = arith.constant 0 : i32
    %dma_wait3A_205 = tpu.memref_slice %arg7[%dma_wait3A_201, %dma_wait3A_203, %dma_wait3A_204] : memref<2x128x128xf32, #tpu.memory_space<vmem>> -> memref<1x128x128xf32, #tpu.memory_space<vmem>>
    %dma_wait3A_206 = tpu.memref_squeeze %dma_wait3A_205 : memref<1x128x128xf32, #tpu.memory_space<vmem>> -> memref<128x128xf32, #tpu.memory_space<vmem>>
    %dma_wait3A_207 = arith.constant 0 : i32
    %dma_wait3A_208 = tpu.memref_slice %arg6[%dma_wait3A_202, %dma_wait3A_207] : memref<80x128xi32, #tpu.memory_space<vmem>> -> memref<1x128xi32, #tpu.memory_space<vmem>>
    %dma_wait3A_209 = tpu.memref_squeeze %dma_wait3A_208 : memref<1x128xi32, #tpu.memory_space<vmem>> -> memref<128xi32, #tpu.memory_space<vmem>>
    %dma_wait3A_210 = arith.constant 0 : i32
    %dma_wait3A_211 = arith.constant 0 : i32
    %dma_wait3A_212 = tpu.memref_slice %arg8[%dma_wait3A_210, %dma_wait3A_211] : memref<10240x128xf32, #tpu.memory_space<vmem_shared>> -> memref<10240x128xf32, #tpu.memory_space<vmem_shared>>
    tpu.wait_indirect_dma semaphore(%arg12 : memref<!tpu.dma_semaphore, #tpu.memory_space<semaphore_mem>>) src(%dma_wait3A_206 : memref<128x128xf32, #tpu.memory_space<vmem>>) dst(%dma_wait3A_212 : memref<10240x128xf32, #tpu.memory_space<vmem_shared>>)
    %barrier3A_213 = arith.constant 0 : index
    tpu.barrier barrier_id(%barrier3A_213)
    "tpu.region"() ({
      %run_scoped3A_214 = tpu.sem_alloc : memref<!tpu.dma_semaphore, #tpu.memory_space<semaphore_mem>>
      %dma_start3A_215 = arith.constant 0 : i32
      %dma_start3A_216 = tpu.memref_slice %arg5[%arg0, %mul3A_0, %dma_start3A_215] : memref<2x10240x128xf32, #tpu.memory_space<hbm>> -> memref<1x640x128xf32, #tpu.memory_space<hbm>>
      %dma_start3A_217 = tpu.memref_squeeze %dma_start3A_216 : memref<1x640x128xf32, #tpu.memory_space<hbm>> -> memref<640x128xf32, #tpu.memory_space<hbm>>
      %dma_start3A_218 = arith.constant 0 : i32
      %dma_start3A_219 = tpu.memref_slice %arg8[%mul3A_0, %dma_start3A_218] : memref<10240x128xf32, #tpu.memory_space<vmem_shared>> -> memref<640x128xf32, #tpu.memory_space<vmem_shared>>
      tpu.enqueue_dma source(%dma_start3A_219 : memref<640x128xf32, #tpu.memory_space<vmem_shared>>) target(%dma_start3A_217 : memref<640x128xf32, #tpu.memory_space<hbm>>) target_semaphore(%run_scoped3A_214 : memref<!tpu.dma_semaphore, #tpu.memory_space<semaphore_mem>>)
      %dma_wait3A_220 = arith.constant 0 : i32
      %dma_wait3A_221 = tpu.memref_slice %arg5[%arg0, %mul3A_0, %dma_wait3A_220] : memref<2x10240x128xf32, #tpu.memory_space<hbm>> -> memref<1x640x128xf32, #tpu.memory_space<hbm>>
      %dma_wait3A_222 = tpu.memref_squeeze %dma_wait3A_221 : memref<1x640x128xf32, #tpu.memory_space<hbm>> -> memref<640x128xf32, #tpu.memory_space<hbm>>
      %dma_wait3A_223 = arith.constant 0 : i32
      %dma_wait3A_224 = tpu.memref_slice %arg8[%mul3A_0, %dma_wait3A_223] : memref<10240x128xf32, #tpu.memory_space<vmem_shared>> -> memref<640x128xf32, #tpu.memory_space<vmem_shared>>
      tpu.wait_dma2 semaphore(%run_scoped3A_214 : memref<!tpu.dma_semaphore, #tpu.memory_space<semaphore_mem>>) src(%dma_wait3A_224 : memref<640x128xf32, #tpu.memory_space<vmem_shared>>) dst(%dma_wait3A_222 : memref<640x128xf32, #tpu.memory_space<hbm>>)
      tpu.yield
    }) : () -> ()
    return
  }
}

#map = affine_map<(d0, d1) -> (0, 0)>
#map1 = affine_map<(d0, d1) -> (0, 0, 0, 0, 0)>
#map2 = affine_map<(d0, d1) -> (0, 0, 0)>
module attributes {stable_mosaic.version = 14 : i64} {
  func.func @agg_kernel(%arg0: i32, %arg1: i32, %arg2: memref<10240x128xf32, #tpu.memory_space<hbm>>, %arg3: memref<10240x128xf32, #tpu.memory_space<hbm>>, %arg4: memref<2x16x2x80x128xi32, #tpu.memory_space<hbm>>, %arg5: memref<2x10240x128xf32, #tpu.memory_space<hbm>>, %arg6: memref<80x128xi32, #tpu.memory_space<vmem>>, %arg7: memref<2x128x128xf32, #tpu.memory_space<vmem>>, %arg8: memref<10240x128xf32, #tpu.memory_space<vmem_shared>>, %arg9: memref<!tpu.dma_semaphore, #tpu.memory_space<semaphore_mem>>, %arg10: memref<!tpu.dma_semaphore, #tpu.memory_space<semaphore_mem>>, %arg11: memref<!tpu.dma_semaphore, #tpu.memory_space<semaphore_mem>>, %arg12: memref<!tpu.dma_semaphore, #tpu.memory_space<semaphore_mem>>, %arg13: memref<!tpu.dma_semaphore, #tpu.memory_space<semaphore_mem>>) attributes {dimension_semantics = [#tpu.dimension_semantics<core_parallel>, #tpu.dimension_semantics<subcore_parallel>], iteration_bounds = array<i64: 2, 16>, scalar_prefetch = 0 : i64, scratch_operands = 8 : i64, tpu.core_type = #tpu.core_type<sc_vector_subcore>, window_params = [{transform_indices = #map}, {transform_indices = #map}, {transform_indices = #map1}, {transform_indices = #map2}]} {
    %mul3A = arith.constant 640 : i32
    %mul3A_0 = arith.muli %arg1, %mul3A : i32
    %run_scoped3A = arith.constant 0 : i32
    "tpu.region"() ({
      %run_scoped3A_214 = tpu.sem_alloc : memref<!tpu.dma_semaphore, #tpu.memory_space<semaphore_mem>>
      %dma_start3A_215 = arith.constant 0 : i32
      %dma_start3A_216 = arith.constant 0 : i32
      %dma_start3A_217 = tpu.memref_slice %arg4[%arg0, %arg1, %run_scoped3A, %dma_start3A_215, %dma_start3A_216] : memref<2x16x2x80x128xi32, #tpu.memory_space<hbm>> -> memref<1x1x1x80x128xi32, #tpu.memory_space<hbm>>
      %dma_start3A_218 = tpu.memref_squeeze %dma_start3A_217 : memref<1x1x1x80x128xi32, #tpu.memory_space<hbm>> -> memref<80x128xi32, #tpu.memory_space<hbm>>
      %dma_start3A_219 = arith.constant 0 : i32
      %dma_start3A_220 = arith.constant 0 : i32
      %dma_start3A_221 = tpu.memref_slice %arg4[%arg0, %arg1, %run_scoped3A, %dma_start3A_219, %dma_start3A_220] : memref<2x16x2x80x128xi32, #tpu.memory_space<hbm>> -> memref<1x1x1x80x128xi32, #tpu.memory_space<hbm>>
      %dma_start3A_222 = tpu.memref_squeeze %dma_start3A_221 : memref<1x1x1x80x128xi32, #tpu.memory_space<hbm>> -> memref<80x128xi32, #tpu.memory_space<hbm>>
      tpu.enqueue_dma source(%dma_start3A_222 : memref<80x128xi32, #tpu.memory_space<hbm>>) target(%arg6 : memref<80x128xi32, #tpu.memory_space<vmem>>) target_semaphore(%run_scoped3A_214 : memref<!tpu.dma_semaphore, #tpu.memory_space<semaphore_mem>>)
      %dma_wait3A_223 = arith.constant 0 : i32
      %dma_wait3A_224 = arith.constant 0 : i32
      %dma_wait3A_225 = tpu.memref_slice %arg4[%arg0, %arg1, %run_scoped3A, %dma_wait3A_223, %dma_wait3A_224] : memref<2x16x2x80x128xi32, #tpu.memory_space<hbm>> -> memref<1x1x1x80x128xi32, #tpu.memory_space<hbm>>
      %dma_wait3A_226 = tpu.memref_squeeze %dma_wait3A_225 : memref<1x1x1x80x128xi32, #tpu.memory_space<hbm>> -> memref<80x128xi32, #tpu.memory_space<hbm>>
      %dma_wait3A_227 = arith.constant 0 : i32
      %dma_wait3A_228 = arith.constant 0 : i32
      %dma_wait3A_229 = tpu.memref_slice %arg4[%arg0, %arg1, %run_scoped3A, %dma_wait3A_227, %dma_wait3A_228] : memref<2x16x2x80x128xi32, #tpu.memory_space<hbm>> -> memref<1x1x1x80x128xi32, #tpu.memory_space<hbm>>
      %dma_wait3A_230 = tpu.memref_squeeze %dma_wait3A_229 : memref<1x1x1x80x128xi32, #tpu.memory_space<hbm>> -> memref<80x128xi32, #tpu.memory_space<hbm>>
      tpu.wait_dma2 semaphore(%run_scoped3A_214 : memref<!tpu.dma_semaphore, #tpu.memory_space<semaphore_mem>>) src(%dma_wait3A_230 : memref<80x128xi32, #tpu.memory_space<hbm>>) dst(%arg6 : memref<80x128xi32, #tpu.memory_space<vmem>>)
      tpu.yield
    }) : () -> ()
    %eq3A = arith.constant 0 : i32
    %eq3A_1 = arith.cmpi eq, %arg0, %eq3A : i32
    %convert_element_type3A = arith.extui %eq3A_1 : i1 to i32
    %cond3A = arith.constant 0 : i32
    %cond3A_2 = arith.cmpi ne, %convert_element_type3A, %cond3A : i32
    scf.if %cond3A_2 {
      %dma_start3A_214 = arith.constant 0 : i32
      %dma_start3A_215 = tpu.memref_slice %arg8[%mul3A_0, %dma_start3A_214] : memref<10240x128xf32, #tpu.memory_space<vmem_shared>> -> memref<640x128xf32, #tpu.memory_space<vmem_shared>>
      %dma_start3A_216 = arith.constant 0 : i32
      %dma_start3A_217 = tpu.memref_slice %arg2[%mul3A_0, %dma_start3A_216] : memref<10240x128xf32, #tpu.memory_space<hbm>> -> memref<640x128xf32, #tpu.memory_space<hbm>>
      tpu.enqueue_dma source(%dma_start3A_217 : memref<640x128xf32, #tpu.memory_space<hbm>>) target(%dma_start3A_215 : memref<640x128xf32, #tpu.memory_space<vmem_shared>>) target_semaphore(%arg13 : memref<!tpu.dma_semaphore, #tpu.memory_space<semaphore_mem>>)
    } else {
    }
    %ne3A = arith.constant 0 : i32
    %ne3A_3 = arith.cmpi ne, %arg0, %ne3A : i32
    %convert_element_type3A_4 = arith.extui %ne3A_3 : i1 to i32
    %cond3A_5 = arith.constant 0 : i32
    %cond3A_6 = arith.cmpi ne, %convert_element_type3A_4, %cond3A_5 : i32
    scf.if %cond3A_6 {
      %dma_start3A_214 = arith.constant 0 : i32
      %dma_start3A_215 = tpu.memref_slice %arg8[%mul3A_0, %dma_start3A_214] : memref<10240x128xf32, #tpu.memory_space<vmem_shared>> -> memref<640x128xf32, #tpu.memory_space<vmem_shared>>
      %dma_start3A_216 = arith.constant 0 : i32
      %dma_start3A_217 = tpu.memref_slice %arg3[%mul3A_0, %dma_start3A_216] : memref<10240x128xf32, #tpu.memory_space<hbm>> -> memref<640x128xf32, #tpu.memory_space<hbm>>
      tpu.enqueue_dma source(%dma_start3A_217 : memref<640x128xf32, #tpu.memory_space<hbm>>) target(%dma_start3A_215 : memref<640x128xf32, #tpu.memory_space<vmem_shared>>) target_semaphore(%arg13 : memref<!tpu.dma_semaphore, #tpu.memory_space<semaphore_mem>>)
    } else {
    }
    %dma_wait3A = arith.constant 0 : i32
    %dma_wait3A_7 = tpu.memref_slice %arg8[%mul3A_0, %dma_wait3A] : memref<10240x128xf32, #tpu.memory_space<vmem_shared>> -> memref<640x128xf32, #tpu.memory_space<vmem_shared>>
    %dma_wait3A_8 = arith.constant 0 : i32
    %dma_wait3A_9 = tpu.memref_slice %arg3[%mul3A_0, %dma_wait3A_8] : memref<10240x128xf32, #tpu.memory_space<hbm>> -> memref<640x128xf32, #tpu.memory_space<hbm>>
    tpu.wait_dma2 semaphore(%arg13 : memref<!tpu.dma_semaphore, #tpu.memory_space<semaphore_mem>>) src(%dma_wait3A_9 : memref<640x128xf32, #tpu.memory_space<hbm>>) dst(%dma_wait3A_7 : memref<640x128xf32, #tpu.memory_space<vmem_shared>>)
    %barrier3A = arith.constant 0 : index
    tpu.barrier barrier_id(%barrier3A)
    %dma_start3A = arith.constant 0 : i32
    %dma_start3A_10 = arith.constant 0 : i32
    %dma_start3A_11 = arith.constant 0 : i32
    %dma_start3A_12 = arith.constant 0 : i32
    %dma_start3A_13 = tpu.memref_slice %arg7[%dma_start3A_10, %dma_start3A_11, %dma_start3A_12] : memref<2x128x128xf32, #tpu.memory_space<vmem>> -> memref<1x128x128xf32, #tpu.memory_space<vmem>>
    %dma_start3A_14 = tpu.memref_squeeze %dma_start3A_13 : memref<1x128x128xf32, #tpu.memory_space<vmem>> -> memref<128x128xf32, #tpu.memory_space<vmem>>
    %dma_start3A_15 = arith.constant 0 : i32
    %dma_start3A_16 = tpu.memref_slice %arg6[%dma_start3A, %dma_start3A_15] : memref<80x128xi32, #tpu.memory_space<vmem>> -> memref<1x128xi32, #tpu.memory_space<vmem>>
    %dma_start3A_17 = tpu.memref_squeeze %dma_start3A_16 : memref<1x128xi32, #tpu.memory_space<vmem>> -> memref<128xi32, #tpu.memory_space<vmem>>
    %dma_start3A_18 = arith.constant 0 : i32
    %dma_start3A_19 = arith.constant 0 : i32
    %dma_start3A_20 = tpu.memref_slice %arg2[%dma_start3A_18, %dma_start3A_19] : memref<10240x128xf32, #tpu.memory_space<hbm>> -> memref<10240x128xf32, #tpu.memory_space<hbm>>
    tpu.enqueue_indirect_dma source(%dma_start3A_20 : memref<10240x128xf32, #tpu.memory_space<hbm>>) target(%dma_start3A_14 : memref<128x128xf32, #tpu.memory_space<vmem>>) offsets(%dma_start3A_17 : memref<128xi32, #tpu.memory_space<vmem>>) semaphore(%arg9 : memref<!tpu.dma_semaphore, #tpu.memory_space<semaphore_mem>>)
    %dma_start3A_21 = arith.constant 2 : i32
    %dma_start3A_22 = arith.constant 1 : i32
    %dma_start3A_23 = arith.constant 0 : i32
    %dma_start3A_24 = arith.constant 0 : i32
    %dma_start3A_25 = tpu.memref_slice %arg7[%dma_start3A_22, %dma_start3A_23, %dma_start3A_24] : memref<2x128x128xf32, #tpu.memory_space<vmem>> -> memref<1x128x128xf32, #tpu.memory_space<vmem>>
    %dma_start3A_26 = tpu.memref_squeeze %dma_start3A_25 : memref<1x128x128xf32, #tpu.memory_space<vmem>> -> memref<128x128xf32, #tpu.memory_space<vmem>>
    %dma_start3A_27 = arith.constant 0 : i32
    %dma_start3A_28 = tpu.memref_slice %arg6[%dma_start3A_21, %dma_start3A_27] : memref<80x128xi32, #tpu.memory_space<vmem>> -> memref<1x128xi32, #tpu.memory_space<vmem>>
    %dma_start3A_29 = tpu.memref_squeeze %dma_start3A_28 : memref<1x128xi32, #tpu.memory_space<vmem>> -> memref<128xi32, #tpu.memory_space<vmem>>
    %dma_start3A_30 = arith.constant 0 : i32
    %dma_start3A_31 = arith.constant 0 : i32
    %dma_start3A_32 = tpu.memref_slice %arg2[%dma_start3A_30, %dma_start3A_31] : memref<10240x128xf32, #tpu.memory_space<hbm>> -> memref<10240x128xf32, #tpu.memory_space<hbm>>
    tpu.enqueue_indirect_dma source(%dma_start3A_32 : memref<10240x128xf32, #tpu.memory_space<hbm>>) target(%dma_start3A_26 : memref<128x128xf32, #tpu.memory_space<vmem>>) offsets(%dma_start3A_29 : memref<128xi32, #tpu.memory_space<vmem>>) semaphore(%arg10 : memref<!tpu.dma_semaphore, #tpu.memory_space<semaphore_mem>>)
    %scan3A = arith.constant 0 : i32
    %scan3A_33 = arith.constant 0 : i32
    %scan3A_34 = arith.constant 19 : i32
    %scan3A_35 = arith.addi %scan3A_33, %scan3A_34 : i32
    %scan3A_36 = arith.constant 1 : i32
    scf.for %scan3A_214 = %scan3A_33 to %scan3A_35 step %scan3A_36  : i32 {
      %mul3A_215 = arith.constant 2 : i32
      %mul3A_216 = arith.muli %mul3A_215, %scan3A_214 : i32
      %add3A = arith.constant 0 : i32
      %add3A_217 = arith.addi %mul3A_216, %add3A : i32
      %mul3A_218 = arith.constant 2 : i32
      %mul3A_219 = arith.muli %mul3A_218, %add3A_217 : i32
      %dma_wait3A_220 = arith.constant 0 : i32
      %dma_wait3A_221 = arith.constant 0 : i32
      %dma_wait3A_222 = arith.constant 0 : i32
      %dma_wait3A_223 = tpu.memref_slice %arg7[%dma_wait3A_220, %dma_wait3A_221, %dma_wait3A_222] : memref<2x128x128xf32, #tpu.memory_space<vmem>> -> memref<1x128x128xf32, #tpu.memory_space<vmem>>
      %dma_wait3A_224 = tpu.memref_squeeze %dma_wait3A_223 : memref<1x128x128xf32, #tpu.memory_space<vmem>> -> memref<128x128xf32, #tpu.memory_space<vmem>>
      %dma_wait3A_225 = arith.constant 0 : i32
      %dma_wait3A_226 = tpu.memref_slice %arg6[%mul3A_219, %dma_wait3A_225] : memref<80x128xi32, #tpu.memory_space<vmem>> -> memref<1x128xi32, #tpu.memory_space<vmem>>
      %dma_wait3A_227 = tpu.memref_squeeze %dma_wait3A_226 : memref<1x128xi32, #tpu.memory_space<vmem>> -> memref<128xi32, #tpu.memory_space<vmem>>
      %dma_wait3A_228 = arith.constant 0 : i32
      %dma_wait3A_229 = arith.constant 0 : i32
      %dma_wait3A_230 = tpu.memref_slice %arg2[%dma_wait3A_228, %dma_wait3A_229] : memref<10240x128xf32, #tpu.memory_space<hbm>> -> memref<10240x128xf32, #tpu.memory_space<hbm>>
      tpu.wait_indirect_dma semaphore(%arg9 : memref<!tpu.dma_semaphore, #tpu.memory_space<semaphore_mem>>) src(%dma_wait3A_230 : memref<10240x128xf32, #tpu.memory_space<hbm>>) dst(%dma_wait3A_224 : memref<128x128xf32, #tpu.memory_space<vmem>>)
      %mul3A_231 = arith.constant 2 : i32
      %mul3A_232 = arith.muli %mul3A_231, %add3A_217 : i32
      %add3A_233 = arith.constant 1 : i32
      %add3A_234 = arith.addi %mul3A_232, %add3A_233 : i32
      %dma_start3A_235 = arith.constant 0 : i32
      %dma_start3A_236 = arith.constant 0 : i32
      %dma_start3A_237 = arith.constant 0 : i32
      %dma_start3A_238 = tpu.memref_slice %arg7[%dma_start3A_235, %dma_start3A_236, %dma_start3A_237] : memref<2x128x128xf32, #tpu.memory_space<vmem>> -> memref<1x128x128xf32, #tpu.memory_space<vmem>>
      %dma_start3A_239 = tpu.memref_squeeze %dma_start3A_238 : memref<1x128x128xf32, #tpu.memory_space<vmem>> -> memref<128x128xf32, #tpu.memory_space<vmem>>
      %dma_start3A_240 = arith.constant 0 : i32
      %dma_start3A_241 = tpu.memref_slice %arg6[%add3A_234, %dma_start3A_240] : memref<80x128xi32, #tpu.memory_space<vmem>> -> memref<1x128xi32, #tpu.memory_space<vmem>>
      %dma_start3A_242 = tpu.memref_squeeze %dma_start3A_241 : memref<1x128xi32, #tpu.memory_space<vmem>> -> memref<128xi32, #tpu.memory_space<vmem>>
      %dma_start3A_243 = arith.constant 0 : i32
      %dma_start3A_244 = arith.constant 0 : i32
      %dma_start3A_245 = tpu.memref_slice %arg8[%dma_start3A_243, %dma_start3A_244] : memref<10240x128xf32, #tpu.memory_space<vmem_shared>> -> memref<10240x128xf32, #tpu.memory_space<vmem_shared>>
      tpu.enqueue_indirect_dma source(%dma_start3A_239 : memref<128x128xf32, #tpu.memory_space<vmem>>) target(%dma_start3A_245 : memref<10240x128xf32, #tpu.memory_space<vmem_shared>>) offsets(%dma_start3A_242 : memref<128xi32, #tpu.memory_space<vmem>>) semaphore(%arg11 : memref<!tpu.dma_semaphore, #tpu.memory_space<semaphore_mem>>) {add = true}
      %mul3A_246 = arith.constant 2 : i32
      %mul3A_247 = arith.muli %mul3A_246, %scan3A_214 : i32
      %add3A_248 = arith.constant 1 : i32
      %add3A_249 = arith.addi %mul3A_247, %add3A_248 : i32
      %mul3A_250 = arith.constant 2 : i32
      %mul3A_251 = arith.muli %mul3A_250, %add3A_249 : i32
      %dma_wait3A_252 = arith.constant 1 : i32
      %dma_wait3A_253 = arith.constant 0 : i32
      %dma_wait3A_254 = arith.constant 0 : i32
      %dma_wait3A_255 = tpu.memref_slice %arg7[%dma_wait3A_252, %dma_wait3A_253, %dma_wait3A_254] : memref<2x128x128xf32, #tpu.memory_space<vmem>> -> memref<1x128x128xf32, #tpu.memory_space<vmem>>
      %dma_wait3A_256 = tpu.memref_squeeze %dma_wait3A_255 : memref<1x128x128xf32, #tpu.memory_space<vmem>> -> memref<128x128xf32, #tpu.memory_space<vmem>>
      %dma_wait3A_257 = arith.constant 0 : i32
      %dma_wait3A_258 = tpu.memref_slice %arg6[%mul3A_251, %dma_wait3A_257] : memref<80x128xi32, #tpu.memory_space<vmem>> -> memref<1x128xi32, #tpu.memory_space<vmem>>
      %dma_wait3A_259 = tpu.memref_squeeze %dma_wait3A_258 : memref<1x128xi32, #tpu.memory_space<vmem>> -> memref<128xi32, #tpu.memory_space<vmem>>
      %dma_wait3A_260 = arith.constant 0 : i32
      %dma_wait3A_261 = arith.constant 0 : i32
      %dma_wait3A_262 = tpu.memref_slice %arg2[%dma_wait3A_260, %dma_wait3A_261] : memref<10240x128xf32, #tpu.memory_space<hbm>> -> memref<10240x128xf32, #tpu.memory_space<hbm>>
      tpu.wait_indirect_dma semaphore(%arg10 : memref<!tpu.dma_semaphore, #tpu.memory_space<semaphore_mem>>) src(%dma_wait3A_262 : memref<10240x128xf32, #tpu.memory_space<hbm>>) dst(%dma_wait3A_256 : memref<128x128xf32, #tpu.memory_space<vmem>>)
      %mul3A_263 = arith.constant 2 : i32
      %mul3A_264 = arith.muli %mul3A_263, %add3A_249 : i32
      %add3A_265 = arith.constant 1 : i32
      %add3A_266 = arith.addi %mul3A_264, %add3A_265 : i32
      %dma_start3A_267 = arith.constant 1 : i32
      %dma_start3A_268 = arith.constant 0 : i32
      %dma_start3A_269 = arith.constant 0 : i32
      %dma_start3A_270 = tpu.memref_slice %arg7[%dma_start3A_267, %dma_start3A_268, %dma_start3A_269] : memref<2x128x128xf32, #tpu.memory_space<vmem>> -> memref<1x128x128xf32, #tpu.memory_space<vmem>>
      %dma_start3A_271 = tpu.memref_squeeze %dma_start3A_270 : memref<1x128x128xf32, #tpu.memory_space<vmem>> -> memref<128x128xf32, #tpu.memory_space<vmem>>
      %dma_start3A_272 = arith.constant 0 : i32
      %dma_start3A_273 = tpu.memref_slice %arg6[%add3A_266, %dma_start3A_272] : memref<80x128xi32, #tpu.memory_space<vmem>> -> memref<1x128xi32, #tpu.memory_space<vmem>>
      %dma_start3A_274 = tpu.memref_squeeze %dma_start3A_273 : memref<1x128xi32, #tpu.memory_space<vmem>> -> memref<128xi32, #tpu.memory_space<vmem>>
      %dma_start3A_275 = arith.constant 0 : i32
      %dma_start3A_276 = arith.constant 0 : i32
      %dma_start3A_277 = tpu.memref_slice %arg8[%dma_start3A_275, %dma_start3A_276] : memref<10240x128xf32, #tpu.memory_space<vmem_shared>> -> memref<10240x128xf32, #tpu.memory_space<vmem_shared>>
      tpu.enqueue_indirect_dma source(%dma_start3A_271 : memref<128x128xf32, #tpu.memory_space<vmem>>) target(%dma_start3A_277 : memref<10240x128xf32, #tpu.memory_space<vmem_shared>>) offsets(%dma_start3A_274 : memref<128xi32, #tpu.memory_space<vmem>>) semaphore(%arg12 : memref<!tpu.dma_semaphore, #tpu.memory_space<semaphore_mem>>) {add = true}
      %mul3A_278 = arith.constant 2 : i32
      %mul3A_279 = arith.muli %mul3A_278, %scan3A_214 : i32
      %add3A_280 = arith.constant 0 : i32
      %add3A_281 = arith.addi %mul3A_279, %add3A_280 : i32
      %mul3A_282 = arith.constant 2 : i32
      %mul3A_283 = arith.muli %mul3A_282, %add3A_281 : i32
      %add3A_284 = arith.constant 1 : i32
      %add3A_285 = arith.addi %mul3A_283, %add3A_284 : i32
      %dma_wait3A_286 = arith.constant 0 : i32
      %dma_wait3A_287 = arith.constant 0 : i32
      %dma_wait3A_288 = arith.constant 0 : i32
      %dma_wait3A_289 = tpu.memref_slice %arg7[%dma_wait3A_286, %dma_wait3A_287, %dma_wait3A_288] : memref<2x128x128xf32, #tpu.memory_space<vmem>> -> memref<1x128x128xf32, #tpu.memory_space<vmem>>
      %dma_wait3A_290 = tpu.memref_squeeze %dma_wait3A_289 : memref<1x128x128xf32, #tpu.memory_space<vmem>> -> memref<128x128xf32, #tpu.memory_space<vmem>>
      %dma_wait3A_291 = arith.constant 0 : i32
      %dma_wait3A_292 = tpu.memref_slice %arg6[%add3A_285, %dma_wait3A_291] : memref<80x128xi32, #tpu.memory_space<vmem>> -> memref<1x128xi32, #tpu.memory_space<vmem>>
      %dma_wait3A_293 = tpu.memref_squeeze %dma_wait3A_292 : memref<1x128xi32, #tpu.memory_space<vmem>> -> memref<128xi32, #tpu.memory_space<vmem>>
      %dma_wait3A_294 = arith.constant 0 : i32
      %dma_wait3A_295 = arith.constant 0 : i32
      %dma_wait3A_296 = tpu.memref_slice %arg8[%dma_wait3A_294, %dma_wait3A_295] : memref<10240x128xf32, #tpu.memory_space<vmem_shared>> -> memref<10240x128xf32, #tpu.memory_space<vmem_shared>>
      tpu.wait_indirect_dma semaphore(%arg11 : memref<!tpu.dma_semaphore, #tpu.memory_space<semaphore_mem>>) src(%dma_wait3A_290 : memref<128x128xf32, #tpu.memory_space<vmem>>) dst(%dma_wait3A_296 : memref<10240x128xf32, #tpu.memory_space<vmem_shared>>)
      %add3A_297 = arith.constant 2 : i32
      %add3A_298 = arith.addi %add3A_281, %add3A_297 : i32
      %mul3A_299 = arith.constant 2 : i32
      %mul3A_300 = arith.muli %mul3A_299, %add3A_298 : i32
      %dma_start3A_301 = arith.constant 0 : i32
      %dma_start3A_302 = arith.constant 0 : i32
      %dma_start3A_303 = arith.constant 0 : i32
      %dma_start3A_304 = tpu.memref_slice %arg7[%dma_start3A_301, %dma_start3A_302, %dma_start3A_303] : memref<2x128x128xf32, #tpu.memory_space<vmem>> -> memref<1x128x128xf32, #tpu.memory_space<vmem>>
      %dma_start3A_305 = tpu.memref_squeeze %dma_start3A_304 : memref<1x128x128xf32, #tpu.memory_space<vmem>> -> memref<128x128xf32, #tpu.memory_space<vmem>>
      %dma_start3A_306 = arith.constant 0 : i32
      %dma_start3A_307 = tpu.memref_slice %arg6[%mul3A_300, %dma_start3A_306] : memref<80x128xi32, #tpu.memory_space<vmem>> -> memref<1x128xi32, #tpu.memory_space<vmem>>
      %dma_start3A_308 = tpu.memref_squeeze %dma_start3A_307 : memref<1x128xi32, #tpu.memory_space<vmem>> -> memref<128xi32, #tpu.memory_space<vmem>>
      %dma_start3A_309 = arith.constant 0 : i32
      %dma_start3A_310 = arith.constant 0 : i32
      %dma_start3A_311 = tpu.memref_slice %arg2[%dma_start3A_309, %dma_start3A_310] : memref<10240x128xf32, #tpu.memory_space<hbm>> -> memref<10240x128xf32, #tpu.memory_space<hbm>>
      tpu.enqueue_indirect_dma source(%dma_start3A_311 : memref<10240x128xf32, #tpu.memory_space<hbm>>) target(%dma_start3A_305 : memref<128x128xf32, #tpu.memory_space<vmem>>) offsets(%dma_start3A_308 : memref<128xi32, #tpu.memory_space<vmem>>) semaphore(%arg9 : memref<!tpu.dma_semaphore, #tpu.memory_space<semaphore_mem>>)
      %mul3A_312 = arith.constant 2 : i32
      %mul3A_313 = arith.muli %mul3A_312, %scan3A_214 : i32
      %add3A_314 = arith.constant 1 : i32
      %add3A_315 = arith.addi %mul3A_313, %add3A_314 : i32
      %mul3A_316 = arith.constant 2 : i32
      %mul3A_317 = arith.muli %mul3A_316, %add3A_315 : i32
      %add3A_318 = arith.constant 1 : i32
      %add3A_319 = arith.addi %mul3A_317, %add3A_318 : i32
      %dma_wait3A_320 = arith.constant 1 : i32
      %dma_wait3A_321 = arith.constant 0 : i32
      %dma_wait3A_322 = arith.constant 0 : i32
      %dma_wait3A_323 = tpu.memref_slice %arg7[%dma_wait3A_320, %dma_wait3A_321, %dma_wait3A_322] : memref<2x128x128xf32, #tpu.memory_space<vmem>> -> memref<1x128x128xf32, #tpu.memory_space<vmem>>
      %dma_wait3A_324 = tpu.memref_squeeze %dma_wait3A_323 : memref<1x128x128xf32, #tpu.memory_space<vmem>> -> memref<128x128xf32, #tpu.memory_space<vmem>>
      %dma_wait3A_325 = arith.constant 0 : i32
      %dma_wait3A_326 = tpu.memref_slice %arg6[%add3A_319, %dma_wait3A_325] : memref<80x128xi32, #tpu.memory_space<vmem>> -> memref<1x128xi32, #tpu.memory_space<vmem>>
      %dma_wait3A_327 = tpu.memref_squeeze %dma_wait3A_326 : memref<1x128xi32, #tpu.memory_space<vmem>> -> memref<128xi32, #tpu.memory_space<vmem>>
      %dma_wait3A_328 = arith.constant 0 : i32
      %dma_wait3A_329 = arith.constant 0 : i32
      %dma_wait3A_330 = tpu.memref_slice %arg8[%dma_wait3A_328, %dma_wait3A_329] : memref<10240x128xf32, #tpu.memory_space<vmem_shared>> -> memref<10240x128xf32, #tpu.memory_space<vmem_shared>>
      tpu.wait_indirect_dma semaphore(%arg12 : memref<!tpu.dma_semaphore, #tpu.memory_space<semaphore_mem>>) src(%dma_wait3A_324 : memref<128x128xf32, #tpu.memory_space<vmem>>) dst(%dma_wait3A_330 : memref<10240x128xf32, #tpu.memory_space<vmem_shared>>)
      %add3A_331 = arith.constant 2 : i32
      %add3A_332 = arith.addi %add3A_315, %add3A_331 : i32
      %mul3A_333 = arith.constant 2 : i32
      %mul3A_334 = arith.muli %mul3A_333, %add3A_332 : i32
      %dma_start3A_335 = arith.constant 1 : i32
      %dma_start3A_336 = arith.constant 0 : i32
      %dma_start3A_337 = arith.constant 0 : i32
      %dma_start3A_338 = tpu.memref_slice %arg7[%dma_start3A_335, %dma_start3A_336, %dma_start3A_337] : memref<2x128x128xf32, #tpu.memory_space<vmem>> -> memref<1x128x128xf32, #tpu.memory_space<vmem>>
      %dma_start3A_339 = tpu.memref_squeeze %dma_start3A_338 : memref<1x128x128xf32, #tpu.memory_space<vmem>> -> memref<128x128xf32, #tpu.memory_space<vmem>>
      %dma_start3A_340 = arith.constant 0 : i32
      %dma_start3A_341 = tpu.memref_slice %arg6[%mul3A_334, %dma_start3A_340] : memref<80x128xi32, #tpu.memory_space<vmem>> -> memref<1x128xi32, #tpu.memory_space<vmem>>
      %dma_start3A_342 = tpu.memref_squeeze %dma_start3A_341 : memref<1x128xi32, #tpu.memory_space<vmem>> -> memref<128xi32, #tpu.memory_space<vmem>>
      %dma_start3A_343 = arith.constant 0 : i32
      %dma_start3A_344 = arith.constant 0 : i32
      %dma_start3A_345 = tpu.memref_slice %arg2[%dma_start3A_343, %dma_start3A_344] : memref<10240x128xf32, #tpu.memory_space<hbm>> -> memref<10240x128xf32, #tpu.memory_space<hbm>>
      tpu.enqueue_indirect_dma source(%dma_start3A_345 : memref<10240x128xf32, #tpu.memory_space<hbm>>) target(%dma_start3A_339 : memref<128x128xf32, #tpu.memory_space<vmem>>) offsets(%dma_start3A_342 : memref<128xi32, #tpu.memory_space<vmem>>) semaphore(%arg10 : memref<!tpu.dma_semaphore, #tpu.memory_space<semaphore_mem>>)
    }
    %scan3A_37 = arith.constant 19 : i32
    %dma_wait3A_38 = arith.constant 76 : i32
    %dma_wait3A_39 = arith.constant 0 : i32
    %dma_wait3A_40 = arith.constant 0 : i32
    %dma_wait3A_41 = arith.constant 0 : i32
    %dma_wait3A_42 = tpu.memref_slice %arg7[%dma_wait3A_39, %dma_wait3A_40, %dma_wait3A_41] : memref<2x128x128xf32, #tpu.memory_space<vmem>> -> memref<1x128x128xf32, #tpu.memory_space<vmem>>
    %dma_wait3A_43 = tpu.memref_squeeze %dma_wait3A_42 : memref<1x128x128xf32, #tpu.memory_space<vmem>> -> memref<128x128xf32, #tpu.memory_space<vmem>>
    %dma_wait3A_44 = arith.constant 0 : i32
    %dma_wait3A_45 = tpu.memref_slice %arg6[%dma_wait3A_38, %dma_wait3A_44] : memref<80x128xi32, #tpu.memory_space<vmem>> -> memref<1x128xi32, #tpu.memory_space<vmem>>
    %dma_wait3A_46 = tpu.memref_squeeze %dma_wait3A_45 : memref<1x128xi32, #tpu.memory_space<vmem>> -> memref<128xi32, #tpu.memory_space<vmem>>
    %dma_wait3A_47 = arith.constant 0 : i32
    %dma_wait3A_48 = arith.constant 0 : i32
    %dma_wait3A_49 = tpu.memref_slice %arg2[%dma_wait3A_47, %dma_wait3A_48] : memref<10240x128xf32, #tpu.memory_space<hbm>> -> memref<10240x128xf32, #tpu.memory_space<hbm>>
    tpu.wait_indirect_dma semaphore(%arg9 : memref<!tpu.dma_semaphore, #tpu.memory_space<semaphore_mem>>) src(%dma_wait3A_49 : memref<10240x128xf32, #tpu.memory_space<hbm>>) dst(%dma_wait3A_43 : memref<128x128xf32, #tpu.memory_space<vmem>>)
    %dma_start3A_50 = arith.constant 0 : i32
    %dma_start3A_51 = arith.constant 77 : i32
    %dma_start3A_52 = arith.constant 0 : i32
    %dma_start3A_53 = arith.constant 0 : i32
    %dma_start3A_54 = tpu.memref_slice %arg7[%dma_start3A_50, %dma_start3A_52, %dma_start3A_53] : memref<2x128x128xf32, #tpu.memory_space<vmem>> -> memref<1x128x128xf32, #tpu.memory_space<vmem>>
    %dma_start3A_55 = tpu.memref_squeeze %dma_start3A_54 : memref<1x128x128xf32, #tpu.memory_space<vmem>> -> memref<128x128xf32, #tpu.memory_space<vmem>>
    %dma_start3A_56 = arith.constant 0 : i32
    %dma_start3A_57 = tpu.memref_slice %arg6[%dma_start3A_51, %dma_start3A_56] : memref<80x128xi32, #tpu.memory_space<vmem>> -> memref<1x128xi32, #tpu.memory_space<vmem>>
    %dma_start3A_58 = tpu.memref_squeeze %dma_start3A_57 : memref<1x128xi32, #tpu.memory_space<vmem>> -> memref<128xi32, #tpu.memory_space<vmem>>
    %dma_start3A_59 = arith.constant 0 : i32
    %dma_start3A_60 = arith.constant 0 : i32
    %dma_start3A_61 = tpu.memref_slice %arg8[%dma_start3A_59, %dma_start3A_60] : memref<10240x128xf32, #tpu.memory_space<vmem_shared>> -> memref<10240x128xf32, #tpu.memory_space<vmem_shared>>
    tpu.enqueue_indirect_dma source(%dma_start3A_55 : memref<128x128xf32, #tpu.memory_space<vmem>>) target(%dma_start3A_61 : memref<10240x128xf32, #tpu.memory_space<vmem_shared>>) offsets(%dma_start3A_58 : memref<128xi32, #tpu.memory_space<vmem>>) semaphore(%arg11 : memref<!tpu.dma_semaphore, #tpu.memory_space<semaphore_mem>>) {add = true}
    %dma_wait3A_62 = arith.constant 78 : i32
    %dma_wait3A_63 = arith.constant 1 : i32
    %dma_wait3A_64 = arith.constant 0 : i32
    %dma_wait3A_65 = arith.constant 0 : i32
    %dma_wait3A_66 = tpu.memref_slice %arg7[%dma_wait3A_63, %dma_wait3A_64, %dma_wait3A_65] : memref<2x128x128xf32, #tpu.memory_space<vmem>> -> memref<1x128x128xf32, #tpu.memory_space<vmem>>
    %dma_wait3A_67 = tpu.memref_squeeze %dma_wait3A_66 : memref<1x128x128xf32, #tpu.memory_space<vmem>> -> memref<128x128xf32, #tpu.memory_space<vmem>>
    %dma_wait3A_68 = arith.constant 0 : i32
    %dma_wait3A_69 = tpu.memref_slice %arg6[%dma_wait3A_62, %dma_wait3A_68] : memref<80x128xi32, #tpu.memory_space<vmem>> -> memref<1x128xi32, #tpu.memory_space<vmem>>
    %dma_wait3A_70 = tpu.memref_squeeze %dma_wait3A_69 : memref<1x128xi32, #tpu.memory_space<vmem>> -> memref<128xi32, #tpu.memory_space<vmem>>
    %dma_wait3A_71 = arith.constant 0 : i32
    %dma_wait3A_72 = arith.constant 0 : i32
    %dma_wait3A_73 = tpu.memref_slice %arg2[%dma_wait3A_71, %dma_wait3A_72] : memref<10240x128xf32, #tpu.memory_space<hbm>> -> memref<10240x128xf32, #tpu.memory_space<hbm>>
    tpu.wait_indirect_dma semaphore(%arg10 : memref<!tpu.dma_semaphore, #tpu.memory_space<semaphore_mem>>) src(%dma_wait3A_73 : memref<10240x128xf32, #tpu.memory_space<hbm>>) dst(%dma_wait3A_67 : memref<128x128xf32, #tpu.memory_space<vmem>>)
    %dma_start3A_74 = arith.constant 1 : i32
    %dma_start3A_75 = arith.constant 79 : i32
    %dma_start3A_76 = arith.constant 0 : i32
    %dma_start3A_77 = arith.constant 0 : i32
    %dma_start3A_78 = tpu.memref_slice %arg7[%dma_start3A_74, %dma_start3A_76, %dma_start3A_77] : memref<2x128x128xf32, #tpu.memory_space<vmem>> -> memref<1x128x128xf32, #tpu.memory_space<vmem>>
    %dma_start3A_79 = tpu.memref_squeeze %dma_start3A_78 : memref<1x128x128xf32, #tpu.memory_space<vmem>> -> memref<128x128xf32, #tpu.memory_space<vmem>>
    %dma_start3A_80 = arith.constant 0 : i32
    %dma_start3A_81 = tpu.memref_slice %arg6[%dma_start3A_75, %dma_start3A_80] : memref<80x128xi32, #tpu.memory_space<vmem>> -> memref<1x128xi32, #tpu.memory_space<vmem>>
    %dma_start3A_82 = tpu.memref_squeeze %dma_start3A_81 : memref<1x128xi32, #tpu.memory_space<vmem>> -> memref<128xi32, #tpu.memory_space<vmem>>
    %dma_start3A_83 = arith.constant 0 : i32
    %dma_start3A_84 = arith.constant 0 : i32
    %dma_start3A_85 = tpu.memref_slice %arg8[%dma_start3A_83, %dma_start3A_84] : memref<10240x128xf32, #tpu.memory_space<vmem_shared>> -> memref<10240x128xf32, #tpu.memory_space<vmem_shared>>
    tpu.enqueue_indirect_dma source(%dma_start3A_79 : memref<128x128xf32, #tpu.memory_space<vmem>>) target(%dma_start3A_85 : memref<10240x128xf32, #tpu.memory_space<vmem_shared>>) offsets(%dma_start3A_82 : memref<128xi32, #tpu.memory_space<vmem>>) semaphore(%arg12 : memref<!tpu.dma_semaphore, #tpu.memory_space<semaphore_mem>>) {add = true}
    %dma_wait3A_86 = arith.constant 0 : i32
    %dma_wait3A_87 = arith.constant 77 : i32
    %dma_wait3A_88 = arith.constant 0 : i32
    %dma_wait3A_89 = arith.constant 0 : i32
    %dma_wait3A_90 = tpu.memref_slice %arg7[%dma_wait3A_86, %dma_wait3A_88, %dma_wait3A_89] : memref<2x128x128xf32, #tpu.memory_space<vmem>> -> memref<1x128x128xf32, #tpu.memory_space<vmem>>
    %dma_wait3A_91 = tpu.memref_squeeze %dma_wait3A_90 : memref<1x128x128xf32, #tpu.memory_space<vmem>> -> memref<128x128xf32, #tpu.memory_space<vmem>>
    %dma_wait3A_92 = arith.constant 0 : i32
    %dma_wait3A_93 = tpu.memref_slice %arg6[%dma_wait3A_87, %dma_wait3A_92] : memref<80x128xi32, #tpu.memory_space<vmem>> -> memref<1x128xi32, #tpu.memory_space<vmem>>
    %dma_wait3A_94 = tpu.memref_squeeze %dma_wait3A_93 : memref<1x128xi32, #tpu.memory_space<vmem>> -> memref<128xi32, #tpu.memory_space<vmem>>
    %dma_wait3A_95 = arith.constant 0 : i32
    %dma_wait3A_96 = arith.constant 0 : i32
    %dma_wait3A_97 = tpu.memref_slice %arg8[%dma_wait3A_95, %dma_wait3A_96] : memref<10240x128xf32, #tpu.memory_space<vmem_shared>> -> memref<10240x128xf32, #tpu.memory_space<vmem_shared>>
    tpu.wait_indirect_dma semaphore(%arg11 : memref<!tpu.dma_semaphore, #tpu.memory_space<semaphore_mem>>) src(%dma_wait3A_91 : memref<128x128xf32, #tpu.memory_space<vmem>>) dst(%dma_wait3A_97 : memref<10240x128xf32, #tpu.memory_space<vmem_shared>>)
    %dma_wait3A_98 = arith.constant 1 : i32
    %dma_wait3A_99 = arith.constant 79 : i32
    %dma_wait3A_100 = arith.constant 0 : i32
    %dma_wait3A_101 = arith.constant 0 : i32
    %dma_wait3A_102 = tpu.memref_slice %arg7[%dma_wait3A_98, %dma_wait3A_100, %dma_wait3A_101] : memref<2x128x128xf32, #tpu.memory_space<vmem>> -> memref<1x128x128xf32, #tpu.memory_space<vmem>>
    %dma_wait3A_103 = tpu.memref_squeeze %dma_wait3A_102 : memref<1x128x128xf32, #tpu.memory_space<vmem>> -> memref<128x128xf32, #tpu.memory_space<vmem>>
    %dma_wait3A_104 = arith.constant 0 : i32
    %dma_wait3A_105 = tpu.memref_slice %arg6[%dma_wait3A_99, %dma_wait3A_104] : memref<80x128xi32, #tpu.memory_space<vmem>> -> memref<1x128xi32, #tpu.memory_space<vmem>>
    %dma_wait3A_106 = tpu.memref_squeeze %dma_wait3A_105 : memref<1x128xi32, #tpu.memory_space<vmem>> -> memref<128xi32, #tpu.memory_space<vmem>>
    %dma_wait3A_107 = arith.constant 0 : i32
    %dma_wait3A_108 = arith.constant 0 : i32
    %dma_wait3A_109 = tpu.memref_slice %arg8[%dma_wait3A_107, %dma_wait3A_108] : memref<10240x128xf32, #tpu.memory_space<vmem_shared>> -> memref<10240x128xf32, #tpu.memory_space<vmem_shared>>
    tpu.wait_indirect_dma semaphore(%arg12 : memref<!tpu.dma_semaphore, #tpu.memory_space<semaphore_mem>>) src(%dma_wait3A_103 : memref<128x128xf32, #tpu.memory_space<vmem>>) dst(%dma_wait3A_109 : memref<10240x128xf32, #tpu.memory_space<vmem_shared>>)
    %run_scoped3A_110 = arith.constant 1 : i32
    "tpu.region"() ({
      %run_scoped3A_214 = tpu.sem_alloc : memref<!tpu.dma_semaphore, #tpu.memory_space<semaphore_mem>>
      %dma_start3A_215 = arith.constant 0 : i32
      %dma_start3A_216 = arith.constant 0 : i32
      %dma_start3A_217 = tpu.memref_slice %arg4[%arg0, %arg1, %run_scoped3A_110, %dma_start3A_215, %dma_start3A_216] : memref<2x16x2x80x128xi32, #tpu.memory_space<hbm>> -> memref<1x1x1x80x128xi32, #tpu.memory_space<hbm>>
      %dma_start3A_218 = tpu.memref_squeeze %dma_start3A_217 : memref<1x1x1x80x128xi32, #tpu.memory_space<hbm>> -> memref<80x128xi32, #tpu.memory_space<hbm>>
      %dma_start3A_219 = arith.constant 0 : i32
      %dma_start3A_220 = arith.constant 0 : i32
      %dma_start3A_221 = tpu.memref_slice %arg4[%arg0, %arg1, %run_scoped3A_110, %dma_start3A_219, %dma_start3A_220] : memref<2x16x2x80x128xi32, #tpu.memory_space<hbm>> -> memref<1x1x1x80x128xi32, #tpu.memory_space<hbm>>
      %dma_start3A_222 = tpu.memref_squeeze %dma_start3A_221 : memref<1x1x1x80x128xi32, #tpu.memory_space<hbm>> -> memref<80x128xi32, #tpu.memory_space<hbm>>
      tpu.enqueue_dma source(%dma_start3A_222 : memref<80x128xi32, #tpu.memory_space<hbm>>) target(%arg6 : memref<80x128xi32, #tpu.memory_space<vmem>>) target_semaphore(%run_scoped3A_214 : memref<!tpu.dma_semaphore, #tpu.memory_space<semaphore_mem>>)
      %dma_wait3A_223 = arith.constant 0 : i32
      %dma_wait3A_224 = arith.constant 0 : i32
      %dma_wait3A_225 = tpu.memref_slice %arg4[%arg0, %arg1, %run_scoped3A_110, %dma_wait3A_223, %dma_wait3A_224] : memref<2x16x2x80x128xi32, #tpu.memory_space<hbm>> -> memref<1x1x1x80x128xi32, #tpu.memory_space<hbm>>
      %dma_wait3A_226 = tpu.memref_squeeze %dma_wait3A_225 : memref<1x1x1x80x128xi32, #tpu.memory_space<hbm>> -> memref<80x128xi32, #tpu.memory_space<hbm>>
      %dma_wait3A_227 = arith.constant 0 : i32
      %dma_wait3A_228 = arith.constant 0 : i32
      %dma_wait3A_229 = tpu.memref_slice %arg4[%arg0, %arg1, %run_scoped3A_110, %dma_wait3A_227, %dma_wait3A_228] : memref<2x16x2x80x128xi32, #tpu.memory_space<hbm>> -> memref<1x1x1x80x128xi32, #tpu.memory_space<hbm>>
      %dma_wait3A_230 = tpu.memref_squeeze %dma_wait3A_229 : memref<1x1x1x80x128xi32, #tpu.memory_space<hbm>> -> memref<80x128xi32, #tpu.memory_space<hbm>>
      tpu.wait_dma2 semaphore(%run_scoped3A_214 : memref<!tpu.dma_semaphore, #tpu.memory_space<semaphore_mem>>) src(%dma_wait3A_230 : memref<80x128xi32, #tpu.memory_space<hbm>>) dst(%arg6 : memref<80x128xi32, #tpu.memory_space<vmem>>)
      tpu.yield
    }) : () -> ()
    %dma_start3A_111 = arith.constant 0 : i32
    %dma_start3A_112 = arith.constant 0 : i32
    %dma_start3A_113 = arith.constant 0 : i32
    %dma_start3A_114 = arith.constant 0 : i32
    %dma_start3A_115 = tpu.memref_slice %arg7[%dma_start3A_112, %dma_start3A_113, %dma_start3A_114] : memref<2x128x128xf32, #tpu.memory_space<vmem>> -> memref<1x128x128xf32, #tpu.memory_space<vmem>>
    %dma_start3A_116 = tpu.memref_squeeze %dma_start3A_115 : memref<1x128x128xf32, #tpu.memory_space<vmem>> -> memref<128x128xf32, #tpu.memory_space<vmem>>
    %dma_start3A_117 = arith.constant 0 : i32
    %dma_start3A_118 = tpu.memref_slice %arg6[%dma_start3A_111, %dma_start3A_117] : memref<80x128xi32, #tpu.memory_space<vmem>> -> memref<1x128xi32, #tpu.memory_space<vmem>>
    %dma_start3A_119 = tpu.memref_squeeze %dma_start3A_118 : memref<1x128xi32, #tpu.memory_space<vmem>> -> memref<128xi32, #tpu.memory_space<vmem>>
    %dma_start3A_120 = arith.constant 0 : i32
    %dma_start3A_121 = arith.constant 0 : i32
    %dma_start3A_122 = tpu.memref_slice %arg2[%dma_start3A_120, %dma_start3A_121] : memref<10240x128xf32, #tpu.memory_space<hbm>> -> memref<10240x128xf32, #tpu.memory_space<hbm>>
    tpu.enqueue_indirect_dma source(%dma_start3A_122 : memref<10240x128xf32, #tpu.memory_space<hbm>>) target(%dma_start3A_116 : memref<128x128xf32, #tpu.memory_space<vmem>>) offsets(%dma_start3A_119 : memref<128xi32, #tpu.memory_space<vmem>>) semaphore(%arg9 : memref<!tpu.dma_semaphore, #tpu.memory_space<semaphore_mem>>)
    %dma_start3A_123 = arith.constant 2 : i32
    %dma_start3A_124 = arith.constant 1 : i32
    %dma_start3A_125 = arith.constant 0 : i32
    %dma_start3A_126 = arith.constant 0 : i32
    %dma_start3A_127 = tpu.memref_slice %arg7[%dma_start3A_124, %dma_start3A_125, %dma_start3A_126] : memref<2x128x128xf32, #tpu.memory_space<vmem>> -> memref<1x128x128xf32, #tpu.memory_space<vmem>>
    %dma_start3A_128 = tpu.memref_squeeze %dma_start3A_127 : memref<1x128x128xf32, #tpu.memory_space<vmem>> -> memref<128x128xf32, #tpu.memory_space<vmem>>
    %dma_start3A_129 = arith.constant 0 : i32
    %dma_start3A_130 = tpu.memref_slice %arg6[%dma_start3A_123, %dma_start3A_129] : memref<80x128xi32, #tpu.memory_space<vmem>> -> memref<1x128xi32, #tpu.memory_space<vmem>>
    %dma_start3A_131 = tpu.memref_squeeze %dma_start3A_130 : memref<1x128xi32, #tpu.memory_space<vmem>> -> memref<128xi32, #tpu.memory_space<vmem>>
    %dma_start3A_132 = arith.constant 0 : i32
    %dma_start3A_133 = arith.constant 0 : i32
    %dma_start3A_134 = tpu.memref_slice %arg2[%dma_start3A_132, %dma_start3A_133] : memref<10240x128xf32, #tpu.memory_space<hbm>> -> memref<10240x128xf32, #tpu.memory_space<hbm>>
    tpu.enqueue_indirect_dma source(%dma_start3A_134 : memref<10240x128xf32, #tpu.memory_space<hbm>>) target(%dma_start3A_128 : memref<128x128xf32, #tpu.memory_space<vmem>>) offsets(%dma_start3A_131 : memref<128xi32, #tpu.memory_space<vmem>>) semaphore(%arg10 : memref<!tpu.dma_semaphore, #tpu.memory_space<semaphore_mem>>)
    %scan3A_135 = arith.constant 0 : i32
    %scan3A_136 = arith.constant 0 : i32
    %scan3A_137 = arith.constant 19 : i32
    %scan3A_138 = arith.addi %scan3A_136, %scan3A_137 : i32
    %scan3A_139 = arith.constant 1 : i32
    scf.for %scan3A_214 = %scan3A_136 to %scan3A_138 step %scan3A_139  : i32 {
      %mul3A_215 = arith.constant 2 : i32
      %mul3A_216 = arith.muli %mul3A_215, %scan3A_214 : i32
      %add3A = arith.constant 0 : i32
      %add3A_217 = arith.addi %mul3A_216, %add3A : i32
      %mul3A_218 = arith.constant 2 : i32
      %mul3A_219 = arith.muli %mul3A_218, %add3A_217 : i32
      %dma_wait3A_220 = arith.constant 0 : i32
      %dma_wait3A_221 = arith.constant 0 : i32
      %dma_wait3A_222 = arith.constant 0 : i32
      %dma_wait3A_223 = tpu.memref_slice %arg7[%dma_wait3A_220, %dma_wait3A_221, %dma_wait3A_222] : memref<2x128x128xf32, #tpu.memory_space<vmem>> -> memref<1x128x128xf32, #tpu.memory_space<vmem>>
      %dma_wait3A_224 = tpu.memref_squeeze %dma_wait3A_223 : memref<1x128x128xf32, #tpu.memory_space<vmem>> -> memref<128x128xf32, #tpu.memory_space<vmem>>
      %dma_wait3A_225 = arith.constant 0 : i32
      %dma_wait3A_226 = tpu.memref_slice %arg6[%mul3A_219, %dma_wait3A_225] : memref<80x128xi32, #tpu.memory_space<vmem>> -> memref<1x128xi32, #tpu.memory_space<vmem>>
      %dma_wait3A_227 = tpu.memref_squeeze %dma_wait3A_226 : memref<1x128xi32, #tpu.memory_space<vmem>> -> memref<128xi32, #tpu.memory_space<vmem>>
      %dma_wait3A_228 = arith.constant 0 : i32
      %dma_wait3A_229 = arith.constant 0 : i32
      %dma_wait3A_230 = tpu.memref_slice %arg2[%dma_wait3A_228, %dma_wait3A_229] : memref<10240x128xf32, #tpu.memory_space<hbm>> -> memref<10240x128xf32, #tpu.memory_space<hbm>>
      tpu.wait_indirect_dma semaphore(%arg9 : memref<!tpu.dma_semaphore, #tpu.memory_space<semaphore_mem>>) src(%dma_wait3A_230 : memref<10240x128xf32, #tpu.memory_space<hbm>>) dst(%dma_wait3A_224 : memref<128x128xf32, #tpu.memory_space<vmem>>)
      %mul3A_231 = arith.constant 2 : i32
      %mul3A_232 = arith.muli %mul3A_231, %add3A_217 : i32
      %add3A_233 = arith.constant 1 : i32
      %add3A_234 = arith.addi %mul3A_232, %add3A_233 : i32
      %dma_start3A_235 = arith.constant 0 : i32
      %dma_start3A_236 = arith.constant 0 : i32
      %dma_start3A_237 = arith.constant 0 : i32
      %dma_start3A_238 = tpu.memref_slice %arg7[%dma_start3A_235, %dma_start3A_236, %dma_start3A_237] : memref<2x128x128xf32, #tpu.memory_space<vmem>> -> memref<1x128x128xf32, #tpu.memory_space<vmem>>
      %dma_start3A_239 = tpu.memref_squeeze %dma_start3A_238 : memref<1x128x128xf32, #tpu.memory_space<vmem>> -> memref<128x128xf32, #tpu.memory_space<vmem>>
      %dma_start3A_240 = arith.constant 0 : i32
      %dma_start3A_241 = tpu.memref_slice %arg6[%add3A_234, %dma_start3A_240] : memref<80x128xi32, #tpu.memory_space<vmem>> -> memref<1x128xi32, #tpu.memory_space<vmem>>
      %dma_start3A_242 = tpu.memref_squeeze %dma_start3A_241 : memref<1x128xi32, #tpu.memory_space<vmem>> -> memref<128xi32, #tpu.memory_space<vmem>>
      %dma_start3A_243 = arith.constant 0 : i32
      %dma_start3A_244 = arith.constant 0 : i32
      %dma_start3A_245 = tpu.memref_slice %arg8[%dma_start3A_243, %dma_start3A_244] : memref<10240x128xf32, #tpu.memory_space<vmem_shared>> -> memref<10240x128xf32, #tpu.memory_space<vmem_shared>>
      tpu.enqueue_indirect_dma source(%dma_start3A_239 : memref<128x128xf32, #tpu.memory_space<vmem>>) target(%dma_start3A_245 : memref<10240x128xf32, #tpu.memory_space<vmem_shared>>) offsets(%dma_start3A_242 : memref<128xi32, #tpu.memory_space<vmem>>) semaphore(%arg11 : memref<!tpu.dma_semaphore, #tpu.memory_space<semaphore_mem>>) {add = true}
      %mul3A_246 = arith.constant 2 : i32
      %mul3A_247 = arith.muli %mul3A_246, %scan3A_214 : i32
      %add3A_248 = arith.constant 1 : i32
      %add3A_249 = arith.addi %mul3A_247, %add3A_248 : i32
      %mul3A_250 = arith.constant 2 : i32
      %mul3A_251 = arith.muli %mul3A_250, %add3A_249 : i32
      %dma_wait3A_252 = arith.constant 1 : i32
      %dma_wait3A_253 = arith.constant 0 : i32
      %dma_wait3A_254 = arith.constant 0 : i32
      %dma_wait3A_255 = tpu.memref_slice %arg7[%dma_wait3A_252, %dma_wait3A_253, %dma_wait3A_254] : memref<2x128x128xf32, #tpu.memory_space<vmem>> -> memref<1x128x128xf32, #tpu.memory_space<vmem>>
      %dma_wait3A_256 = tpu.memref_squeeze %dma_wait3A_255 : memref<1x128x128xf32, #tpu.memory_space<vmem>> -> memref<128x128xf32, #tpu.memory_space<vmem>>
      %dma_wait3A_257 = arith.constant 0 : i32
      %dma_wait3A_258 = tpu.memref_slice %arg6[%mul3A_251, %dma_wait3A_257] : memref<80x128xi32, #tpu.memory_space<vmem>> -> memref<1x128xi32, #tpu.memory_space<vmem>>
      %dma_wait3A_259 = tpu.memref_squeeze %dma_wait3A_258 : memref<1x128xi32, #tpu.memory_space<vmem>> -> memref<128xi32, #tpu.memory_space<vmem>>
      %dma_wait3A_260 = arith.constant 0 : i32
      %dma_wait3A_261 = arith.constant 0 : i32
      %dma_wait3A_262 = tpu.memref_slice %arg2[%dma_wait3A_260, %dma_wait3A_261] : memref<10240x128xf32, #tpu.memory_space<hbm>> -> memref<10240x128xf32, #tpu.memory_space<hbm>>
      tpu.wait_indirect_dma semaphore(%arg10 : memref<!tpu.dma_semaphore, #tpu.memory_space<semaphore_mem>>) src(%dma_wait3A_262 : memref<10240x128xf32, #tpu.memory_space<hbm>>) dst(%dma_wait3A_256 : memref<128x128xf32, #tpu.memory_space<vmem>>)
      %mul3A_263 = arith.constant 2 : i32
      %mul3A_264 = arith.muli %mul3A_263, %add3A_249 : i32
      %add3A_265 = arith.constant 1 : i32
      %add3A_266 = arith.addi %mul3A_264, %add3A_265 : i32
      %dma_start3A_267 = arith.constant 1 : i32
      %dma_start3A_268 = arith.constant 0 : i32
      %dma_start3A_269 = arith.constant 0 : i32
      %dma_start3A_270 = tpu.memref_slice %arg7[%dma_start3A_267, %dma_start3A_268, %dma_start3A_269] : memref<2x128x128xf32, #tpu.memory_space<vmem>> -> memref<1x128x128xf32, #tpu.memory_space<vmem>>
      %dma_start3A_271 = tpu.memref_squeeze %dma_start3A_270 : memref<1x128x128xf32, #tpu.memory_space<vmem>> -> memref<128x128xf32, #tpu.memory_space<vmem>>
      %dma_start3A_272 = arith.constant 0 : i32
      %dma_start3A_273 = tpu.memref_slice %arg6[%add3A_266, %dma_start3A_272] : memref<80x128xi32, #tpu.memory_space<vmem>> -> memref<1x128xi32, #tpu.memory_space<vmem>>
      %dma_start3A_274 = tpu.memref_squeeze %dma_start3A_273 : memref<1x128xi32, #tpu.memory_space<vmem>> -> memref<128xi32, #tpu.memory_space<vmem>>
      %dma_start3A_275 = arith.constant 0 : i32
      %dma_start3A_276 = arith.constant 0 : i32
      %dma_start3A_277 = tpu.memref_slice %arg8[%dma_start3A_275, %dma_start3A_276] : memref<10240x128xf32, #tpu.memory_space<vmem_shared>> -> memref<10240x128xf32, #tpu.memory_space<vmem_shared>>
      tpu.enqueue_indirect_dma source(%dma_start3A_271 : memref<128x128xf32, #tpu.memory_space<vmem>>) target(%dma_start3A_277 : memref<10240x128xf32, #tpu.memory_space<vmem_shared>>) offsets(%dma_start3A_274 : memref<128xi32, #tpu.memory_space<vmem>>) semaphore(%arg12 : memref<!tpu.dma_semaphore, #tpu.memory_space<semaphore_mem>>) {add = true}
      %mul3A_278 = arith.constant 2 : i32
      %mul3A_279 = arith.muli %mul3A_278, %scan3A_214 : i32
      %add3A_280 = arith.constant 0 : i32
      %add3A_281 = arith.addi %mul3A_279, %add3A_280 : i32
      %mul3A_282 = arith.constant 2 : i32
      %mul3A_283 = arith.muli %mul3A_282, %add3A_281 : i32
      %add3A_284 = arith.constant 1 : i32
      %add3A_285 = arith.addi %mul3A_283, %add3A_284 : i32
      %dma_wait3A_286 = arith.constant 0 : i32
      %dma_wait3A_287 = arith.constant 0 : i32
      %dma_wait3A_288 = arith.constant 0 : i32
      %dma_wait3A_289 = tpu.memref_slice %arg7[%dma_wait3A_286, %dma_wait3A_287, %dma_wait3A_288] : memref<2x128x128xf32, #tpu.memory_space<vmem>> -> memref<1x128x128xf32, #tpu.memory_space<vmem>>
      %dma_wait3A_290 = tpu.memref_squeeze %dma_wait3A_289 : memref<1x128x128xf32, #tpu.memory_space<vmem>> -> memref<128x128xf32, #tpu.memory_space<vmem>>
      %dma_wait3A_291 = arith.constant 0 : i32
      %dma_wait3A_292 = tpu.memref_slice %arg6[%add3A_285, %dma_wait3A_291] : memref<80x128xi32, #tpu.memory_space<vmem>> -> memref<1x128xi32, #tpu.memory_space<vmem>>
      %dma_wait3A_293 = tpu.memref_squeeze %dma_wait3A_292 : memref<1x128xi32, #tpu.memory_space<vmem>> -> memref<128xi32, #tpu.memory_space<vmem>>
      %dma_wait3A_294 = arith.constant 0 : i32
      %dma_wait3A_295 = arith.constant 0 : i32
      %dma_wait3A_296 = tpu.memref_slice %arg8[%dma_wait3A_294, %dma_wait3A_295] : memref<10240x128xf32, #tpu.memory_space<vmem_shared>> -> memref<10240x128xf32, #tpu.memory_space<vmem_shared>>
      tpu.wait_indirect_dma semaphore(%arg11 : memref<!tpu.dma_semaphore, #tpu.memory_space<semaphore_mem>>) src(%dma_wait3A_290 : memref<128x128xf32, #tpu.memory_space<vmem>>) dst(%dma_wait3A_296 : memref<10240x128xf32, #tpu.memory_space<vmem_shared>>)
      %add3A_297 = arith.constant 2 : i32
      %add3A_298 = arith.addi %add3A_281, %add3A_297 : i32
      %mul3A_299 = arith.constant 2 : i32
      %mul3A_300 = arith.muli %mul3A_299, %add3A_298 : i32
      %dma_start3A_301 = arith.constant 0 : i32
      %dma_start3A_302 = arith.constant 0 : i32
      %dma_start3A_303 = arith.constant 0 : i32
      %dma_start3A_304 = tpu.memref_slice %arg7[%dma_start3A_301, %dma_start3A_302, %dma_start3A_303] : memref<2x128x128xf32, #tpu.memory_space<vmem>> -> memref<1x128x128xf32, #tpu.memory_space<vmem>>
      %dma_start3A_305 = tpu.memref_squeeze %dma_start3A_304 : memref<1x128x128xf32, #tpu.memory_space<vmem>> -> memref<128x128xf32, #tpu.memory_space<vmem>>
      %dma_start3A_306 = arith.constant 0 : i32
      %dma_start3A_307 = tpu.memref_slice %arg6[%mul3A_300, %dma_start3A_306] : memref<80x128xi32, #tpu.memory_space<vmem>> -> memref<1x128xi32, #tpu.memory_space<vmem>>
      %dma_start3A_308 = tpu.memref_squeeze %dma_start3A_307 : memref<1x128xi32, #tpu.memory_space<vmem>> -> memref<128xi32, #tpu.memory_space<vmem>>
      %dma_start3A_309 = arith.constant 0 : i32
      %dma_start3A_310 = arith.constant 0 : i32
      %dma_start3A_311 = tpu.memref_slice %arg2[%dma_start3A_309, %dma_start3A_310] : memref<10240x128xf32, #tpu.memory_space<hbm>> -> memref<10240x128xf32, #tpu.memory_space<hbm>>
      tpu.enqueue_indirect_dma source(%dma_start3A_311 : memref<10240x128xf32, #tpu.memory_space<hbm>>) target(%dma_start3A_305 : memref<128x128xf32, #tpu.memory_space<vmem>>) offsets(%dma_start3A_308 : memref<128xi32, #tpu.memory_space<vmem>>) semaphore(%arg9 : memref<!tpu.dma_semaphore, #tpu.memory_space<semaphore_mem>>)
      %mul3A_312 = arith.constant 2 : i32
      %mul3A_313 = arith.muli %mul3A_312, %scan3A_214 : i32
      %add3A_314 = arith.constant 1 : i32
      %add3A_315 = arith.addi %mul3A_313, %add3A_314 : i32
      %mul3A_316 = arith.constant 2 : i32
      %mul3A_317 = arith.muli %mul3A_316, %add3A_315 : i32
      %add3A_318 = arith.constant 1 : i32
      %add3A_319 = arith.addi %mul3A_317, %add3A_318 : i32
      %dma_wait3A_320 = arith.constant 1 : i32
      %dma_wait3A_321 = arith.constant 0 : i32
      %dma_wait3A_322 = arith.constant 0 : i32
      %dma_wait3A_323 = tpu.memref_slice %arg7[%dma_wait3A_320, %dma_wait3A_321, %dma_wait3A_322] : memref<2x128x128xf32, #tpu.memory_space<vmem>> -> memref<1x128x128xf32, #tpu.memory_space<vmem>>
      %dma_wait3A_324 = tpu.memref_squeeze %dma_wait3A_323 : memref<1x128x128xf32, #tpu.memory_space<vmem>> -> memref<128x128xf32, #tpu.memory_space<vmem>>
      %dma_wait3A_325 = arith.constant 0 : i32
      %dma_wait3A_326 = tpu.memref_slice %arg6[%add3A_319, %dma_wait3A_325] : memref<80x128xi32, #tpu.memory_space<vmem>> -> memref<1x128xi32, #tpu.memory_space<vmem>>
      %dma_wait3A_327 = tpu.memref_squeeze %dma_wait3A_326 : memref<1x128xi32, #tpu.memory_space<vmem>> -> memref<128xi32, #tpu.memory_space<vmem>>
      %dma_wait3A_328 = arith.constant 0 : i32
      %dma_wait3A_329 = arith.constant 0 : i32
      %dma_wait3A_330 = tpu.memref_slice %arg8[%dma_wait3A_328, %dma_wait3A_329] : memref<10240x128xf32, #tpu.memory_space<vmem_shared>> -> memref<10240x128xf32, #tpu.memory_space<vmem_shared>>
      tpu.wait_indirect_dma semaphore(%arg12 : memref<!tpu.dma_semaphore, #tpu.memory_space<semaphore_mem>>) src(%dma_wait3A_324 : memref<128x128xf32, #tpu.memory_space<vmem>>) dst(%dma_wait3A_330 : memref<10240x128xf32, #tpu.memory_space<vmem_shared>>)
      %add3A_331 = arith.constant 2 : i32
      %add3A_332 = arith.addi %add3A_315, %add3A_331 : i32
      %mul3A_333 = arith.constant 2 : i32
      %mul3A_334 = arith.muli %mul3A_333, %add3A_332 : i32
      %dma_start3A_335 = arith.constant 1 : i32
      %dma_start3A_336 = arith.constant 0 : i32
      %dma_start3A_337 = arith.constant 0 : i32
      %dma_start3A_338 = tpu.memref_slice %arg7[%dma_start3A_335, %dma_start3A_336, %dma_start3A_337] : memref<2x128x128xf32, #tpu.memory_space<vmem>> -> memref<1x128x128xf32, #tpu.memory_space<vmem>>
      %dma_start3A_339 = tpu.memref_squeeze %dma_start3A_338 : memref<1x128x128xf32, #tpu.memory_space<vmem>> -> memref<128x128xf32, #tpu.memory_space<vmem>>
      %dma_start3A_340 = arith.constant 0 : i32
      %dma_start3A_341 = tpu.memref_slice %arg6[%mul3A_334, %dma_start3A_340] : memref<80x128xi32, #tpu.memory_space<vmem>> -> memref<1x128xi32, #tpu.memory_space<vmem>>
      %dma_start3A_342 = tpu.memref_squeeze %dma_start3A_341 : memref<1x128xi32, #tpu.memory_space<vmem>> -> memref<128xi32, #tpu.memory_space<vmem>>
      %dma_start3A_343 = arith.constant 0 : i32
      %dma_start3A_344 = arith.constant 0 : i32
      %dma_start3A_345 = tpu.memref_slice %arg2[%dma_start3A_343, %dma_start3A_344] : memref<10240x128xf32, #tpu.memory_space<hbm>> -> memref<10240x128xf32, #tpu.memory_space<hbm>>
      tpu.enqueue_indirect_dma source(%dma_start3A_345 : memref<10240x128xf32, #tpu.memory_space<hbm>>) target(%dma_start3A_339 : memref<128x128xf32, #tpu.memory_space<vmem>>) offsets(%dma_start3A_342 : memref<128xi32, #tpu.memory_space<vmem>>) semaphore(%arg10 : memref<!tpu.dma_semaphore, #tpu.memory_space<semaphore_mem>>)
    }
    %scan3A_140 = arith.constant 19 : i32
    %dma_wait3A_141 = arith.constant 76 : i32
    %dma_wait3A_142 = arith.constant 0 : i32
    %dma_wait3A_143 = arith.constant 0 : i32
    %dma_wait3A_144 = arith.constant 0 : i32
    %dma_wait3A_145 = tpu.memref_slice %arg7[%dma_wait3A_142, %dma_wait3A_143, %dma_wait3A_144] : memref<2x128x128xf32, #tpu.memory_space<vmem>> -> memref<1x128x128xf32, #tpu.memory_space<vmem>>
    %dma_wait3A_146 = tpu.memref_squeeze %dma_wait3A_145 : memref<1x128x128xf32, #tpu.memory_space<vmem>> -> memref<128x128xf32, #tpu.memory_space<vmem>>
    %dma_wait3A_147 = arith.constant 0 : i32
    %dma_wait3A_148 = tpu.memref_slice %arg6[%dma_wait3A_141, %dma_wait3A_147] : memref<80x128xi32, #tpu.memory_space<vmem>> -> memref<1x128xi32, #tpu.memory_space<vmem>>
    %dma_wait3A_149 = tpu.memref_squeeze %dma_wait3A_148 : memref<1x128xi32, #tpu.memory_space<vmem>> -> memref<128xi32, #tpu.memory_space<vmem>>
    %dma_wait3A_150 = arith.constant 0 : i32
    %dma_wait3A_151 = arith.constant 0 : i32
    %dma_wait3A_152 = tpu.memref_slice %arg2[%dma_wait3A_150, %dma_wait3A_151] : memref<10240x128xf32, #tpu.memory_space<hbm>> -> memref<10240x128xf32, #tpu.memory_space<hbm>>
    tpu.wait_indirect_dma semaphore(%arg9 : memref<!tpu.dma_semaphore, #tpu.memory_space<semaphore_mem>>) src(%dma_wait3A_152 : memref<10240x128xf32, #tpu.memory_space<hbm>>) dst(%dma_wait3A_146 : memref<128x128xf32, #tpu.memory_space<vmem>>)
    %dma_start3A_153 = arith.constant 0 : i32
    %dma_start3A_154 = arith.constant 77 : i32
    %dma_start3A_155 = arith.constant 0 : i32
    %dma_start3A_156 = arith.constant 0 : i32
    %dma_start3A_157 = tpu.memref_slice %arg7[%dma_start3A_153, %dma_start3A_155, %dma_start3A_156] : memref<2x128x128xf32, #tpu.memory_space<vmem>> -> memref<1x128x128xf32, #tpu.memory_space<vmem>>
    %dma_start3A_158 = tpu.memref_squeeze %dma_start3A_157 : memref<1x128x128xf32, #tpu.memory_space<vmem>> -> memref<128x128xf32, #tpu.memory_space<vmem>>
    %dma_start3A_159 = arith.constant 0 : i32
    %dma_start3A_160 = tpu.memref_slice %arg6[%dma_start3A_154, %dma_start3A_159] : memref<80x128xi32, #tpu.memory_space<vmem>> -> memref<1x128xi32, #tpu.memory_space<vmem>>
    %dma_start3A_161 = tpu.memref_squeeze %dma_start3A_160 : memref<1x128xi32, #tpu.memory_space<vmem>> -> memref<128xi32, #tpu.memory_space<vmem>>
    %dma_start3A_162 = arith.constant 0 : i32
    %dma_start3A_163 = arith.constant 0 : i32
    %dma_start3A_164 = tpu.memref_slice %arg8[%dma_start3A_162, %dma_start3A_163] : memref<10240x128xf32, #tpu.memory_space<vmem_shared>> -> memref<10240x128xf32, #tpu.memory_space<vmem_shared>>
    tpu.enqueue_indirect_dma source(%dma_start3A_158 : memref<128x128xf32, #tpu.memory_space<vmem>>) target(%dma_start3A_164 : memref<10240x128xf32, #tpu.memory_space<vmem_shared>>) offsets(%dma_start3A_161 : memref<128xi32, #tpu.memory_space<vmem>>) semaphore(%arg11 : memref<!tpu.dma_semaphore, #tpu.memory_space<semaphore_mem>>) {add = true}
    %dma_wait3A_165 = arith.constant 78 : i32
    %dma_wait3A_166 = arith.constant 1 : i32
    %dma_wait3A_167 = arith.constant 0 : i32
    %dma_wait3A_168 = arith.constant 0 : i32
    %dma_wait3A_169 = tpu.memref_slice %arg7[%dma_wait3A_166, %dma_wait3A_167, %dma_wait3A_168] : memref<2x128x128xf32, #tpu.memory_space<vmem>> -> memref<1x128x128xf32, #tpu.memory_space<vmem>>
    %dma_wait3A_170 = tpu.memref_squeeze %dma_wait3A_169 : memref<1x128x128xf32, #tpu.memory_space<vmem>> -> memref<128x128xf32, #tpu.memory_space<vmem>>
    %dma_wait3A_171 = arith.constant 0 : i32
    %dma_wait3A_172 = tpu.memref_slice %arg6[%dma_wait3A_165, %dma_wait3A_171] : memref<80x128xi32, #tpu.memory_space<vmem>> -> memref<1x128xi32, #tpu.memory_space<vmem>>
    %dma_wait3A_173 = tpu.memref_squeeze %dma_wait3A_172 : memref<1x128xi32, #tpu.memory_space<vmem>> -> memref<128xi32, #tpu.memory_space<vmem>>
    %dma_wait3A_174 = arith.constant 0 : i32
    %dma_wait3A_175 = arith.constant 0 : i32
    %dma_wait3A_176 = tpu.memref_slice %arg2[%dma_wait3A_174, %dma_wait3A_175] : memref<10240x128xf32, #tpu.memory_space<hbm>> -> memref<10240x128xf32, #tpu.memory_space<hbm>>
    tpu.wait_indirect_dma semaphore(%arg10 : memref<!tpu.dma_semaphore, #tpu.memory_space<semaphore_mem>>) src(%dma_wait3A_176 : memref<10240x128xf32, #tpu.memory_space<hbm>>) dst(%dma_wait3A_170 : memref<128x128xf32, #tpu.memory_space<vmem>>)
    %dma_start3A_177 = arith.constant 1 : i32
    %dma_start3A_178 = arith.constant 79 : i32
    %dma_start3A_179 = arith.constant 0 : i32
    %dma_start3A_180 = arith.constant 0 : i32
    %dma_start3A_181 = tpu.memref_slice %arg7[%dma_start3A_177, %dma_start3A_179, %dma_start3A_180] : memref<2x128x128xf32, #tpu.memory_space<vmem>> -> memref<1x128x128xf32, #tpu.memory_space<vmem>>
    %dma_start3A_182 = tpu.memref_squeeze %dma_start3A_181 : memref<1x128x128xf32, #tpu.memory_space<vmem>> -> memref<128x128xf32, #tpu.memory_space<vmem>>
    %dma_start3A_183 = arith.constant 0 : i32
    %dma_start3A_184 = tpu.memref_slice %arg6[%dma_start3A_178, %dma_start3A_183] : memref<80x128xi32, #tpu.memory_space<vmem>> -> memref<1x128xi32, #tpu.memory_space<vmem>>
    %dma_start3A_185 = tpu.memref_squeeze %dma_start3A_184 : memref<1x128xi32, #tpu.memory_space<vmem>> -> memref<128xi32, #tpu.memory_space<vmem>>
    %dma_start3A_186 = arith.constant 0 : i32
    %dma_start3A_187 = arith.constant 0 : i32
    %dma_start3A_188 = tpu.memref_slice %arg8[%dma_start3A_186, %dma_start3A_187] : memref<10240x128xf32, #tpu.memory_space<vmem_shared>> -> memref<10240x128xf32, #tpu.memory_space<vmem_shared>>
    tpu.enqueue_indirect_dma source(%dma_start3A_182 : memref<128x128xf32, #tpu.memory_space<vmem>>) target(%dma_start3A_188 : memref<10240x128xf32, #tpu.memory_space<vmem_shared>>) offsets(%dma_start3A_185 : memref<128xi32, #tpu.memory_space<vmem>>) semaphore(%arg12 : memref<!tpu.dma_semaphore, #tpu.memory_space<semaphore_mem>>) {add = true}
    %dma_wait3A_189 = arith.constant 0 : i32
    %dma_wait3A_190 = arith.constant 77 : i32
    %dma_wait3A_191 = arith.constant 0 : i32
    %dma_wait3A_192 = arith.constant 0 : i32
    %dma_wait3A_193 = tpu.memref_slice %arg7[%dma_wait3A_189, %dma_wait3A_191, %dma_wait3A_192] : memref<2x128x128xf32, #tpu.memory_space<vmem>> -> memref<1x128x128xf32, #tpu.memory_space<vmem>>
    %dma_wait3A_194 = tpu.memref_squeeze %dma_wait3A_193 : memref<1x128x128xf32, #tpu.memory_space<vmem>> -> memref<128x128xf32, #tpu.memory_space<vmem>>
    %dma_wait3A_195 = arith.constant 0 : i32
    %dma_wait3A_196 = tpu.memref_slice %arg6[%dma_wait3A_190, %dma_wait3A_195] : memref<80x128xi32, #tpu.memory_space<vmem>> -> memref<1x128xi32, #tpu.memory_space<vmem>>
    %dma_wait3A_197 = tpu.memref_squeeze %dma_wait3A_196 : memref<1x128xi32, #tpu.memory_space<vmem>> -> memref<128xi32, #tpu.memory_space<vmem>>
    %dma_wait3A_198 = arith.constant 0 : i32
    %dma_wait3A_199 = arith.constant 0 : i32
    %dma_wait3A_200 = tpu.memref_slice %arg8[%dma_wait3A_198, %dma_wait3A_199] : memref<10240x128xf32, #tpu.memory_space<vmem_shared>> -> memref<10240x128xf32, #tpu.memory_space<vmem_shared>>
    tpu.wait_indirect_dma semaphore(%arg11 : memref<!tpu.dma_semaphore, #tpu.memory_space<semaphore_mem>>) src(%dma_wait3A_194 : memref<128x128xf32, #tpu.memory_space<vmem>>) dst(%dma_wait3A_200 : memref<10240x128xf32, #tpu.memory_space<vmem_shared>>)
    %dma_wait3A_201 = arith.constant 1 : i32
    %dma_wait3A_202 = arith.constant 79 : i32
    %dma_wait3A_203 = arith.constant 0 : i32
    %dma_wait3A_204 = arith.constant 0 : i32
    %dma_wait3A_205 = tpu.memref_slice %arg7[%dma_wait3A_201, %dma_wait3A_203, %dma_wait3A_204] : memref<2x128x128xf32, #tpu.memory_space<vmem>> -> memref<1x128x128xf32, #tpu.memory_space<vmem>>
    %dma_wait3A_206 = tpu.memref_squeeze %dma_wait3A_205 : memref<1x128x128xf32, #tpu.memory_space<vmem>> -> memref<128x128xf32, #tpu.memory_space<vmem>>
    %dma_wait3A_207 = arith.constant 0 : i32
    %dma_wait3A_208 = tpu.memref_slice %arg6[%dma_wait3A_202, %dma_wait3A_207] : memref<80x128xi32, #tpu.memory_space<vmem>> -> memref<1x128xi32, #tpu.memory_space<vmem>>
    %dma_wait3A_209 = tpu.memref_squeeze %dma_wait3A_208 : memref<1x128xi32, #tpu.memory_space<vmem>> -> memref<128xi32, #tpu.memory_space<vmem>>
    %dma_wait3A_210 = arith.constant 0 : i32
    %dma_wait3A_211 = arith.constant 0 : i32
    %dma_wait3A_212 = tpu.memref_slice %arg8[%dma_wait3A_210, %dma_wait3A_211] : memref<10240x128xf32, #tpu.memory_space<vmem_shared>> -> memref<10240x128xf32, #tpu.memory_space<vmem_shared>>
    tpu.wait_indirect_dma semaphore(%arg12 : memref<!tpu.dma_semaphore, #tpu.memory_space<semaphore_mem>>) src(%dma_wait3A_206 : memref<128x128xf32, #tpu.memory_space<vmem>>) dst(%dma_wait3A_212 : memref<10240x128xf32, #tpu.memory_space<vmem_shared>>)
    %barrier3A_213 = arith.constant 0 : index
    tpu.barrier barrier_id(%barrier3A_213)
    "tpu.region"() ({
      %run_scoped3A_214 = tpu.sem_alloc : memref<!tpu.dma_semaphore, #tpu.memory_space<semaphore_mem>>
      %dma_start3A_215 = arith.constant 0 : i32
      %dma_start3A_216 = tpu.memref_slice %arg5[%arg0, %mul3A_0, %dma_start3A_215] : memref<2x10240x128xf32, #tpu.memory_space<hbm>> -> memref<1x640x128xf32, #tpu.memory_space<hbm>>
      %dma_start3A_217 = tpu.memref_squeeze %dma_start3A_216 : memref<1x640x128xf32, #tpu.memory_space<hbm>> -> memref<640x128xf32, #tpu.memory_space<hbm>>
      %dma_start3A_218 = arith.constant 0 : i32
      %dma_start3A_219 = tpu.memref_slice %arg8[%mul3A_0, %dma_start3A_218] : memref<10240x128xf32, #tpu.memory_space<vmem_shared>> -> memref<640x128xf32, #tpu.memory_space<vmem_shared>>
      tpu.enqueue_dma source(%dma_start3A_219 : memref<640x128xf32, #tpu.memory_space<vmem_shared>>) target(%dma_start3A_217 : memref<640x128xf32, #tpu.memory_space<hbm>>) target_semaphore(%run_scoped3A_214 : memref<!tpu.dma_semaphore, #tpu.memory_space<semaphore_mem>>)
      %dma_wait3A_220 = arith.constant 0 : i32
      %dma_wait3A_221 = tpu.memref_slice %arg5[%arg0, %mul3A_0, %dma_wait3A_220] : memref<2x10240x128xf32, #tpu.memory_space<hbm>> -> memref<1x640x128xf32, #tpu.memory_space<hbm>>
      %dma_wait3A_222 = tpu.memref_squeeze %dma_wait3A_221 : memref<1x640x128xf32, #tpu.memory_space<hbm>> -> memref<640x128xf32, #tpu.memory_space<hbm>>
      %dma_wait3A_223 = arith.constant 0 : i32
      %dma_wait3A_224 = tpu.memref_slice %arg8[%mul3A_0, %dma_wait3A_223] : memref<10240x128xf32, #tpu.memory_space<vmem_shared>> -> memref<640x128xf32, #tpu.memory_space<vmem_shared>>
      tpu.wait_dma2 semaphore(%run_scoped3A_214 : memref<!tpu.dma_semaphore, #tpu.memory_space<semaphore_mem>>) src(%dma_wait3A_224 : memref<640x128xf32, #tpu.memory_space<vmem_shared>>) dst(%dma_wait3A_222 : memref<640x128xf32, #tpu.memory_space<hbm>>)
      tpu.yield
    }) : () -> ()
    return
  }
}

#map = affine_map<(d0, d1) -> (0, 0)>
#map1 = affine_map<(d0, d1) -> (0, 0, 0, 0, 0)>
#map2 = affine_map<(d0, d1) -> (0, 0, 0)>
module attributes {stable_mosaic.version = 14 : i64} {
  func.func @agg_kernel(%arg0: i32, %arg1: i32, %arg2: memref<10240x128xf32, #tpu.memory_space<hbm>>, %arg3: memref<10240x128xf32, #tpu.memory_space<hbm>>, %arg4: memref<2x16x2x80x128xi32, #tpu.memory_space<hbm>>, %arg5: memref<2x10240x128xf32, #tpu.memory_space<hbm>>, %arg6: memref<80x128xi32, #tpu.memory_space<vmem>>, %arg7: memref<2x128x128xf32, #tpu.memory_space<vmem>>, %arg8: memref<10240x128xf32, #tpu.memory_space<vmem_shared>>, %arg9: memref<!tpu.dma_semaphore, #tpu.memory_space<semaphore_mem>>, %arg10: memref<!tpu.dma_semaphore, #tpu.memory_space<semaphore_mem>>, %arg11: memref<!tpu.dma_semaphore, #tpu.memory_space<semaphore_mem>>, %arg12: memref<!tpu.dma_semaphore, #tpu.memory_space<semaphore_mem>>, %arg13: memref<!tpu.dma_semaphore, #tpu.memory_space<semaphore_mem>>) attributes {dimension_semantics = [#tpu.dimension_semantics<core_parallel>, #tpu.dimension_semantics<subcore_parallel>], iteration_bounds = array<i64: 2, 16>, scalar_prefetch = 0 : i64, scratch_operands = 8 : i64, tpu.core_type = #tpu.core_type<sc_vector_subcore>, window_params = [{transform_indices = #map}, {transform_indices = #map}, {transform_indices = #map1}, {transform_indices = #map2}]} {
    %mul3A = arith.constant 640 : i32
    %mul3A_0 = arith.muli %arg1, %mul3A : i32
    %run_scoped3A = arith.constant 0 : i32
    "tpu.region"() ({
      %run_scoped3A_214 = tpu.sem_alloc : memref<!tpu.dma_semaphore, #tpu.memory_space<semaphore_mem>>
      %dma_start3A_215 = arith.constant 0 : i32
      %dma_start3A_216 = arith.constant 0 : i32
      %dma_start3A_217 = tpu.memref_slice %arg4[%arg0, %arg1, %run_scoped3A, %dma_start3A_215, %dma_start3A_216] : memref<2x16x2x80x128xi32, #tpu.memory_space<hbm>> -> memref<1x1x1x80x128xi32, #tpu.memory_space<hbm>>
      %dma_start3A_218 = tpu.memref_squeeze %dma_start3A_217 : memref<1x1x1x80x128xi32, #tpu.memory_space<hbm>> -> memref<80x128xi32, #tpu.memory_space<hbm>>
      %dma_start3A_219 = arith.constant 0 : i32
      %dma_start3A_220 = arith.constant 0 : i32
      %dma_start3A_221 = tpu.memref_slice %arg4[%arg0, %arg1, %run_scoped3A, %dma_start3A_219, %dma_start3A_220] : memref<2x16x2x80x128xi32, #tpu.memory_space<hbm>> -> memref<1x1x1x80x128xi32, #tpu.memory_space<hbm>>
      %dma_start3A_222 = tpu.memref_squeeze %dma_start3A_221 : memref<1x1x1x80x128xi32, #tpu.memory_space<hbm>> -> memref<80x128xi32, #tpu.memory_space<hbm>>
      tpu.enqueue_dma source(%dma_start3A_222 : memref<80x128xi32, #tpu.memory_space<hbm>>) target(%arg6 : memref<80x128xi32, #tpu.memory_space<vmem>>) target_semaphore(%run_scoped3A_214 : memref<!tpu.dma_semaphore, #tpu.memory_space<semaphore_mem>>)
      %dma_wait3A_223 = arith.constant 0 : i32
      %dma_wait3A_224 = arith.constant 0 : i32
      %dma_wait3A_225 = tpu.memref_slice %arg4[%arg0, %arg1, %run_scoped3A, %dma_wait3A_223, %dma_wait3A_224] : memref<2x16x2x80x128xi32, #tpu.memory_space<hbm>> -> memref<1x1x1x80x128xi32, #tpu.memory_space<hbm>>
      %dma_wait3A_226 = tpu.memref_squeeze %dma_wait3A_225 : memref<1x1x1x80x128xi32, #tpu.memory_space<hbm>> -> memref<80x128xi32, #tpu.memory_space<hbm>>
      %dma_wait3A_227 = arith.constant 0 : i32
      %dma_wait3A_228 = arith.constant 0 : i32
      %dma_wait3A_229 = tpu.memref_slice %arg4[%arg0, %arg1, %run_scoped3A, %dma_wait3A_227, %dma_wait3A_228] : memref<2x16x2x80x128xi32, #tpu.memory_space<hbm>> -> memref<1x1x1x80x128xi32, #tpu.memory_space<hbm>>
      %dma_wait3A_230 = tpu.memref_squeeze %dma_wait3A_229 : memref<1x1x1x80x128xi32, #tpu.memory_space<hbm>> -> memref<80x128xi32, #tpu.memory_space<hbm>>
      tpu.wait_dma2 semaphore(%run_scoped3A_214 : memref<!tpu.dma_semaphore, #tpu.memory_space<semaphore_mem>>) src(%dma_wait3A_230 : memref<80x128xi32, #tpu.memory_space<hbm>>) dst(%arg6 : memref<80x128xi32, #tpu.memory_space<vmem>>)
      tpu.yield
    }) : () -> ()
    %eq3A = arith.constant 0 : i32
    %eq3A_1 = arith.cmpi eq, %arg0, %eq3A : i32
    %convert_element_type3A = arith.extui %eq3A_1 : i1 to i32
    %cond3A = arith.constant 0 : i32
    %cond3A_2 = arith.cmpi ne, %convert_element_type3A, %cond3A : i32
    scf.if %cond3A_2 {
      %dma_start3A_214 = arith.constant 0 : i32
      %dma_start3A_215 = tpu.memref_slice %arg8[%mul3A_0, %dma_start3A_214] : memref<10240x128xf32, #tpu.memory_space<vmem_shared>> -> memref<640x128xf32, #tpu.memory_space<vmem_shared>>
      %dma_start3A_216 = arith.constant 0 : i32
      %dma_start3A_217 = tpu.memref_slice %arg2[%mul3A_0, %dma_start3A_216] : memref<10240x128xf32, #tpu.memory_space<hbm>> -> memref<640x128xf32, #tpu.memory_space<hbm>>
      tpu.enqueue_dma source(%dma_start3A_217 : memref<640x128xf32, #tpu.memory_space<hbm>>) target(%dma_start3A_215 : memref<640x128xf32, #tpu.memory_space<vmem_shared>>) target_semaphore(%arg13 : memref<!tpu.dma_semaphore, #tpu.memory_space<semaphore_mem>>)
    } else {
    }
    %ne3A = arith.constant 0 : i32
    %ne3A_3 = arith.cmpi ne, %arg0, %ne3A : i32
    %convert_element_type3A_4 = arith.extui %ne3A_3 : i1 to i32
    %cond3A_5 = arith.constant 0 : i32
    %cond3A_6 = arith.cmpi ne, %convert_element_type3A_4, %cond3A_5 : i32
    scf.if %cond3A_6 {
      %dma_start3A_214 = arith.constant 0 : i32
      %dma_start3A_215 = tpu.memref_slice %arg8[%mul3A_0, %dma_start3A_214] : memref<10240x128xf32, #tpu.memory_space<vmem_shared>> -> memref<640x128xf32, #tpu.memory_space<vmem_shared>>
      %dma_start3A_216 = arith.constant 0 : i32
      %dma_start3A_217 = tpu.memref_slice %arg3[%mul3A_0, %dma_start3A_216] : memref<10240x128xf32, #tpu.memory_space<hbm>> -> memref<640x128xf32, #tpu.memory_space<hbm>>
      tpu.enqueue_dma source(%dma_start3A_217 : memref<640x128xf32, #tpu.memory_space<hbm>>) target(%dma_start3A_215 : memref<640x128xf32, #tpu.memory_space<vmem_shared>>) target_semaphore(%arg13 : memref<!tpu.dma_semaphore, #tpu.memory_space<semaphore_mem>>)
    } else {
    }
    %dma_wait3A = arith.constant 0 : i32
    %dma_wait3A_7 = tpu.memref_slice %arg8[%mul3A_0, %dma_wait3A] : memref<10240x128xf32, #tpu.memory_space<vmem_shared>> -> memref<640x128xf32, #tpu.memory_space<vmem_shared>>
    %dma_wait3A_8 = arith.constant 0 : i32
    %dma_wait3A_9 = tpu.memref_slice %arg3[%mul3A_0, %dma_wait3A_8] : memref<10240x128xf32, #tpu.memory_space<hbm>> -> memref<640x128xf32, #tpu.memory_space<hbm>>
    tpu.wait_dma2 semaphore(%arg13 : memref<!tpu.dma_semaphore, #tpu.memory_space<semaphore_mem>>) src(%dma_wait3A_9 : memref<640x128xf32, #tpu.memory_space<hbm>>) dst(%dma_wait3A_7 : memref<640x128xf32, #tpu.memory_space<vmem_shared>>)
    %barrier3A = arith.constant 0 : index
    tpu.barrier barrier_id(%barrier3A)
    %dma_start3A = arith.constant 0 : i32
    %dma_start3A_10 = arith.constant 0 : i32
    %dma_start3A_11 = arith.constant 0 : i32
    %dma_start3A_12 = arith.constant 0 : i32
    %dma_start3A_13 = tpu.memref_slice %arg7[%dma_start3A_10, %dma_start3A_11, %dma_start3A_12] : memref<2x128x128xf32, #tpu.memory_space<vmem>> -> memref<1x128x128xf32, #tpu.memory_space<vmem>>
    %dma_start3A_14 = tpu.memref_squeeze %dma_start3A_13 : memref<1x128x128xf32, #tpu.memory_space<vmem>> -> memref<128x128xf32, #tpu.memory_space<vmem>>
    %dma_start3A_15 = arith.constant 0 : i32
    %dma_start3A_16 = tpu.memref_slice %arg6[%dma_start3A, %dma_start3A_15] : memref<80x128xi32, #tpu.memory_space<vmem>> -> memref<1x128xi32, #tpu.memory_space<vmem>>
    %dma_start3A_17 = tpu.memref_squeeze %dma_start3A_16 : memref<1x128xi32, #tpu.memory_space<vmem>> -> memref<128xi32, #tpu.memory_space<vmem>>
    %dma_start3A_18 = arith.constant 0 : i32
    %dma_start3A_19 = arith.constant 0 : i32
    %dma_start3A_20 = tpu.memref_slice %arg2[%dma_start3A_18, %dma_start3A_19] : memref<10240x128xf32, #tpu.memory_space<hbm>> -> memref<10240x128xf32, #tpu.memory_space<hbm>>
    tpu.enqueue_indirect_dma source(%dma_start3A_20 : memref<10240x128xf32, #tpu.memory_space<hbm>>) target(%dma_start3A_14 : memref<128x128xf32, #tpu.memory_space<vmem>>) offsets(%dma_start3A_17 : memref<128xi32, #tpu.memory_space<vmem>>) semaphore(%arg9 : memref<!tpu.dma_semaphore, #tpu.memory_space<semaphore_mem>>)
    %dma_start3A_21 = arith.constant 2 : i32
    %dma_start3A_22 = arith.constant 1 : i32
    %dma_start3A_23 = arith.constant 0 : i32
    %dma_start3A_24 = arith.constant 0 : i32
    %dma_start3A_25 = tpu.memref_slice %arg7[%dma_start3A_22, %dma_start3A_23, %dma_start3A_24] : memref<2x128x128xf32, #tpu.memory_space<vmem>> -> memref<1x128x128xf32, #tpu.memory_space<vmem>>
    %dma_start3A_26 = tpu.memref_squeeze %dma_start3A_25 : memref<1x128x128xf32, #tpu.memory_space<vmem>> -> memref<128x128xf32, #tpu.memory_space<vmem>>
    %dma_start3A_27 = arith.constant 0 : i32
    %dma_start3A_28 = tpu.memref_slice %arg6[%dma_start3A_21, %dma_start3A_27] : memref<80x128xi32, #tpu.memory_space<vmem>> -> memref<1x128xi32, #tpu.memory_space<vmem>>
    %dma_start3A_29 = tpu.memref_squeeze %dma_start3A_28 : memref<1x128xi32, #tpu.memory_space<vmem>> -> memref<128xi32, #tpu.memory_space<vmem>>
    %dma_start3A_30 = arith.constant 0 : i32
    %dma_start3A_31 = arith.constant 0 : i32
    %dma_start3A_32 = tpu.memref_slice %arg2[%dma_start3A_30, %dma_start3A_31] : memref<10240x128xf32, #tpu.memory_space<hbm>> -> memref<10240x128xf32, #tpu.memory_space<hbm>>
    tpu.enqueue_indirect_dma source(%dma_start3A_32 : memref<10240x128xf32, #tpu.memory_space<hbm>>) target(%dma_start3A_26 : memref<128x128xf32, #tpu.memory_space<vmem>>) offsets(%dma_start3A_29 : memref<128xi32, #tpu.memory_space<vmem>>) semaphore(%arg10 : memref<!tpu.dma_semaphore, #tpu.memory_space<semaphore_mem>>)
    %scan3A = arith.constant 0 : i32
    %scan3A_33 = arith.constant 0 : i32
    %scan3A_34 = arith.constant 19 : i32
    %scan3A_35 = arith.addi %scan3A_33, %scan3A_34 : i32
    %scan3A_36 = arith.constant 1 : i32
    scf.for %scan3A_214 = %scan3A_33 to %scan3A_35 step %scan3A_36  : i32 {
      %mul3A_215 = arith.constant 2 : i32
      %mul3A_216 = arith.muli %mul3A_215, %scan3A_214 : i32
      %add3A = arith.constant 0 : i32
      %add3A_217 = arith.addi %mul3A_216, %add3A : i32
      %mul3A_218 = arith.constant 2 : i32
      %mul3A_219 = arith.muli %mul3A_218, %add3A_217 : i32
      %dma_wait3A_220 = arith.constant 0 : i32
      %dma_wait3A_221 = arith.constant 0 : i32
      %dma_wait3A_222 = arith.constant 0 : i32
      %dma_wait3A_223 = tpu.memref_slice %arg7[%dma_wait3A_220, %dma_wait3A_221, %dma_wait3A_222] : memref<2x128x128xf32, #tpu.memory_space<vmem>> -> memref<1x128x128xf32, #tpu.memory_space<vmem>>
      %dma_wait3A_224 = tpu.memref_squeeze %dma_wait3A_223 : memref<1x128x128xf32, #tpu.memory_space<vmem>> -> memref<128x128xf32, #tpu.memory_space<vmem>>
      %dma_wait3A_225 = arith.constant 0 : i32
      %dma_wait3A_226 = tpu.memref_slice %arg6[%mul3A_219, %dma_wait3A_225] : memref<80x128xi32, #tpu.memory_space<vmem>> -> memref<1x128xi32, #tpu.memory_space<vmem>>
      %dma_wait3A_227 = tpu.memref_squeeze %dma_wait3A_226 : memref<1x128xi32, #tpu.memory_space<vmem>> -> memref<128xi32, #tpu.memory_space<vmem>>
      %dma_wait3A_228 = arith.constant 0 : i32
      %dma_wait3A_229 = arith.constant 0 : i32
      %dma_wait3A_230 = tpu.memref_slice %arg2[%dma_wait3A_228, %dma_wait3A_229] : memref<10240x128xf32, #tpu.memory_space<hbm>> -> memref<10240x128xf32, #tpu.memory_space<hbm>>
      tpu.wait_indirect_dma semaphore(%arg9 : memref<!tpu.dma_semaphore, #tpu.memory_space<semaphore_mem>>) src(%dma_wait3A_230 : memref<10240x128xf32, #tpu.memory_space<hbm>>) dst(%dma_wait3A_224 : memref<128x128xf32, #tpu.memory_space<vmem>>)
      %mul3A_231 = arith.constant 2 : i32
      %mul3A_232 = arith.muli %mul3A_231, %add3A_217 : i32
      %add3A_233 = arith.constant 1 : i32
      %add3A_234 = arith.addi %mul3A_232, %add3A_233 : i32
      %dma_start3A_235 = arith.constant 0 : i32
      %dma_start3A_236 = arith.constant 0 : i32
      %dma_start3A_237 = arith.constant 0 : i32
      %dma_start3A_238 = tpu.memref_slice %arg7[%dma_start3A_235, %dma_start3A_236, %dma_start3A_237] : memref<2x128x128xf32, #tpu.memory_space<vmem>> -> memref<1x128x128xf32, #tpu.memory_space<vmem>>
      %dma_start3A_239 = tpu.memref_squeeze %dma_start3A_238 : memref<1x128x128xf32, #tpu.memory_space<vmem>> -> memref<128x128xf32, #tpu.memory_space<vmem>>
      %dma_start3A_240 = arith.constant 0 : i32
      %dma_start3A_241 = tpu.memref_slice %arg6[%add3A_234, %dma_start3A_240] : memref<80x128xi32, #tpu.memory_space<vmem>> -> memref<1x128xi32, #tpu.memory_space<vmem>>
      %dma_start3A_242 = tpu.memref_squeeze %dma_start3A_241 : memref<1x128xi32, #tpu.memory_space<vmem>> -> memref<128xi32, #tpu.memory_space<vmem>>
      %dma_start3A_243 = arith.constant 0 : i32
      %dma_start3A_244 = arith.constant 0 : i32
      %dma_start3A_245 = tpu.memref_slice %arg8[%dma_start3A_243, %dma_start3A_244] : memref<10240x128xf32, #tpu.memory_space<vmem_shared>> -> memref<10240x128xf32, #tpu.memory_space<vmem_shared>>
      tpu.enqueue_indirect_dma source(%dma_start3A_239 : memref<128x128xf32, #tpu.memory_space<vmem>>) target(%dma_start3A_245 : memref<10240x128xf32, #tpu.memory_space<vmem_shared>>) offsets(%dma_start3A_242 : memref<128xi32, #tpu.memory_space<vmem>>) semaphore(%arg11 : memref<!tpu.dma_semaphore, #tpu.memory_space<semaphore_mem>>) {add = true}
      %mul3A_246 = arith.constant 2 : i32
      %mul3A_247 = arith.muli %mul3A_246, %scan3A_214 : i32
      %add3A_248 = arith.constant 1 : i32
      %add3A_249 = arith.addi %mul3A_247, %add3A_248 : i32
      %mul3A_250 = arith.constant 2 : i32
      %mul3A_251 = arith.muli %mul3A_250, %add3A_249 : i32
      %dma_wait3A_252 = arith.constant 1 : i32
      %dma_wait3A_253 = arith.constant 0 : i32
      %dma_wait3A_254 = arith.constant 0 : i32
      %dma_wait3A_255 = tpu.memref_slice %arg7[%dma_wait3A_252, %dma_wait3A_253, %dma_wait3A_254] : memref<2x128x128xf32, #tpu.memory_space<vmem>> -> memref<1x128x128xf32, #tpu.memory_space<vmem>>
      %dma_wait3A_256 = tpu.memref_squeeze %dma_wait3A_255 : memref<1x128x128xf32, #tpu.memory_space<vmem>> -> memref<128x128xf32, #tpu.memory_space<vmem>>
      %dma_wait3A_257 = arith.constant 0 : i32
      %dma_wait3A_258 = tpu.memref_slice %arg6[%mul3A_251, %dma_wait3A_257] : memref<80x128xi32, #tpu.memory_space<vmem>> -> memref<1x128xi32, #tpu.memory_space<vmem>>
      %dma_wait3A_259 = tpu.memref_squeeze %dma_wait3A_258 : memref<1x128xi32, #tpu.memory_space<vmem>> -> memref<128xi32, #tpu.memory_space<vmem>>
      %dma_wait3A_260 = arith.constant 0 : i32
      %dma_wait3A_261 = arith.constant 0 : i32
      %dma_wait3A_262 = tpu.memref_slice %arg2[%dma_wait3A_260, %dma_wait3A_261] : memref<10240x128xf32, #tpu.memory_space<hbm>> -> memref<10240x128xf32, #tpu.memory_space<hbm>>
      tpu.wait_indirect_dma semaphore(%arg10 : memref<!tpu.dma_semaphore, #tpu.memory_space<semaphore_mem>>) src(%dma_wait3A_262 : memref<10240x128xf32, #tpu.memory_space<hbm>>) dst(%dma_wait3A_256 : memref<128x128xf32, #tpu.memory_space<vmem>>)
      %mul3A_263 = arith.constant 2 : i32
      %mul3A_264 = arith.muli %mul3A_263, %add3A_249 : i32
      %add3A_265 = arith.constant 1 : i32
      %add3A_266 = arith.addi %mul3A_264, %add3A_265 : i32
      %dma_start3A_267 = arith.constant 1 : i32
      %dma_start3A_268 = arith.constant 0 : i32
      %dma_start3A_269 = arith.constant 0 : i32
      %dma_start3A_270 = tpu.memref_slice %arg7[%dma_start3A_267, %dma_start3A_268, %dma_start3A_269] : memref<2x128x128xf32, #tpu.memory_space<vmem>> -> memref<1x128x128xf32, #tpu.memory_space<vmem>>
      %dma_start3A_271 = tpu.memref_squeeze %dma_start3A_270 : memref<1x128x128xf32, #tpu.memory_space<vmem>> -> memref<128x128xf32, #tpu.memory_space<vmem>>
      %dma_start3A_272 = arith.constant 0 : i32
      %dma_start3A_273 = tpu.memref_slice %arg6[%add3A_266, %dma_start3A_272] : memref<80x128xi32, #tpu.memory_space<vmem>> -> memref<1x128xi32, #tpu.memory_space<vmem>>
      %dma_start3A_274 = tpu.memref_squeeze %dma_start3A_273 : memref<1x128xi32, #tpu.memory_space<vmem>> -> memref<128xi32, #tpu.memory_space<vmem>>
      %dma_start3A_275 = arith.constant 0 : i32
      %dma_start3A_276 = arith.constant 0 : i32
      %dma_start3A_277 = tpu.memref_slice %arg8[%dma_start3A_275, %dma_start3A_276] : memref<10240x128xf32, #tpu.memory_space<vmem_shared>> -> memref<10240x128xf32, #tpu.memory_space<vmem_shared>>
      tpu.enqueue_indirect_dma source(%dma_start3A_271 : memref<128x128xf32, #tpu.memory_space<vmem>>) target(%dma_start3A_277 : memref<10240x128xf32, #tpu.memory_space<vmem_shared>>) offsets(%dma_start3A_274 : memref<128xi32, #tpu.memory_space<vmem>>) semaphore(%arg12 : memref<!tpu.dma_semaphore, #tpu.memory_space<semaphore_mem>>) {add = true}
      %mul3A_278 = arith.constant 2 : i32
      %mul3A_279 = arith.muli %mul3A_278, %scan3A_214 : i32
      %add3A_280 = arith.constant 0 : i32
      %add3A_281 = arith.addi %mul3A_279, %add3A_280 : i32
      %mul3A_282 = arith.constant 2 : i32
      %mul3A_283 = arith.muli %mul3A_282, %add3A_281 : i32
      %add3A_284 = arith.constant 1 : i32
      %add3A_285 = arith.addi %mul3A_283, %add3A_284 : i32
      %dma_wait3A_286 = arith.constant 0 : i32
      %dma_wait3A_287 = arith.constant 0 : i32
      %dma_wait3A_288 = arith.constant 0 : i32
      %dma_wait3A_289 = tpu.memref_slice %arg7[%dma_wait3A_286, %dma_wait3A_287, %dma_wait3A_288] : memref<2x128x128xf32, #tpu.memory_space<vmem>> -> memref<1x128x128xf32, #tpu.memory_space<vmem>>
      %dma_wait3A_290 = tpu.memref_squeeze %dma_wait3A_289 : memref<1x128x128xf32, #tpu.memory_space<vmem>> -> memref<128x128xf32, #tpu.memory_space<vmem>>
      %dma_wait3A_291 = arith.constant 0 : i32
      %dma_wait3A_292 = tpu.memref_slice %arg6[%add3A_285, %dma_wait3A_291] : memref<80x128xi32, #tpu.memory_space<vmem>> -> memref<1x128xi32, #tpu.memory_space<vmem>>
      %dma_wait3A_293 = tpu.memref_squeeze %dma_wait3A_292 : memref<1x128xi32, #tpu.memory_space<vmem>> -> memref<128xi32, #tpu.memory_space<vmem>>
      %dma_wait3A_294 = arith.constant 0 : i32
      %dma_wait3A_295 = arith.constant 0 : i32
      %dma_wait3A_296 = tpu.memref_slice %arg8[%dma_wait3A_294, %dma_wait3A_295] : memref<10240x128xf32, #tpu.memory_space<vmem_shared>> -> memref<10240x128xf32, #tpu.memory_space<vmem_shared>>
      tpu.wait_indirect_dma semaphore(%arg11 : memref<!tpu.dma_semaphore, #tpu.memory_space<semaphore_mem>>) src(%dma_wait3A_290 : memref<128x128xf32, #tpu.memory_space<vmem>>) dst(%dma_wait3A_296 : memref<10240x128xf32, #tpu.memory_space<vmem_shared>>)
      %add3A_297 = arith.constant 2 : i32
      %add3A_298 = arith.addi %add3A_281, %add3A_297 : i32
      %mul3A_299 = arith.constant 2 : i32
      %mul3A_300 = arith.muli %mul3A_299, %add3A_298 : i32
      %dma_start3A_301 = arith.constant 0 : i32
      %dma_start3A_302 = arith.constant 0 : i32
      %dma_start3A_303 = arith.constant 0 : i32
      %dma_start3A_304 = tpu.memref_slice %arg7[%dma_start3A_301, %dma_start3A_302, %dma_start3A_303] : memref<2x128x128xf32, #tpu.memory_space<vmem>> -> memref<1x128x128xf32, #tpu.memory_space<vmem>>
      %dma_start3A_305 = tpu.memref_squeeze %dma_start3A_304 : memref<1x128x128xf32, #tpu.memory_space<vmem>> -> memref<128x128xf32, #tpu.memory_space<vmem>>
      %dma_start3A_306 = arith.constant 0 : i32
      %dma_start3A_307 = tpu.memref_slice %arg6[%mul3A_300, %dma_start3A_306] : memref<80x128xi32, #tpu.memory_space<vmem>> -> memref<1x128xi32, #tpu.memory_space<vmem>>
      %dma_start3A_308 = tpu.memref_squeeze %dma_start3A_307 : memref<1x128xi32, #tpu.memory_space<vmem>> -> memref<128xi32, #tpu.memory_space<vmem>>
      %dma_start3A_309 = arith.constant 0 : i32
      %dma_start3A_310 = arith.constant 0 : i32
      %dma_start3A_311 = tpu.memref_slice %arg2[%dma_start3A_309, %dma_start3A_310] : memref<10240x128xf32, #tpu.memory_space<hbm>> -> memref<10240x128xf32, #tpu.memory_space<hbm>>
      tpu.enqueue_indirect_dma source(%dma_start3A_311 : memref<10240x128xf32, #tpu.memory_space<hbm>>) target(%dma_start3A_305 : memref<128x128xf32, #tpu.memory_space<vmem>>) offsets(%dma_start3A_308 : memref<128xi32, #tpu.memory_space<vmem>>) semaphore(%arg9 : memref<!tpu.dma_semaphore, #tpu.memory_space<semaphore_mem>>)
      %mul3A_312 = arith.constant 2 : i32
      %mul3A_313 = arith.muli %mul3A_312, %scan3A_214 : i32
      %add3A_314 = arith.constant 1 : i32
      %add3A_315 = arith.addi %mul3A_313, %add3A_314 : i32
      %mul3A_316 = arith.constant 2 : i32
      %mul3A_317 = arith.muli %mul3A_316, %add3A_315 : i32
      %add3A_318 = arith.constant 1 : i32
      %add3A_319 = arith.addi %mul3A_317, %add3A_318 : i32
      %dma_wait3A_320 = arith.constant 1 : i32
      %dma_wait3A_321 = arith.constant 0 : i32
      %dma_wait3A_322 = arith.constant 0 : i32
      %dma_wait3A_323 = tpu.memref_slice %arg7[%dma_wait3A_320, %dma_wait3A_321, %dma_wait3A_322] : memref<2x128x128xf32, #tpu.memory_space<vmem>> -> memref<1x128x128xf32, #tpu.memory_space<vmem>>
      %dma_wait3A_324 = tpu.memref_squeeze %dma_wait3A_323 : memref<1x128x128xf32, #tpu.memory_space<vmem>> -> memref<128x128xf32, #tpu.memory_space<vmem>>
      %dma_wait3A_325 = arith.constant 0 : i32
      %dma_wait3A_326 = tpu.memref_slice %arg6[%add3A_319, %dma_wait3A_325] : memref<80x128xi32, #tpu.memory_space<vmem>> -> memref<1x128xi32, #tpu.memory_space<vmem>>
      %dma_wait3A_327 = tpu.memref_squeeze %dma_wait3A_326 : memref<1x128xi32, #tpu.memory_space<vmem>> -> memref<128xi32, #tpu.memory_space<vmem>>
      %dma_wait3A_328 = arith.constant 0 : i32
      %dma_wait3A_329 = arith.constant 0 : i32
      %dma_wait3A_330 = tpu.memref_slice %arg8[%dma_wait3A_328, %dma_wait3A_329] : memref<10240x128xf32, #tpu.memory_space<vmem_shared>> -> memref<10240x128xf32, #tpu.memory_space<vmem_shared>>
      tpu.wait_indirect_dma semaphore(%arg12 : memref<!tpu.dma_semaphore, #tpu.memory_space<semaphore_mem>>) src(%dma_wait3A_324 : memref<128x128xf32, #tpu.memory_space<vmem>>) dst(%dma_wait3A_330 : memref<10240x128xf32, #tpu.memory_space<vmem_shared>>)
      %add3A_331 = arith.constant 2 : i32
      %add3A_332 = arith.addi %add3A_315, %add3A_331 : i32
      %mul3A_333 = arith.constant 2 : i32
      %mul3A_334 = arith.muli %mul3A_333, %add3A_332 : i32
      %dma_start3A_335 = arith.constant 1 : i32
      %dma_start3A_336 = arith.constant 0 : i32
      %dma_start3A_337 = arith.constant 0 : i32
      %dma_start3A_338 = tpu.memref_slice %arg7[%dma_start3A_335, %dma_start3A_336, %dma_start3A_337] : memref<2x128x128xf32, #tpu.memory_space<vmem>> -> memref<1x128x128xf32, #tpu.memory_space<vmem>>
      %dma_start3A_339 = tpu.memref_squeeze %dma_start3A_338 : memref<1x128x128xf32, #tpu.memory_space<vmem>> -> memref<128x128xf32, #tpu.memory_space<vmem>>
      %dma_start3A_340 = arith.constant 0 : i32
      %dma_start3A_341 = tpu.memref_slice %arg6[%mul3A_334, %dma_start3A_340] : memref<80x128xi32, #tpu.memory_space<vmem>> -> memref<1x128xi32, #tpu.memory_space<vmem>>
      %dma_start3A_342 = tpu.memref_squeeze %dma_start3A_341 : memref<1x128xi32, #tpu.memory_space<vmem>> -> memref<128xi32, #tpu.memory_space<vmem>>
      %dma_start3A_343 = arith.constant 0 : i32
      %dma_start3A_344 = arith.constant 0 : i32
      %dma_start3A_345 = tpu.memref_slice %arg2[%dma_start3A_343, %dma_start3A_344] : memref<10240x128xf32, #tpu.memory_space<hbm>> -> memref<10240x128xf32, #tpu.memory_space<hbm>>
      tpu.enqueue_indirect_dma source(%dma_start3A_345 : memref<10240x128xf32, #tpu.memory_space<hbm>>) target(%dma_start3A_339 : memref<128x128xf32, #tpu.memory_space<vmem>>) offsets(%dma_start3A_342 : memref<128xi32, #tpu.memory_space<vmem>>) semaphore(%arg10 : memref<!tpu.dma_semaphore, #tpu.memory_space<semaphore_mem>>)
    }
    %scan3A_37 = arith.constant 19 : i32
    %dma_wait3A_38 = arith.constant 76 : i32
    %dma_wait3A_39 = arith.constant 0 : i32
    %dma_wait3A_40 = arith.constant 0 : i32
    %dma_wait3A_41 = arith.constant 0 : i32
    %dma_wait3A_42 = tpu.memref_slice %arg7[%dma_wait3A_39, %dma_wait3A_40, %dma_wait3A_41] : memref<2x128x128xf32, #tpu.memory_space<vmem>> -> memref<1x128x128xf32, #tpu.memory_space<vmem>>
    %dma_wait3A_43 = tpu.memref_squeeze %dma_wait3A_42 : memref<1x128x128xf32, #tpu.memory_space<vmem>> -> memref<128x128xf32, #tpu.memory_space<vmem>>
    %dma_wait3A_44 = arith.constant 0 : i32
    %dma_wait3A_45 = tpu.memref_slice %arg6[%dma_wait3A_38, %dma_wait3A_44] : memref<80x128xi32, #tpu.memory_space<vmem>> -> memref<1x128xi32, #tpu.memory_space<vmem>>
    %dma_wait3A_46 = tpu.memref_squeeze %dma_wait3A_45 : memref<1x128xi32, #tpu.memory_space<vmem>> -> memref<128xi32, #tpu.memory_space<vmem>>
    %dma_wait3A_47 = arith.constant 0 : i32
    %dma_wait3A_48 = arith.constant 0 : i32
    %dma_wait3A_49 = tpu.memref_slice %arg2[%dma_wait3A_47, %dma_wait3A_48] : memref<10240x128xf32, #tpu.memory_space<hbm>> -> memref<10240x128xf32, #tpu.memory_space<hbm>>
    tpu.wait_indirect_dma semaphore(%arg9 : memref<!tpu.dma_semaphore, #tpu.memory_space<semaphore_mem>>) src(%dma_wait3A_49 : memref<10240x128xf32, #tpu.memory_space<hbm>>) dst(%dma_wait3A_43 : memref<128x128xf32, #tpu.memory_space<vmem>>)
    %dma_start3A_50 = arith.constant 0 : i32
    %dma_start3A_51 = arith.constant 77 : i32
    %dma_start3A_52 = arith.constant 0 : i32
    %dma_start3A_53 = arith.constant 0 : i32
    %dma_start3A_54 = tpu.memref_slice %arg7[%dma_start3A_50, %dma_start3A_52, %dma_start3A_53] : memref<2x128x128xf32, #tpu.memory_space<vmem>> -> memref<1x128x128xf32, #tpu.memory_space<vmem>>
    %dma_start3A_55 = tpu.memref_squeeze %dma_start3A_54 : memref<1x128x128xf32, #tpu.memory_space<vmem>> -> memref<128x128xf32, #tpu.memory_space<vmem>>
    %dma_start3A_56 = arith.constant 0 : i32
    %dma_start3A_57 = tpu.memref_slice %arg6[%dma_start3A_51, %dma_start3A_56] : memref<80x128xi32, #tpu.memory_space<vmem>> -> memref<1x128xi32, #tpu.memory_space<vmem>>
    %dma_start3A_58 = tpu.memref_squeeze %dma_start3A_57 : memref<1x128xi32, #tpu.memory_space<vmem>> -> memref<128xi32, #tpu.memory_space<vmem>>
    %dma_start3A_59 = arith.constant 0 : i32
    %dma_start3A_60 = arith.constant 0 : i32
    %dma_start3A_61 = tpu.memref_slice %arg8[%dma_start3A_59, %dma_start3A_60] : memref<10240x128xf32, #tpu.memory_space<vmem_shared>> -> memref<10240x128xf32, #tpu.memory_space<vmem_shared>>
    tpu.enqueue_indirect_dma source(%dma_start3A_55 : memref<128x128xf32, #tpu.memory_space<vmem>>) target(%dma_start3A_61 : memref<10240x128xf32, #tpu.memory_space<vmem_shared>>) offsets(%dma_start3A_58 : memref<128xi32, #tpu.memory_space<vmem>>) semaphore(%arg11 : memref<!tpu.dma_semaphore, #tpu.memory_space<semaphore_mem>>) {add = true}
    %dma_wait3A_62 = arith.constant 78 : i32
    %dma_wait3A_63 = arith.constant 1 : i32
    %dma_wait3A_64 = arith.constant 0 : i32
    %dma_wait3A_65 = arith.constant 0 : i32
    %dma_wait3A_66 = tpu.memref_slice %arg7[%dma_wait3A_63, %dma_wait3A_64, %dma_wait3A_65] : memref<2x128x128xf32, #tpu.memory_space<vmem>> -> memref<1x128x128xf32, #tpu.memory_space<vmem>>
    %dma_wait3A_67 = tpu.memref_squeeze %dma_wait3A_66 : memref<1x128x128xf32, #tpu.memory_space<vmem>> -> memref<128x128xf32, #tpu.memory_space<vmem>>
    %dma_wait3A_68 = arith.constant 0 : i32
    %dma_wait3A_69 = tpu.memref_slice %arg6[%dma_wait3A_62, %dma_wait3A_68] : memref<80x128xi32, #tpu.memory_space<vmem>> -> memref<1x128xi32, #tpu.memory_space<vmem>>
    %dma_wait3A_70 = tpu.memref_squeeze %dma_wait3A_69 : memref<1x128xi32, #tpu.memory_space<vmem>> -> memref<128xi32, #tpu.memory_space<vmem>>
    %dma_wait3A_71 = arith.constant 0 : i32
    %dma_wait3A_72 = arith.constant 0 : i32
    %dma_wait3A_73 = tpu.memref_slice %arg2[%dma_wait3A_71, %dma_wait3A_72] : memref<10240x128xf32, #tpu.memory_space<hbm>> -> memref<10240x128xf32, #tpu.memory_space<hbm>>
    tpu.wait_indirect_dma semaphore(%arg10 : memref<!tpu.dma_semaphore, #tpu.memory_space<semaphore_mem>>) src(%dma_wait3A_73 : memref<10240x128xf32, #tpu.memory_space<hbm>>) dst(%dma_wait3A_67 : memref<128x128xf32, #tpu.memory_space<vmem>>)
    %dma_start3A_74 = arith.constant 1 : i32
    %dma_start3A_75 = arith.constant 79 : i32
    %dma_start3A_76 = arith.constant 0 : i32
    %dma_start3A_77 = arith.constant 0 : i32
    %dma_start3A_78 = tpu.memref_slice %arg7[%dma_start3A_74, %dma_start3A_76, %dma_start3A_77] : memref<2x128x128xf32, #tpu.memory_space<vmem>> -> memref<1x128x128xf32, #tpu.memory_space<vmem>>
    %dma_start3A_79 = tpu.memref_squeeze %dma_start3A_78 : memref<1x128x128xf32, #tpu.memory_space<vmem>> -> memref<128x128xf32, #tpu.memory_space<vmem>>
    %dma_start3A_80 = arith.constant 0 : i32
    %dma_start3A_81 = tpu.memref_slice %arg6[%dma_start3A_75, %dma_start3A_80] : memref<80x128xi32, #tpu.memory_space<vmem>> -> memref<1x128xi32, #tpu.memory_space<vmem>>
    %dma_start3A_82 = tpu.memref_squeeze %dma_start3A_81 : memref<1x128xi32, #tpu.memory_space<vmem>> -> memref<128xi32, #tpu.memory_space<vmem>>
    %dma_start3A_83 = arith.constant 0 : i32
    %dma_start3A_84 = arith.constant 0 : i32
    %dma_start3A_85 = tpu.memref_slice %arg8[%dma_start3A_83, %dma_start3A_84] : memref<10240x128xf32, #tpu.memory_space<vmem_shared>> -> memref<10240x128xf32, #tpu.memory_space<vmem_shared>>
    tpu.enqueue_indirect_dma source(%dma_start3A_79 : memref<128x128xf32, #tpu.memory_space<vmem>>) target(%dma_start3A_85 : memref<10240x128xf32, #tpu.memory_space<vmem_shared>>) offsets(%dma_start3A_82 : memref<128xi32, #tpu.memory_space<vmem>>) semaphore(%arg12 : memref<!tpu.dma_semaphore, #tpu.memory_space<semaphore_mem>>) {add = true}
    %dma_wait3A_86 = arith.constant 0 : i32
    %dma_wait3A_87 = arith.constant 77 : i32
    %dma_wait3A_88 = arith.constant 0 : i32
    %dma_wait3A_89 = arith.constant 0 : i32
    %dma_wait3A_90 = tpu.memref_slice %arg7[%dma_wait3A_86, %dma_wait3A_88, %dma_wait3A_89] : memref<2x128x128xf32, #tpu.memory_space<vmem>> -> memref<1x128x128xf32, #tpu.memory_space<vmem>>
    %dma_wait3A_91 = tpu.memref_squeeze %dma_wait3A_90 : memref<1x128x128xf32, #tpu.memory_space<vmem>> -> memref<128x128xf32, #tpu.memory_space<vmem>>
    %dma_wait3A_92 = arith.constant 0 : i32
    %dma_wait3A_93 = tpu.memref_slice %arg6[%dma_wait3A_87, %dma_wait3A_92] : memref<80x128xi32, #tpu.memory_space<vmem>> -> memref<1x128xi32, #tpu.memory_space<vmem>>
    %dma_wait3A_94 = tpu.memref_squeeze %dma_wait3A_93 : memref<1x128xi32, #tpu.memory_space<vmem>> -> memref<128xi32, #tpu.memory_space<vmem>>
    %dma_wait3A_95 = arith.constant 0 : i32
    %dma_wait3A_96 = arith.constant 0 : i32
    %dma_wait3A_97 = tpu.memref_slice %arg8[%dma_wait3A_95, %dma_wait3A_96] : memref<10240x128xf32, #tpu.memory_space<vmem_shared>> -> memref<10240x128xf32, #tpu.memory_space<vmem_shared>>
    tpu.wait_indirect_dma semaphore(%arg11 : memref<!tpu.dma_semaphore, #tpu.memory_space<semaphore_mem>>) src(%dma_wait3A_91 : memref<128x128xf32, #tpu.memory_space<vmem>>) dst(%dma_wait3A_97 : memref<10240x128xf32, #tpu.memory_space<vmem_shared>>)
    %dma_wait3A_98 = arith.constant 1 : i32
    %dma_wait3A_99 = arith.constant 79 : i32
    %dma_wait3A_100 = arith.constant 0 : i32
    %dma_wait3A_101 = arith.constant 0 : i32
    %dma_wait3A_102 = tpu.memref_slice %arg7[%dma_wait3A_98, %dma_wait3A_100, %dma_wait3A_101] : memref<2x128x128xf32, #tpu.memory_space<vmem>> -> memref<1x128x128xf32, #tpu.memory_space<vmem>>
    %dma_wait3A_103 = tpu.memref_squeeze %dma_wait3A_102 : memref<1x128x128xf32, #tpu.memory_space<vmem>> -> memref<128x128xf32, #tpu.memory_space<vmem>>
    %dma_wait3A_104 = arith.constant 0 : i32
    %dma_wait3A_105 = tpu.memref_slice %arg6[%dma_wait3A_99, %dma_wait3A_104] : memref<80x128xi32, #tpu.memory_space<vmem>> -> memref<1x128xi32, #tpu.memory_space<vmem>>
    %dma_wait3A_106 = tpu.memref_squeeze %dma_wait3A_105 : memref<1x128xi32, #tpu.memory_space<vmem>> -> memref<128xi32, #tpu.memory_space<vmem>>
    %dma_wait3A_107 = arith.constant 0 : i32
    %dma_wait3A_108 = arith.constant 0 : i32
    %dma_wait3A_109 = tpu.memref_slice %arg8[%dma_wait3A_107, %dma_wait3A_108] : memref<10240x128xf32, #tpu.memory_space<vmem_shared>> -> memref<10240x128xf32, #tpu.memory_space<vmem_shared>>
    tpu.wait_indirect_dma semaphore(%arg12 : memref<!tpu.dma_semaphore, #tpu.memory_space<semaphore_mem>>) src(%dma_wait3A_103 : memref<128x128xf32, #tpu.memory_space<vmem>>) dst(%dma_wait3A_109 : memref<10240x128xf32, #tpu.memory_space<vmem_shared>>)
    %run_scoped3A_110 = arith.constant 1 : i32
    "tpu.region"() ({
      %run_scoped3A_214 = tpu.sem_alloc : memref<!tpu.dma_semaphore, #tpu.memory_space<semaphore_mem>>
      %dma_start3A_215 = arith.constant 0 : i32
      %dma_start3A_216 = arith.constant 0 : i32
      %dma_start3A_217 = tpu.memref_slice %arg4[%arg0, %arg1, %run_scoped3A_110, %dma_start3A_215, %dma_start3A_216] : memref<2x16x2x80x128xi32, #tpu.memory_space<hbm>> -> memref<1x1x1x80x128xi32, #tpu.memory_space<hbm>>
      %dma_start3A_218 = tpu.memref_squeeze %dma_start3A_217 : memref<1x1x1x80x128xi32, #tpu.memory_space<hbm>> -> memref<80x128xi32, #tpu.memory_space<hbm>>
      %dma_start3A_219 = arith.constant 0 : i32
      %dma_start3A_220 = arith.constant 0 : i32
      %dma_start3A_221 = tpu.memref_slice %arg4[%arg0, %arg1, %run_scoped3A_110, %dma_start3A_219, %dma_start3A_220] : memref<2x16x2x80x128xi32, #tpu.memory_space<hbm>> -> memref<1x1x1x80x128xi32, #tpu.memory_space<hbm>>
      %dma_start3A_222 = tpu.memref_squeeze %dma_start3A_221 : memref<1x1x1x80x128xi32, #tpu.memory_space<hbm>> -> memref<80x128xi32, #tpu.memory_space<hbm>>
      tpu.enqueue_dma source(%dma_start3A_222 : memref<80x128xi32, #tpu.memory_space<hbm>>) target(%arg6 : memref<80x128xi32, #tpu.memory_space<vmem>>) target_semaphore(%run_scoped3A_214 : memref<!tpu.dma_semaphore, #tpu.memory_space<semaphore_mem>>)
      %dma_wait3A_223 = arith.constant 0 : i32
      %dma_wait3A_224 = arith.constant 0 : i32
      %dma_wait3A_225 = tpu.memref_slice %arg4[%arg0, %arg1, %run_scoped3A_110, %dma_wait3A_223, %dma_wait3A_224] : memref<2x16x2x80x128xi32, #tpu.memory_space<hbm>> -> memref<1x1x1x80x128xi32, #tpu.memory_space<hbm>>
      %dma_wait3A_226 = tpu.memref_squeeze %dma_wait3A_225 : memref<1x1x1x80x128xi32, #tpu.memory_space<hbm>> -> memref<80x128xi32, #tpu.memory_space<hbm>>
      %dma_wait3A_227 = arith.constant 0 : i32
      %dma_wait3A_228 = arith.constant 0 : i32
      %dma_wait3A_229 = tpu.memref_slice %arg4[%arg0, %arg1, %run_scoped3A_110, %dma_wait3A_227, %dma_wait3A_228] : memref<2x16x2x80x128xi32, #tpu.memory_space<hbm>> -> memref<1x1x1x80x128xi32, #tpu.memory_space<hbm>>
      %dma_wait3A_230 = tpu.memref_squeeze %dma_wait3A_229 : memref<1x1x1x80x128xi32, #tpu.memory_space<hbm>> -> memref<80x128xi32, #tpu.memory_space<hbm>>
      tpu.wait_dma2 semaphore(%run_scoped3A_214 : memref<!tpu.dma_semaphore, #tpu.memory_space<semaphore_mem>>) src(%dma_wait3A_230 : memref<80x128xi32, #tpu.memory_space<hbm>>) dst(%arg6 : memref<80x128xi32, #tpu.memory_space<vmem>>)
      tpu.yield
    }) : () -> ()
    %dma_start3A_111 = arith.constant 0 : i32
    %dma_start3A_112 = arith.constant 0 : i32
    %dma_start3A_113 = arith.constant 0 : i32
    %dma_start3A_114 = arith.constant 0 : i32
    %dma_start3A_115 = tpu.memref_slice %arg7[%dma_start3A_112, %dma_start3A_113, %dma_start3A_114] : memref<2x128x128xf32, #tpu.memory_space<vmem>> -> memref<1x128x128xf32, #tpu.memory_space<vmem>>
    %dma_start3A_116 = tpu.memref_squeeze %dma_start3A_115 : memref<1x128x128xf32, #tpu.memory_space<vmem>> -> memref<128x128xf32, #tpu.memory_space<vmem>>
    %dma_start3A_117 = arith.constant 0 : i32
    %dma_start3A_118 = tpu.memref_slice %arg6[%dma_start3A_111, %dma_start3A_117] : memref<80x128xi32, #tpu.memory_space<vmem>> -> memref<1x128xi32, #tpu.memory_space<vmem>>
    %dma_start3A_119 = tpu.memref_squeeze %dma_start3A_118 : memref<1x128xi32, #tpu.memory_space<vmem>> -> memref<128xi32, #tpu.memory_space<vmem>>
    %dma_start3A_120 = arith.constant 0 : i32
    %dma_start3A_121 = arith.constant 0 : i32
    %dma_start3A_122 = tpu.memref_slice %arg2[%dma_start3A_120, %dma_start3A_121] : memref<10240x128xf32, #tpu.memory_space<hbm>> -> memref<10240x128xf32, #tpu.memory_space<hbm>>
    tpu.enqueue_indirect_dma source(%dma_start3A_122 : memref<10240x128xf32, #tpu.memory_space<hbm>>) target(%dma_start3A_116 : memref<128x128xf32, #tpu.memory_space<vmem>>) offsets(%dma_start3A_119 : memref<128xi32, #tpu.memory_space<vmem>>) semaphore(%arg9 : memref<!tpu.dma_semaphore, #tpu.memory_space<semaphore_mem>>)
    %dma_start3A_123 = arith.constant 2 : i32
    %dma_start3A_124 = arith.constant 1 : i32
    %dma_start3A_125 = arith.constant 0 : i32
    %dma_start3A_126 = arith.constant 0 : i32
    %dma_start3A_127 = tpu.memref_slice %arg7[%dma_start3A_124, %dma_start3A_125, %dma_start3A_126] : memref<2x128x128xf32, #tpu.memory_space<vmem>> -> memref<1x128x128xf32, #tpu.memory_space<vmem>>
    %dma_start3A_128 = tpu.memref_squeeze %dma_start3A_127 : memref<1x128x128xf32, #tpu.memory_space<vmem>> -> memref<128x128xf32, #tpu.memory_space<vmem>>
    %dma_start3A_129 = arith.constant 0 : i32
    %dma_start3A_130 = tpu.memref_slice %arg6[%dma_start3A_123, %dma_start3A_129] : memref<80x128xi32, #tpu.memory_space<vmem>> -> memref<1x128xi32, #tpu.memory_space<vmem>>
    %dma_start3A_131 = tpu.memref_squeeze %dma_start3A_130 : memref<1x128xi32, #tpu.memory_space<vmem>> -> memref<128xi32, #tpu.memory_space<vmem>>
    %dma_start3A_132 = arith.constant 0 : i32
    %dma_start3A_133 = arith.constant 0 : i32
    %dma_start3A_134 = tpu.memref_slice %arg2[%dma_start3A_132, %dma_start3A_133] : memref<10240x128xf32, #tpu.memory_space<hbm>> -> memref<10240x128xf32, #tpu.memory_space<hbm>>
    tpu.enqueue_indirect_dma source(%dma_start3A_134 : memref<10240x128xf32, #tpu.memory_space<hbm>>) target(%dma_start3A_128 : memref<128x128xf32, #tpu.memory_space<vmem>>) offsets(%dma_start3A_131 : memref<128xi32, #tpu.memory_space<vmem>>) semaphore(%arg10 : memref<!tpu.dma_semaphore, #tpu.memory_space<semaphore_mem>>)
    %scan3A_135 = arith.constant 0 : i32
    %scan3A_136 = arith.constant 0 : i32
    %scan3A_137 = arith.constant 19 : i32
    %scan3A_138 = arith.addi %scan3A_136, %scan3A_137 : i32
    %scan3A_139 = arith.constant 1 : i32
    scf.for %scan3A_214 = %scan3A_136 to %scan3A_138 step %scan3A_139  : i32 {
      %mul3A_215 = arith.constant 2 : i32
      %mul3A_216 = arith.muli %mul3A_215, %scan3A_214 : i32
      %add3A = arith.constant 0 : i32
      %add3A_217 = arith.addi %mul3A_216, %add3A : i32
      %mul3A_218 = arith.constant 2 : i32
      %mul3A_219 = arith.muli %mul3A_218, %add3A_217 : i32
      %dma_wait3A_220 = arith.constant 0 : i32
      %dma_wait3A_221 = arith.constant 0 : i32
      %dma_wait3A_222 = arith.constant 0 : i32
      %dma_wait3A_223 = tpu.memref_slice %arg7[%dma_wait3A_220, %dma_wait3A_221, %dma_wait3A_222] : memref<2x128x128xf32, #tpu.memory_space<vmem>> -> memref<1x128x128xf32, #tpu.memory_space<vmem>>
      %dma_wait3A_224 = tpu.memref_squeeze %dma_wait3A_223 : memref<1x128x128xf32, #tpu.memory_space<vmem>> -> memref<128x128xf32, #tpu.memory_space<vmem>>
      %dma_wait3A_225 = arith.constant 0 : i32
      %dma_wait3A_226 = tpu.memref_slice %arg6[%mul3A_219, %dma_wait3A_225] : memref<80x128xi32, #tpu.memory_space<vmem>> -> memref<1x128xi32, #tpu.memory_space<vmem>>
      %dma_wait3A_227 = tpu.memref_squeeze %dma_wait3A_226 : memref<1x128xi32, #tpu.memory_space<vmem>> -> memref<128xi32, #tpu.memory_space<vmem>>
      %dma_wait3A_228 = arith.constant 0 : i32
      %dma_wait3A_229 = arith.constant 0 : i32
      %dma_wait3A_230 = tpu.memref_slice %arg2[%dma_wait3A_228, %dma_wait3A_229] : memref<10240x128xf32, #tpu.memory_space<hbm>> -> memref<10240x128xf32, #tpu.memory_space<hbm>>
      tpu.wait_indirect_dma semaphore(%arg9 : memref<!tpu.dma_semaphore, #tpu.memory_space<semaphore_mem>>) src(%dma_wait3A_230 : memref<10240x128xf32, #tpu.memory_space<hbm>>) dst(%dma_wait3A_224 : memref<128x128xf32, #tpu.memory_space<vmem>>)
      %mul3A_231 = arith.constant 2 : i32
      %mul3A_232 = arith.muli %mul3A_231, %add3A_217 : i32
      %add3A_233 = arith.constant 1 : i32
      %add3A_234 = arith.addi %mul3A_232, %add3A_233 : i32
      %dma_start3A_235 = arith.constant 0 : i32
      %dma_start3A_236 = arith.constant 0 : i32
      %dma_start3A_237 = arith.constant 0 : i32
      %dma_start3A_238 = tpu.memref_slice %arg7[%dma_start3A_235, %dma_start3A_236, %dma_start3A_237] : memref<2x128x128xf32, #tpu.memory_space<vmem>> -> memref<1x128x128xf32, #tpu.memory_space<vmem>>
      %dma_start3A_239 = tpu.memref_squeeze %dma_start3A_238 : memref<1x128x128xf32, #tpu.memory_space<vmem>> -> memref<128x128xf32, #tpu.memory_space<vmem>>
      %dma_start3A_240 = arith.constant 0 : i32
      %dma_start3A_241 = tpu.memref_slice %arg6[%add3A_234, %dma_start3A_240] : memref<80x128xi32, #tpu.memory_space<vmem>> -> memref<1x128xi32, #tpu.memory_space<vmem>>
      %dma_start3A_242 = tpu.memref_squeeze %dma_start3A_241 : memref<1x128xi32, #tpu.memory_space<vmem>> -> memref<128xi32, #tpu.memory_space<vmem>>
      %dma_start3A_243 = arith.constant 0 : i32
      %dma_start3A_244 = arith.constant 0 : i32
      %dma_start3A_245 = tpu.memref_slice %arg8[%dma_start3A_243, %dma_start3A_244] : memref<10240x128xf32, #tpu.memory_space<vmem_shared>> -> memref<10240x128xf32, #tpu.memory_space<vmem_shared>>
      tpu.enqueue_indirect_dma source(%dma_start3A_239 : memref<128x128xf32, #tpu.memory_space<vmem>>) target(%dma_start3A_245 : memref<10240x128xf32, #tpu.memory_space<vmem_shared>>) offsets(%dma_start3A_242 : memref<128xi32, #tpu.memory_space<vmem>>) semaphore(%arg11 : memref<!tpu.dma_semaphore, #tpu.memory_space<semaphore_mem>>) {add = true}
      %mul3A_246 = arith.constant 2 : i32
      %mul3A_247 = arith.muli %mul3A_246, %scan3A_214 : i32
      %add3A_248 = arith.constant 1 : i32
      %add3A_249 = arith.addi %mul3A_247, %add3A_248 : i32
      %mul3A_250 = arith.constant 2 : i32
      %mul3A_251 = arith.muli %mul3A_250, %add3A_249 : i32
      %dma_wait3A_252 = arith.constant 1 : i32
      %dma_wait3A_253 = arith.constant 0 : i32
      %dma_wait3A_254 = arith.constant 0 : i32
      %dma_wait3A_255 = tpu.memref_slice %arg7[%dma_wait3A_252, %dma_wait3A_253, %dma_wait3A_254] : memref<2x128x128xf32, #tpu.memory_space<vmem>> -> memref<1x128x128xf32, #tpu.memory_space<vmem>>
      %dma_wait3A_256 = tpu.memref_squeeze %dma_wait3A_255 : memref<1x128x128xf32, #tpu.memory_space<vmem>> -> memref<128x128xf32, #tpu.memory_space<vmem>>
      %dma_wait3A_257 = arith.constant 0 : i32
      %dma_wait3A_258 = tpu.memref_slice %arg6[%mul3A_251, %dma_wait3A_257] : memref<80x128xi32, #tpu.memory_space<vmem>> -> memref<1x128xi32, #tpu.memory_space<vmem>>
      %dma_wait3A_259 = tpu.memref_squeeze %dma_wait3A_258 : memref<1x128xi32, #tpu.memory_space<vmem>> -> memref<128xi32, #tpu.memory_space<vmem>>
      %dma_wait3A_260 = arith.constant 0 : i32
      %dma_wait3A_261 = arith.constant 0 : i32
      %dma_wait3A_262 = tpu.memref_slice %arg2[%dma_wait3A_260, %dma_wait3A_261] : memref<10240x128xf32, #tpu.memory_space<hbm>> -> memref<10240x128xf32, #tpu.memory_space<hbm>>
      tpu.wait_indirect_dma semaphore(%arg10 : memref<!tpu.dma_semaphore, #tpu.memory_space<semaphore_mem>>) src(%dma_wait3A_262 : memref<10240x128xf32, #tpu.memory_space<hbm>>) dst(%dma_wait3A_256 : memref<128x128xf32, #tpu.memory_space<vmem>>)
      %mul3A_263 = arith.constant 2 : i32
      %mul3A_264 = arith.muli %mul3A_263, %add3A_249 : i32
      %add3A_265 = arith.constant 1 : i32
      %add3A_266 = arith.addi %mul3A_264, %add3A_265 : i32
      %dma_start3A_267 = arith.constant 1 : i32
      %dma_start3A_268 = arith.constant 0 : i32
      %dma_start3A_269 = arith.constant 0 : i32
      %dma_start3A_270 = tpu.memref_slice %arg7[%dma_start3A_267, %dma_start3A_268, %dma_start3A_269] : memref<2x128x128xf32, #tpu.memory_space<vmem>> -> memref<1x128x128xf32, #tpu.memory_space<vmem>>
      %dma_start3A_271 = tpu.memref_squeeze %dma_start3A_270 : memref<1x128x128xf32, #tpu.memory_space<vmem>> -> memref<128x128xf32, #tpu.memory_space<vmem>>
      %dma_start3A_272 = arith.constant 0 : i32
      %dma_start3A_273 = tpu.memref_slice %arg6[%add3A_266, %dma_start3A_272] : memref<80x128xi32, #tpu.memory_space<vmem>> -> memref<1x128xi32, #tpu.memory_space<vmem>>
      %dma_start3A_274 = tpu.memref_squeeze %dma_start3A_273 : memref<1x128xi32, #tpu.memory_space<vmem>> -> memref<128xi32, #tpu.memory_space<vmem>>
      %dma_start3A_275 = arith.constant 0 : i32
      %dma_start3A_276 = arith.constant 0 : i32
      %dma_start3A_277 = tpu.memref_slice %arg8[%dma_start3A_275, %dma_start3A_276] : memref<10240x128xf32, #tpu.memory_space<vmem_shared>> -> memref<10240x128xf32, #tpu.memory_space<vmem_shared>>
      tpu.enqueue_indirect_dma source(%dma_start3A_271 : memref<128x128xf32, #tpu.memory_space<vmem>>) target(%dma_start3A_277 : memref<10240x128xf32, #tpu.memory_space<vmem_shared>>) offsets(%dma_start3A_274 : memref<128xi32, #tpu.memory_space<vmem>>) semaphore(%arg12 : memref<!tpu.dma_semaphore, #tpu.memory_space<semaphore_mem>>) {add = true}
      %mul3A_278 = arith.constant 2 : i32
      %mul3A_279 = arith.muli %mul3A_278, %scan3A_214 : i32
      %add3A_280 = arith.constant 0 : i32
      %add3A_281 = arith.addi %mul3A_279, %add3A_280 : i32
      %mul3A_282 = arith.constant 2 : i32
      %mul3A_283 = arith.muli %mul3A_282, %add3A_281 : i32
      %add3A_284 = arith.constant 1 : i32
      %add3A_285 = arith.addi %mul3A_283, %add3A_284 : i32
      %dma_wait3A_286 = arith.constant 0 : i32
      %dma_wait3A_287 = arith.constant 0 : i32
      %dma_wait3A_288 = arith.constant 0 : i32
      %dma_wait3A_289 = tpu.memref_slice %arg7[%dma_wait3A_286, %dma_wait3A_287, %dma_wait3A_288] : memref<2x128x128xf32, #tpu.memory_space<vmem>> -> memref<1x128x128xf32, #tpu.memory_space<vmem>>
      %dma_wait3A_290 = tpu.memref_squeeze %dma_wait3A_289 : memref<1x128x128xf32, #tpu.memory_space<vmem>> -> memref<128x128xf32, #tpu.memory_space<vmem>>
      %dma_wait3A_291 = arith.constant 0 : i32
      %dma_wait3A_292 = tpu.memref_slice %arg6[%add3A_285, %dma_wait3A_291] : memref<80x128xi32, #tpu.memory_space<vmem>> -> memref<1x128xi32, #tpu.memory_space<vmem>>
      %dma_wait3A_293 = tpu.memref_squeeze %dma_wait3A_292 : memref<1x128xi32, #tpu.memory_space<vmem>> -> memref<128xi32, #tpu.memory_space<vmem>>
      %dma_wait3A_294 = arith.constant 0 : i32
      %dma_wait3A_295 = arith.constant 0 : i32
      %dma_wait3A_296 = tpu.memref_slice %arg8[%dma_wait3A_294, %dma_wait3A_295] : memref<10240x128xf32, #tpu.memory_space<vmem_shared>> -> memref<10240x128xf32, #tpu.memory_space<vmem_shared>>
      tpu.wait_indirect_dma semaphore(%arg11 : memref<!tpu.dma_semaphore, #tpu.memory_space<semaphore_mem>>) src(%dma_wait3A_290 : memref<128x128xf32, #tpu.memory_space<vmem>>) dst(%dma_wait3A_296 : memref<10240x128xf32, #tpu.memory_space<vmem_shared>>)
      %add3A_297 = arith.constant 2 : i32
      %add3A_298 = arith.addi %add3A_281, %add3A_297 : i32
      %mul3A_299 = arith.constant 2 : i32
      %mul3A_300 = arith.muli %mul3A_299, %add3A_298 : i32
      %dma_start3A_301 = arith.constant 0 : i32
      %dma_start3A_302 = arith.constant 0 : i32
      %dma_start3A_303 = arith.constant 0 : i32
      %dma_start3A_304 = tpu.memref_slice %arg7[%dma_start3A_301, %dma_start3A_302, %dma_start3A_303] : memref<2x128x128xf32, #tpu.memory_space<vmem>> -> memref<1x128x128xf32, #tpu.memory_space<vmem>>
      %dma_start3A_305 = tpu.memref_squeeze %dma_start3A_304 : memref<1x128x128xf32, #tpu.memory_space<vmem>> -> memref<128x128xf32, #tpu.memory_space<vmem>>
      %dma_start3A_306 = arith.constant 0 : i32
      %dma_start3A_307 = tpu.memref_slice %arg6[%mul3A_300, %dma_start3A_306] : memref<80x128xi32, #tpu.memory_space<vmem>> -> memref<1x128xi32, #tpu.memory_space<vmem>>
      %dma_start3A_308 = tpu.memref_squeeze %dma_start3A_307 : memref<1x128xi32, #tpu.memory_space<vmem>> -> memref<128xi32, #tpu.memory_space<vmem>>
      %dma_start3A_309 = arith.constant 0 : i32
      %dma_start3A_310 = arith.constant 0 : i32
      %dma_start3A_311 = tpu.memref_slice %arg2[%dma_start3A_309, %dma_start3A_310] : memref<10240x128xf32, #tpu.memory_space<hbm>> -> memref<10240x128xf32, #tpu.memory_space<hbm>>
      tpu.enqueue_indirect_dma source(%dma_start3A_311 : memref<10240x128xf32, #tpu.memory_space<hbm>>) target(%dma_start3A_305 : memref<128x128xf32, #tpu.memory_space<vmem>>) offsets(%dma_start3A_308 : memref<128xi32, #tpu.memory_space<vmem>>) semaphore(%arg9 : memref<!tpu.dma_semaphore, #tpu.memory_space<semaphore_mem>>)
      %mul3A_312 = arith.constant 2 : i32
      %mul3A_313 = arith.muli %mul3A_312, %scan3A_214 : i32
      %add3A_314 = arith.constant 1 : i32
      %add3A_315 = arith.addi %mul3A_313, %add3A_314 : i32
      %mul3A_316 = arith.constant 2 : i32
      %mul3A_317 = arith.muli %mul3A_316, %add3A_315 : i32
      %add3A_318 = arith.constant 1 : i32
      %add3A_319 = arith.addi %mul3A_317, %add3A_318 : i32
      %dma_wait3A_320 = arith.constant 1 : i32
      %dma_wait3A_321 = arith.constant 0 : i32
      %dma_wait3A_322 = arith.constant 0 : i32
      %dma_wait3A_323 = tpu.memref_slice %arg7[%dma_wait3A_320, %dma_wait3A_321, %dma_wait3A_322] : memref<2x128x128xf32, #tpu.memory_space<vmem>> -> memref<1x128x128xf32, #tpu.memory_space<vmem>>
      %dma_wait3A_324 = tpu.memref_squeeze %dma_wait3A_323 : memref<1x128x128xf32, #tpu.memory_space<vmem>> -> memref<128x128xf32, #tpu.memory_space<vmem>>
      %dma_wait3A_325 = arith.constant 0 : i32
      %dma_wait3A_326 = tpu.memref_slice %arg6[%add3A_319, %dma_wait3A_325] : memref<80x128xi32, #tpu.memory_space<vmem>> -> memref<1x128xi32, #tpu.memory_space<vmem>>
      %dma_wait3A_327 = tpu.memref_squeeze %dma_wait3A_326 : memref<1x128xi32, #tpu.memory_space<vmem>> -> memref<128xi32, #tpu.memory_space<vmem>>
      %dma_wait3A_328 = arith.constant 0 : i32
      %dma_wait3A_329 = arith.constant 0 : i32
      %dma_wait3A_330 = tpu.memref_slice %arg8[%dma_wait3A_328, %dma_wait3A_329] : memref<10240x128xf32, #tpu.memory_space<vmem_shared>> -> memref<10240x128xf32, #tpu.memory_space<vmem_shared>>
      tpu.wait_indirect_dma semaphore(%arg12 : memref<!tpu.dma_semaphore, #tpu.memory_space<semaphore_mem>>) src(%dma_wait3A_324 : memref<128x128xf32, #tpu.memory_space<vmem>>) dst(%dma_wait3A_330 : memref<10240x128xf32, #tpu.memory_space<vmem_shared>>)
      %add3A_331 = arith.constant 2 : i32
      %add3A_332 = arith.addi %add3A_315, %add3A_331 : i32
      %mul3A_333 = arith.constant 2 : i32
      %mul3A_334 = arith.muli %mul3A_333, %add3A_332 : i32
      %dma_start3A_335 = arith.constant 1 : i32
      %dma_start3A_336 = arith.constant 0 : i32
      %dma_start3A_337 = arith.constant 0 : i32
      %dma_start3A_338 = tpu.memref_slice %arg7[%dma_start3A_335, %dma_start3A_336, %dma_start3A_337] : memref<2x128x128xf32, #tpu.memory_space<vmem>> -> memref<1x128x128xf32, #tpu.memory_space<vmem>>
      %dma_start3A_339 = tpu.memref_squeeze %dma_start3A_338 : memref<1x128x128xf32, #tpu.memory_space<vmem>> -> memref<128x128xf32, #tpu.memory_space<vmem>>
      %dma_start3A_340 = arith.constant 0 : i32
      %dma_start3A_341 = tpu.memref_slice %arg6[%mul3A_334, %dma_start3A_340] : memref<80x128xi32, #tpu.memory_space<vmem>> -> memref<1x128xi32, #tpu.memory_space<vmem>>
      %dma_start3A_342 = tpu.memref_squeeze %dma_start3A_341 : memref<1x128xi32, #tpu.memory_space<vmem>> -> memref<128xi32, #tpu.memory_space<vmem>>
      %dma_start3A_343 = arith.constant 0 : i32
      %dma_start3A_344 = arith.constant 0 : i32
      %dma_start3A_345 = tpu.memref_slice %arg2[%dma_start3A_343, %dma_start3A_344] : memref<10240x128xf32, #tpu.memory_space<hbm>> -> memref<10240x128xf32, #tpu.memory_space<hbm>>
      tpu.enqueue_indirect_dma source(%dma_start3A_345 : memref<10240x128xf32, #tpu.memory_space<hbm>>) target(%dma_start3A_339 : memref<128x128xf32, #tpu.memory_space<vmem>>) offsets(%dma_start3A_342 : memref<128xi32, #tpu.memory_space<vmem>>) semaphore(%arg10 : memref<!tpu.dma_semaphore, #tpu.memory_space<semaphore_mem>>)
    }
    %scan3A_140 = arith.constant 19 : i32
    %dma_wait3A_141 = arith.constant 76 : i32
    %dma_wait3A_142 = arith.constant 0 : i32
    %dma_wait3A_143 = arith.constant 0 : i32
    %dma_wait3A_144 = arith.constant 0 : i32
    %dma_wait3A_145 = tpu.memref_slice %arg7[%dma_wait3A_142, %dma_wait3A_143, %dma_wait3A_144] : memref<2x128x128xf32, #tpu.memory_space<vmem>> -> memref<1x128x128xf32, #tpu.memory_space<vmem>>
    %dma_wait3A_146 = tpu.memref_squeeze %dma_wait3A_145 : memref<1x128x128xf32, #tpu.memory_space<vmem>> -> memref<128x128xf32, #tpu.memory_space<vmem>>
    %dma_wait3A_147 = arith.constant 0 : i32
    %dma_wait3A_148 = tpu.memref_slice %arg6[%dma_wait3A_141, %dma_wait3A_147] : memref<80x128xi32, #tpu.memory_space<vmem>> -> memref<1x128xi32, #tpu.memory_space<vmem>>
    %dma_wait3A_149 = tpu.memref_squeeze %dma_wait3A_148 : memref<1x128xi32, #tpu.memory_space<vmem>> -> memref<128xi32, #tpu.memory_space<vmem>>
    %dma_wait3A_150 = arith.constant 0 : i32
    %dma_wait3A_151 = arith.constant 0 : i32
    %dma_wait3A_152 = tpu.memref_slice %arg2[%dma_wait3A_150, %dma_wait3A_151] : memref<10240x128xf32, #tpu.memory_space<hbm>> -> memref<10240x128xf32, #tpu.memory_space<hbm>>
    tpu.wait_indirect_dma semaphore(%arg9 : memref<!tpu.dma_semaphore, #tpu.memory_space<semaphore_mem>>) src(%dma_wait3A_152 : memref<10240x128xf32, #tpu.memory_space<hbm>>) dst(%dma_wait3A_146 : memref<128x128xf32, #tpu.memory_space<vmem>>)
    %dma_start3A_153 = arith.constant 0 : i32
    %dma_start3A_154 = arith.constant 77 : i32
    %dma_start3A_155 = arith.constant 0 : i32
    %dma_start3A_156 = arith.constant 0 : i32
    %dma_start3A_157 = tpu.memref_slice %arg7[%dma_start3A_153, %dma_start3A_155, %dma_start3A_156] : memref<2x128x128xf32, #tpu.memory_space<vmem>> -> memref<1x128x128xf32, #tpu.memory_space<vmem>>
    %dma_start3A_158 = tpu.memref_squeeze %dma_start3A_157 : memref<1x128x128xf32, #tpu.memory_space<vmem>> -> memref<128x128xf32, #tpu.memory_space<vmem>>
    %dma_start3A_159 = arith.constant 0 : i32
    %dma_start3A_160 = tpu.memref_slice %arg6[%dma_start3A_154, %dma_start3A_159] : memref<80x128xi32, #tpu.memory_space<vmem>> -> memref<1x128xi32, #tpu.memory_space<vmem>>
    %dma_start3A_161 = tpu.memref_squeeze %dma_start3A_160 : memref<1x128xi32, #tpu.memory_space<vmem>> -> memref<128xi32, #tpu.memory_space<vmem>>
    %dma_start3A_162 = arith.constant 0 : i32
    %dma_start3A_163 = arith.constant 0 : i32
    %dma_start3A_164 = tpu.memref_slice %arg8[%dma_start3A_162, %dma_start3A_163] : memref<10240x128xf32, #tpu.memory_space<vmem_shared>> -> memref<10240x128xf32, #tpu.memory_space<vmem_shared>>
    tpu.enqueue_indirect_dma source(%dma_start3A_158 : memref<128x128xf32, #tpu.memory_space<vmem>>) target(%dma_start3A_164 : memref<10240x128xf32, #tpu.memory_space<vmem_shared>>) offsets(%dma_start3A_161 : memref<128xi32, #tpu.memory_space<vmem>>) semaphore(%arg11 : memref<!tpu.dma_semaphore, #tpu.memory_space<semaphore_mem>>) {add = true}
    %dma_wait3A_165 = arith.constant 78 : i32
    %dma_wait3A_166 = arith.constant 1 : i32
    %dma_wait3A_167 = arith.constant 0 : i32
    %dma_wait3A_168 = arith.constant 0 : i32
    %dma_wait3A_169 = tpu.memref_slice %arg7[%dma_wait3A_166, %dma_wait3A_167, %dma_wait3A_168] : memref<2x128x128xf32, #tpu.memory_space<vmem>> -> memref<1x128x128xf32, #tpu.memory_space<vmem>>
    %dma_wait3A_170 = tpu.memref_squeeze %dma_wait3A_169 : memref<1x128x128xf32, #tpu.memory_space<vmem>> -> memref<128x128xf32, #tpu.memory_space<vmem>>
    %dma_wait3A_171 = arith.constant 0 : i32
    %dma_wait3A_172 = tpu.memref_slice %arg6[%dma_wait3A_165, %dma_wait3A_171] : memref<80x128xi32, #tpu.memory_space<vmem>> -> memref<1x128xi32, #tpu.memory_space<vmem>>
    %dma_wait3A_173 = tpu.memref_squeeze %dma_wait3A_172 : memref<1x128xi32, #tpu.memory_space<vmem>> -> memref<128xi32, #tpu.memory_space<vmem>>
    %dma_wait3A_174 = arith.constant 0 : i32
    %dma_wait3A_175 = arith.constant 0 : i32
    %dma_wait3A_176 = tpu.memref_slice %arg2[%dma_wait3A_174, %dma_wait3A_175] : memref<10240x128xf32, #tpu.memory_space<hbm>> -> memref<10240x128xf32, #tpu.memory_space<hbm>>
    tpu.wait_indirect_dma semaphore(%arg10 : memref<!tpu.dma_semaphore, #tpu.memory_space<semaphore_mem>>) src(%dma_wait3A_176 : memref<10240x128xf32, #tpu.memory_space<hbm>>) dst(%dma_wait3A_170 : memref<128x128xf32, #tpu.memory_space<vmem>>)
    %dma_start3A_177 = arith.constant 1 : i32
    %dma_start3A_178 = arith.constant 79 : i32
    %dma_start3A_179 = arith.constant 0 : i32
    %dma_start3A_180 = arith.constant 0 : i32
    %dma_start3A_181 = tpu.memref_slice %arg7[%dma_start3A_177, %dma_start3A_179, %dma_start3A_180] : memref<2x128x128xf32, #tpu.memory_space<vmem>> -> memref<1x128x128xf32, #tpu.memory_space<vmem>>
    %dma_start3A_182 = tpu.memref_squeeze %dma_start3A_181 : memref<1x128x128xf32, #tpu.memory_space<vmem>> -> memref<128x128xf32, #tpu.memory_space<vmem>>
    %dma_start3A_183 = arith.constant 0 : i32
    %dma_start3A_184 = tpu.memref_slice %arg6[%dma_start3A_178, %dma_start3A_183] : memref<80x128xi32, #tpu.memory_space<vmem>> -> memref<1x128xi32, #tpu.memory_space<vmem>>
    %dma_start3A_185 = tpu.memref_squeeze %dma_start3A_184 : memref<1x128xi32, #tpu.memory_space<vmem>> -> memref<128xi32, #tpu.memory_space<vmem>>
    %dma_start3A_186 = arith.constant 0 : i32
    %dma_start3A_187 = arith.constant 0 : i32
    %dma_start3A_188 = tpu.memref_slice %arg8[%dma_start3A_186, %dma_start3A_187] : memref<10240x128xf32, #tpu.memory_space<vmem_shared>> -> memref<10240x128xf32, #tpu.memory_space<vmem_shared>>
    tpu.enqueue_indirect_dma source(%dma_start3A_182 : memref<128x128xf32, #tpu.memory_space<vmem>>) target(%dma_start3A_188 : memref<10240x128xf32, #tpu.memory_space<vmem_shared>>) offsets(%dma_start3A_185 : memref<128xi32, #tpu.memory_space<vmem>>) semaphore(%arg12 : memref<!tpu.dma_semaphore, #tpu.memory_space<semaphore_mem>>) {add = true}
    %dma_wait3A_189 = arith.constant 0 : i32
    %dma_wait3A_190 = arith.constant 77 : i32
    %dma_wait3A_191 = arith.constant 0 : i32
    %dma_wait3A_192 = arith.constant 0 : i32
    %dma_wait3A_193 = tpu.memref_slice %arg7[%dma_wait3A_189, %dma_wait3A_191, %dma_wait3A_192] : memref<2x128x128xf32, #tpu.memory_space<vmem>> -> memref<1x128x128xf32, #tpu.memory_space<vmem>>
    %dma_wait3A_194 = tpu.memref_squeeze %dma_wait3A_193 : memref<1x128x128xf32, #tpu.memory_space<vmem>> -> memref<128x128xf32, #tpu.memory_space<vmem>>
    %dma_wait3A_195 = arith.constant 0 : i32
    %dma_wait3A_196 = tpu.memref_slice %arg6[%dma_wait3A_190, %dma_wait3A_195] : memref<80x128xi32, #tpu.memory_space<vmem>> -> memref<1x128xi32, #tpu.memory_space<vmem>>
    %dma_wait3A_197 = tpu.memref_squeeze %dma_wait3A_196 : memref<1x128xi32, #tpu.memory_space<vmem>> -> memref<128xi32, #tpu.memory_space<vmem>>
    %dma_wait3A_198 = arith.constant 0 : i32
    %dma_wait3A_199 = arith.constant 0 : i32
    %dma_wait3A_200 = tpu.memref_slice %arg8[%dma_wait3A_198, %dma_wait3A_199] : memref<10240x128xf32, #tpu.memory_space<vmem_shared>> -> memref<10240x128xf32, #tpu.memory_space<vmem_shared>>
    tpu.wait_indirect_dma semaphore(%arg11 : memref<!tpu.dma_semaphore, #tpu.memory_space<semaphore_mem>>) src(%dma_wait3A_194 : memref<128x128xf32, #tpu.memory_space<vmem>>) dst(%dma_wait3A_200 : memref<10240x128xf32, #tpu.memory_space<vmem_shared>>)
    %dma_wait3A_201 = arith.constant 1 : i32
    %dma_wait3A_202 = arith.constant 79 : i32
    %dma_wait3A_203 = arith.constant 0 : i32
    %dma_wait3A_204 = arith.constant 0 : i32
    %dma_wait3A_205 = tpu.memref_slice %arg7[%dma_wait3A_201, %dma_wait3A_203, %dma_wait3A_204] : memref<2x128x128xf32, #tpu.memory_space<vmem>> -> memref<1x128x128xf32, #tpu.memory_space<vmem>>
    %dma_wait3A_206 = tpu.memref_squeeze %dma_wait3A_205 : memref<1x128x128xf32, #tpu.memory_space<vmem>> -> memref<128x128xf32, #tpu.memory_space<vmem>>
    %dma_wait3A_207 = arith.constant 0 : i32
    %dma_wait3A_208 = tpu.memref_slice %arg6[%dma_wait3A_202, %dma_wait3A_207] : memref<80x128xi32, #tpu.memory_space<vmem>> -> memref<1x128xi32, #tpu.memory_space<vmem>>
    %dma_wait3A_209 = tpu.memref_squeeze %dma_wait3A_208 : memref<1x128xi32, #tpu.memory_space<vmem>> -> memref<128xi32, #tpu.memory_space<vmem>>
    %dma_wait3A_210 = arith.constant 0 : i32
    %dma_wait3A_211 = arith.constant 0 : i32
    %dma_wait3A_212 = tpu.memref_slice %arg8[%dma_wait3A_210, %dma_wait3A_211] : memref<10240x128xf32, #tpu.memory_space<vmem_shared>> -> memref<10240x128xf32, #tpu.memory_space<vmem_shared>>
    tpu.wait_indirect_dma semaphore(%arg12 : memref<!tpu.dma_semaphore, #tpu.memory_space<semaphore_mem>>) src(%dma_wait3A_206 : memref<128x128xf32, #tpu.memory_space<vmem>>) dst(%dma_wait3A_212 : memref<10240x128xf32, #tpu.memory_space<vmem_shared>>)
    %barrier3A_213 = arith.constant 0 : index
    tpu.barrier barrier_id(%barrier3A_213)
    "tpu.region"() ({
      %run_scoped3A_214 = tpu.sem_alloc : memref<!tpu.dma_semaphore, #tpu.memory_space<semaphore_mem>>
      %dma_start3A_215 = arith.constant 0 : i32
      %dma_start3A_216 = tpu.memref_slice %arg5[%arg0, %mul3A_0, %dma_start3A_215] : memref<2x10240x128xf32, #tpu.memory_space<hbm>> -> memref<1x640x128xf32, #tpu.memory_space<hbm>>
      %dma_start3A_217 = tpu.memref_squeeze %dma_start3A_216 : memref<1x640x128xf32, #tpu.memory_space<hbm>> -> memref<640x128xf32, #tpu.memory_space<hbm>>
      %dma_start3A_218 = arith.constant 0 : i32
      %dma_start3A_219 = tpu.memref_slice %arg8[%mul3A_0, %dma_start3A_218] : memref<10240x128xf32, #tpu.memory_space<vmem_shared>> -> memref<640x128xf32, #tpu.memory_space<vmem_shared>>
      tpu.enqueue_dma source(%dma_start3A_219 : memref<640x128xf32, #tpu.memory_space<vmem_shared>>) target(%dma_start3A_217 : memref<640x128xf32, #tpu.memory_space<hbm>>) target_semaphore(%run_scoped3A_214 : memref<!tpu.dma_semaphore, #tpu.memory_space<semaphore_mem>>)
      %dma_wait3A_220 = arith.constant 0 : i32
      %dma_wait3A_221 = tpu.memref_slice %arg5[%arg0, %mul3A_0, %dma_wait3A_220] : memref<2x10240x128xf32, #tpu.memory_space<hbm>> -> memref<1x640x128xf32, #tpu.memory_space<hbm>>
      %dma_wait3A_222 = tpu.memref_squeeze %dma_wait3A_221 : memref<1x640x128xf32, #tpu.memory_space<hbm>> -> memref<640x128xf32, #tpu.memory_space<hbm>>
      %dma_wait3A_223 = arith.constant 0 : i32
      %dma_wait3A_224 = tpu.memref_slice %arg8[%mul3A_0, %dma_wait3A_223] : memref<10240x128xf32, #tpu.memory_space<vmem_shared>> -> memref<640x128xf32, #tpu.memory_space<vmem_shared>>
      tpu.wait_dma2 semaphore(%run_scoped3A_214 : memref<!tpu.dma_semaphore, #tpu.memory_space<semaphore_mem>>) src(%dma_wait3A_224 : memref<640x128xf32, #tpu.memory_space<vmem_shared>>) dst(%dma_wait3A_222 : memref<640x128xf32, #tpu.memory_space<hbm>>)
      tpu.yield
    }) : () -> ()
    return
  }
}

module attributes {stable_mosaic.version = 14 : i64} {
  func.func @body(%arg0: i32, %arg1: memref<2x2560x128xf32, #tpu.memory_space<vmem>>, %arg2: memref<128x128xf32, #tpu.memory_space<vmem>>, %arg3: memref<1x128xf32, #tpu.memory_space<vmem>>, %arg4: memref<128x128xf32, #tpu.memory_space<vmem>>, %arg5: memref<1x128xf32, #tpu.memory_space<vmem>>, %arg6: memref<2560x128xf32, #tpu.memory_space<vmem>>) attributes {dimension_semantics = [#tpu.dimension_semantics<arbitrary>], iteration_bounds = array<i64: 4>, scalar_prefetch = 0 : i64, scratch_operands = 0 : i64, tpu.core_type = #tpu.core_type<tc>, window_params = [{transform_indices = @transform_0, window_bounds = array<i64: 2, 2560, 128>}, {pipeline_mode = #tpu.pipeline_mode<synchronous>, transform_indices = @transform_1, window_bounds = array<i64: 128, 128>}, {pipeline_mode = #tpu.pipeline_mode<synchronous>, transform_indices = @transform_2, window_bounds = array<i64: 1, 128>}, {pipeline_mode = #tpu.pipeline_mode<synchronous>, transform_indices = @transform_3, window_bounds = array<i64: 128, 128>}, {pipeline_mode = #tpu.pipeline_mode<synchronous>, transform_indices = @transform_4, window_bounds = array<i64: 1, 128>}, {transform_indices = @transform_5, window_bounds = array<i64: 2560, 128>}]} {
    %get3A = arith.constant 0 : index
    %get3A_0 = arith.constant 0 : index
    %get3A_1 = arith.constant 0 : index
    %get3A_2 = vector.load %arg1[%get3A, %get3A_0, %get3A_1] : memref<2x2560x128xf32, #tpu.memory_space<vmem>>, vector<1x2560x128xf32>
    %get3A_3 = vector.shape_cast %get3A_2 : vector<1x2560x128xf32> to vector<2560x128xf32>
    %get3A_4 = arith.constant 1 : index
    %get3A_5 = arith.constant 0 : index
    %get3A_6 = arith.constant 0 : index
    %get3A_7 = vector.load %arg1[%get3A_4, %get3A_5, %get3A_6] : memref<2x2560x128xf32, #tpu.memory_space<vmem>>, vector<1x2560x128xf32>
    %get3A_8 = vector.shape_cast %get3A_7 : vector<1x2560x128xf32> to vector<2560x128xf32>
    %add3A = arith.addf %get3A_3, %get3A_8 : vector<2560x128xf32>
    %get3A_9 = arith.constant 0 : index
    %get3A_10 = arith.constant 0 : index
    %get3A_11 = vector.load %arg2[%get3A_9, %get3A_10] : memref<128x128xf32, #tpu.memory_space<vmem>>, vector<128x128xf32>
    %dot_general3A = arith.constant dense<0.000000e+00> : vector<2560x128xf32>
    %dot_general3A_12 = tpu.matmul %add3A, %get3A_11, %dot_general3A {dimension_numbers = #tpu.dot_dimension_numbers<[1], [0], [0], [1], [0, 0, 1, 1], [], []>, transpose_lhs_hint = false} : vector<2560x128xf32>, vector<128x128xf32>, vector<2560x128xf32> -> vector<2560x128xf32>
    %get3A_13 = arith.constant 0 : index
    %get3A_14 = arith.constant 0 : index
    %get3A_15 = vector.load %arg3[%get3A_13, %get3A_14] : memref<1x128xf32, #tpu.memory_space<vmem>>, vector<1x128xf32>
    %add3A_16 = vector.broadcast %get3A_15 : vector<1x128xf32> to vector<2560x128xf32>
    %add3A_17 = arith.addf %dot_general3A_12, %add3A_16 : vector<2560x128xf32>
    %max3A = arith.constant 0.000000e+00 : f32
    %max3A_18 = vector.broadcast %max3A : f32 to vector<2560x128xf32>
    %max3A_19 = arith.maximumf %add3A_17, %max3A_18 : vector<2560x128xf32>
    %get3A_20 = arith.constant 0 : index
    %get3A_21 = arith.constant 0 : index
    %get3A_22 = vector.load %arg4[%get3A_20, %get3A_21] : memref<128x128xf32, #tpu.memory_space<vmem>>, vector<128x128xf32>
    %dot_general3A_23 = arith.constant dense<0.000000e+00> : vector<2560x128xf32>
    %dot_general3A_24 = tpu.matmul %max3A_19, %get3A_22, %dot_general3A_23 {dimension_numbers = #tpu.dot_dimension_numbers<[1], [0], [0], [1], [0, 0, 1, 1], [], []>, transpose_lhs_hint = false} : vector<2560x128xf32>, vector<128x128xf32>, vector<2560x128xf32> -> vector<2560x128xf32>
    %get3A_25 = arith.constant 0 : index
    %get3A_26 = arith.constant 0 : index
    %get3A_27 = vector.load %arg5[%get3A_25, %get3A_26] : memref<1x128xf32, #tpu.memory_space<vmem>>, vector<1x128xf32>
    %add3A_28 = vector.broadcast %get3A_27 : vector<1x128xf32> to vector<2560x128xf32>
    %add3A_29 = arith.addf %dot_general3A_24, %add3A_28 : vector<2560x128xf32>
    %max3A_30 = arith.constant 0.000000e+00 : f32
    %max3A_31 = vector.broadcast %max3A_30 : f32 to vector<2560x128xf32>
    %max3A_32 = arith.maximumf %add3A_29, %max3A_31 : vector<2560x128xf32>
    %swap3A = arith.constant 0 : index
    %swap3A_33 = arith.constant 0 : index
    %swap3A_34 = vector.load %arg6[%swap3A, %swap3A_33] : memref<2560x128xf32, #tpu.memory_space<vmem>>, vector<2560x128xf32>
    tpu.vector_store %arg6[%swap3A, %swap3A_33], %max3A_32 {strides = array<i32>} : memref<2560x128xf32, #tpu.memory_space<vmem>>, vector<2560x128xf32>,
    return
  }
  func.func @transform_0(%arg0: i32) -> (i32, i32, i32) {
    %c0_i32 = arith.constant 0 : i32
    %c0_i32_0 = arith.constant 0 : i32
    %c0_i32_1 = arith.constant 0 : i32
    return %c0_i32, %arg0, %c0_i32_0 : i32, i32, i32
  }
  func.func @transform_1(%arg0: i32) -> (i32, i32) {
    %c0_i32 = arith.constant 0 : i32
    %c0_i32_0 = arith.constant 0 : i32
    %c0_i32_1 = arith.constant 0 : i32
    return %c0_i32, %c0_i32_0 : i32, i32
  }
  func.func @transform_2(%arg0: i32) -> (i32, i32) {
    %c0_i32 = arith.constant 0 : i32
    %c0_i32_0 = arith.constant 0 : i32
    %c0_i32_1 = arith.constant 0 : i32
    return %c0_i32, %c0_i32_0 : i32, i32
  }
  func.func @transform_3(%arg0: i32) -> (i32, i32) {
    %c0_i32 = arith.constant 0 : i32
    %c0_i32_0 = arith.constant 0 : i32
    %c0_i32_1 = arith.constant 0 : i32
    return %c0_i32, %c0_i32_0 : i32, i32
  }
  func.func @transform_4(%arg0: i32) -> (i32, i32) {
    %c0_i32 = arith.constant 0 : i32
    %c0_i32_0 = arith.constant 0 : i32
    %c0_i32_1 = arith.constant 0 : i32
    return %c0_i32, %c0_i32_0 : i32, i32
  }
  func.func @transform_5(%arg0: i32) -> (i32, i32) {
    %c0_i32 = arith.constant 0 : i32
    %c0_i32_0 = arith.constant 0 : i32
    return %arg0, %c0_i32 : i32, i32
  }
}

module attributes {stable_mosaic.version = 14 : i64} {
  func.func @body(%arg0: i32, %arg1: memref<2x2560x128xf32, #tpu.memory_space<vmem>>, %arg2: memref<128x128xf32, #tpu.memory_space<vmem>>, %arg3: memref<1x128xf32, #tpu.memory_space<vmem>>, %arg4: memref<128x128xf32, #tpu.memory_space<vmem>>, %arg5: memref<1x128xf32, #tpu.memory_space<vmem>>, %arg6: memref<2560x1xi32, #tpu.memory_space<vmem>>, %arg7: memref<64x1xi32, #tpu.memory_space<vmem>>, %arg8: memref<8x128xf32, #tpu.memory_space<vmem>>, %arg9: memref<8x1xf32, #tpu.memory_space<vmem>>, %arg10: memref<64x1xf32, #tpu.memory_space<vmem>>, %arg11: memref<64x128xf32, #tpu.memory_space<vmem>>) attributes {dimension_semantics = [#tpu.dimension_semantics<arbitrary>], iteration_bounds = array<i64: 4>, scalar_prefetch = 0 : i64, scratch_operands = 1 : i64, tpu.core_type = #tpu.core_type<tc>, window_params = [{transform_indices = @transform_0, window_bounds = array<i64: 2, 2560, 128>}, {pipeline_mode = #tpu.pipeline_mode<synchronous>, transform_indices = @transform_1, window_bounds = array<i64: 128, 128>}, {pipeline_mode = #tpu.pipeline_mode<synchronous>, transform_indices = @transform_2, window_bounds = array<i64: 1, 128>}, {pipeline_mode = #tpu.pipeline_mode<synchronous>, transform_indices = @transform_3, window_bounds = array<i64: 128, 128>}, {pipeline_mode = #tpu.pipeline_mode<synchronous>, transform_indices = @transform_4, window_bounds = array<i64: 1, 128>}, {transform_indices = @transform_5, window_bounds = array<i64: 2560, 1>}, {pipeline_mode = #tpu.pipeline_mode<synchronous>, transform_indices = @transform_6, window_bounds = array<i64: 64, 1>}, {pipeline_mode = #tpu.pipeline_mode<synchronous>, transform_indices = @transform_7, window_bounds = array<i64: 8, 128>}, {pipeline_mode = #tpu.pipeline_mode<synchronous>, transform_indices = @transform_8, window_bounds = array<i64: 8, 1>}, {pipeline_mode = #tpu.pipeline_mode<synchronous>, transform_indices = @transform_9, window_bounds = array<i64: 64, 1>}]} {
    %get3A = arith.constant 0 : index
    %get3A_0 = arith.constant 0 : index
    %get3A_1 = arith.constant 0 : index
    %get3A_2 = vector.load %arg1[%get3A, %get3A_0, %get3A_1] : memref<2x2560x128xf32, #tpu.memory_space<vmem>>, vector<1x2560x128xf32>
    %get3A_3 = vector.shape_cast %get3A_2 : vector<1x2560x128xf32> to vector<2560x128xf32>
    %get3A_4 = arith.constant 1 : index
    %get3A_5 = arith.constant 0 : index
    %get3A_6 = arith.constant 0 : index
    %get3A_7 = vector.load %arg1[%get3A_4, %get3A_5, %get3A_6] : memref<2x2560x128xf32, #tpu.memory_space<vmem>>, vector<1x2560x128xf32>
    %get3A_8 = vector.shape_cast %get3A_7 : vector<1x2560x128xf32> to vector<2560x128xf32>
    %add3A = arith.addf %get3A_3, %get3A_8 : vector<2560x128xf32>
    %get3A_9 = arith.constant 0 : index
    %get3A_10 = arith.constant 0 : index
    %get3A_11 = vector.load %arg2[%get3A_9, %get3A_10] : memref<128x128xf32, #tpu.memory_space<vmem>>, vector<128x128xf32>
    %dot_general3A = arith.constant dense<0.000000e+00> : vector<2560x128xf32>
    %dot_general3A_12 = tpu.matmul %add3A, %get3A_11, %dot_general3A {dimension_numbers = #tpu.dot_dimension_numbers<[1], [0], [0], [1], [0, 0, 1, 1], [], []>, transpose_lhs_hint = false} : vector<2560x128xf32>, vector<128x128xf32>, vector<2560x128xf32> -> vector<2560x128xf32>
    %get3A_13 = arith.constant 0 : index
    %get3A_14 = arith.constant 0 : index
    %get3A_15 = vector.load %arg3[%get3A_13, %get3A_14] : memref<1x128xf32, #tpu.memory_space<vmem>>, vector<1x128xf32>
    %add3A_16 = vector.broadcast %get3A_15 : vector<1x128xf32> to vector<2560x128xf32>
    %add3A_17 = arith.addf %dot_general3A_12, %add3A_16 : vector<2560x128xf32>
    %max3A = arith.constant 0.000000e+00 : f32
    %max3A_18 = vector.broadcast %max3A : f32 to vector<2560x128xf32>
    %max3A_19 = arith.maximumf %add3A_17, %max3A_18 : vector<2560x128xf32>
    %get3A_20 = arith.constant 0 : index
    %get3A_21 = arith.constant 0 : index
    %get3A_22 = vector.load %arg4[%get3A_20, %get3A_21] : memref<128x128xf32, #tpu.memory_space<vmem>>, vector<128x128xf32>
    %dot_general3A_23 = arith.constant dense<0.000000e+00> : vector<2560x128xf32>
    %dot_general3A_24 = tpu.matmul %max3A_19, %get3A_22, %dot_general3A_23 {dimension_numbers = #tpu.dot_dimension_numbers<[1], [0], [0], [1], [0, 0, 1, 1], [], []>, transpose_lhs_hint = false} : vector<2560x128xf32>, vector<128x128xf32>, vector<2560x128xf32> -> vector<2560x128xf32>
    %get3A_25 = arith.constant 0 : index
    %get3A_26 = arith.constant 0 : index
    %get3A_27 = vector.load %arg5[%get3A_25, %get3A_26] : memref<1x128xf32, #tpu.memory_space<vmem>>, vector<1x128xf32>
    %add3A_28 = vector.broadcast %get3A_27 : vector<1x128xf32> to vector<2560x128xf32>
    %add3A_29 = arith.addf %dot_general3A_24, %add3A_28 : vector<2560x128xf32>
    %max3A_30 = arith.constant 0.000000e+00 : f32
    %max3A_31 = vector.broadcast %max3A_30 : f32 to vector<2560x128xf32>
    %max3A_32 = arith.maximumf %add3A_29, %max3A_31 : vector<2560x128xf32>
    %iota3A = tpu.iota {dimensions = array<i32: 1>} : vector<2560x64xi32>
    %get3A_33 = arith.constant 0 : index
    %get3A_34 = arith.constant 0 : index
    %get3A_35 = vector.load %arg6[%get3A_33, %get3A_34] : memref<2560x1xi32, #tpu.memory_space<vmem>>, vector<2560x1xi32>
    %eq3A = vector.broadcast %get3A_35 : vector<2560x1xi32> to vector<2560x64xi32>
    %eq3A_36 = arith.cmpi eq, %eq3A, %iota3A : vector<2560x64xi32>
    %convert_element_type3A = arith.extui %eq3A_36 : vector<2560x64xi1> to vector<2560x64xi32>
    %convert_element_type3A_37 = arith.sitofp %convert_element_type3A : vector<2560x64xi32> to vector<2560x64xf32>
    %dot_general3A_38 = arith.constant dense<0.000000e+00> : vector<64x128xf32>
    %dot_general3A_39 = tpu.matmul %convert_element_type3A_37, %max3A_32, %dot_general3A_38 {dimension_numbers = #tpu.dot_dimension_numbers<[0], [0], [1], [1], [0, 1, 1, 1], [], []>, transpose_lhs_hint = false} : vector<2560x64xf32>, vector<2560x128xf32>, vector<64x128xf32> -> vector<64x128xf32>
    %eq3A_40 = arith.constant 0 : i32
    %eq3A_41 = arith.cmpi eq, %arg0, %eq3A_40 : i32
    %convert_element_type3A_42 = arith.extui %eq3A_41 : i1 to i32
    %cond3A = arith.constant 0 : i32
    %cond3A_43 = arith.cmpi ne, %convert_element_type3A_42, %cond3A : i32
    scf.if %cond3A_43 {
      %broadcast_in_dim3A = arith.constant 0.000000e+00 : f32
      %broadcast_in_dim3A_55 = vector.broadcast %broadcast_in_dim3A : f32 to vector<64x128xf32>
      %swap3A_56 = arith.constant 0 : index
      %swap3A_57 = arith.constant 0 : index
      %swap3A_58 = vector.load %arg11[%swap3A_56, %swap3A_57] : memref<64x128xf32, #tpu.memory_space<vmem>>, vector<64x128xf32>
      tpu.vector_store %arg11[%swap3A_56, %swap3A_57], %broadcast_in_dim3A_55 {strides = array<i32>} : memref<64x128xf32, #tpu.memory_space<vmem>>, vector<64x128xf32>,
    } else {
    }
    %get3A_44 = arith.constant 0 : index
    %get3A_45 = arith.constant 0 : index
    %get3A_46 = vector.load %arg11[%get3A_44, %get3A_45] : memref<64x128xf32, #tpu.memory_space<vmem>>, vector<64x128xf32>
    %add3A_47 = arith.addf %get3A_46, %dot_general3A_39 : vector<64x128xf32>
    %swap3A = arith.constant 0 : index
    %swap3A_48 = arith.constant 0 : index
    %swap3A_49 = vector.load %arg11[%swap3A, %swap3A_48] : memref<64x128xf32, #tpu.memory_space<vmem>>, vector<64x128xf32>
    tpu.vector_store %arg11[%swap3A, %swap3A_48], %add3A_47 {strides = array<i32>} : memref<64x128xf32, #tpu.memory_space<vmem>>, vector<64x128xf32>,
    %eq3A_50 = arith.constant 3 : i32
    %eq3A_51 = arith.cmpi eq, %arg0, %eq3A_50 : i32
    %convert_element_type3A_52 = arith.extui %eq3A_51 : i1 to i32
    %cond3A_53 = arith.constant 0 : i32
    %cond3A_54 = arith.cmpi ne, %convert_element_type3A_52, %cond3A_53 : i32
    scf.if %cond3A_54 {
      %iota3A_55 = tpu.iota {dimensions = array<i32: 1>} : vector<64x8xi32>
      %get3A_56 = arith.constant 0 : index
      %get3A_57 = arith.constant 0 : index
      %get3A_58 = vector.load %arg7[%get3A_56, %get3A_57] : memref<64x1xi32, #tpu.memory_space<vmem>>, vector<64x1xi32>
      %eq3A_59 = vector.broadcast %get3A_58 : vector<64x1xi32> to vector<64x8xi32>
      %eq3A_60 = arith.cmpi eq, %eq3A_59, %iota3A_55 : vector<64x8xi32>
      %convert_element_type3A_61 = arith.extui %eq3A_60 : vector<64x8xi1> to vector<64x8xi32>
      %convert_element_type3A_62 = arith.sitofp %convert_element_type3A_61 : vector<64x8xi32> to vector<64x8xf32>
      %get3A_63 = arith.constant 0 : index
      %get3A_64 = arith.constant 0 : index
      %get3A_65 = vector.load %arg8[%get3A_63, %get3A_64] : memref<8x128xf32, #tpu.memory_space<vmem>>, vector<8x128xf32>
      %dot_general3A_66 = arith.constant dense<0.000000e+00> : vector<64x128xf32>
      %dot_general3A_67 = tpu.matmul %convert_element_type3A_62, %get3A_65, %dot_general3A_66 {dimension_numbers = #tpu.dot_dimension_numbers<[1], [0], [0], [1], [0, 0, 1, 1], [], []>, transpose_lhs_hint = false} : vector<64x8xf32>, vector<8x128xf32>, vector<64x128xf32> -> vector<64x128xf32>
      %get3A_68 = arith.constant 0 : index
      %get3A_69 = arith.constant 0 : index
      %get3A_70 = vector.load %arg9[%get3A_68, %get3A_69] : memref<8x1xf32, #tpu.memory_space<vmem>>, vector<8x1xf32>
      %dot_general3A_71 = arith.constant dense<0.000000e+00> : vector<64x1xf32>
      %dot_general3A_72 = tpu.matmul %convert_element_type3A_62, %get3A_70, %dot_general3A_71 {dimension_numbers = #tpu.dot_dimension_numbers<[1], [0], [0], [1], [0, 0, 1, 1], [], []>, transpose_lhs_hint = false} : vector<64x8xf32>, vector<8x1xf32>, vector<64x1xf32> -> vector<64x1xf32>
      %get3A_73 = arith.constant 0 : index
      %get3A_74 = arith.constant 0 : index
      %get3A_75 = vector.load %arg11[%get3A_73, %get3A_74] : memref<64x128xf32, #tpu.memory_space<vmem>>, vector<64x128xf32>
      %mul3A = arith.mulf %get3A_75, %dot_general3A_67 : vector<64x128xf32>
      %reduce_sum3A = arith.constant dense<0.000000e+00> : vector<64xf32>
      %reduce_sum3A_76 = vector.multi_reduction <add>, %mul3A, %reduce_sum3A [1] : vector<64x128xf32> to vector<64xf32>
      %broadcast_in_dim3A = vector.shape_cast %reduce_sum3A_76 : vector<64xf32> to vector<64x1xf32>
      %add3A_77 = arith.addf %broadcast_in_dim3A, %dot_general3A_72 : vector<64x1xf32>
      %swap3A_78 = arith.constant 0 : index
      %swap3A_79 = arith.constant 0 : index
      %swap3A_80 = vector.load %arg10[%swap3A_78, %swap3A_79] : memref<64x1xf32, #tpu.memory_space<vmem>>, vector<64x1xf32>
      tpu.vector_store %arg10[%swap3A_78, %swap3A_79], %add3A_77 {strides = array<i32>} : memref<64x1xf32, #tpu.memory_space<vmem>>, vector<64x1xf32>,
    } else {
    }
    return
  }
  func.func @transform_0(%arg0: i32) -> (i32, i32, i32) {
    %c0_i32 = arith.constant 0 : i32
    %c0_i32_0 = arith.constant 0 : i32
    %c0_i32_1 = arith.constant 0 : i32
    return %c0_i32, %arg0, %c0_i32_0 : i32, i32, i32
  }
  func.func @transform_1(%arg0: i32) -> (i32, i32) {
    %c0_i32 = arith.constant 0 : i32
    %c0_i32_0 = arith.constant 0 : i32
    %c0_i32_1 = arith.constant 0 : i32
    return %c0_i32, %c0_i32_0 : i32, i32
  }
  func.func @transform_2(%arg0: i32) -> (i32, i32) {
    %c0_i32 = arith.constant 0 : i32
    %c0_i32_0 = arith.constant 0 : i32
    %c0_i32_1 = arith.constant 0 : i32
    return %c0_i32, %c0_i32_0 : i32, i32
  }
  func.func @transform_3(%arg0: i32) -> (i32, i32) {
    %c0_i32 = arith.constant 0 : i32
    %c0_i32_0 = arith.constant 0 : i32
    %c0_i32_1 = arith.constant 0 : i32
    return %c0_i32, %c0_i32_0 : i32, i32
  }
  func.func @transform_4(%arg0: i32) -> (i32, i32) {
    %c0_i32 = arith.constant 0 : i32
    %c0_i32_0 = arith.constant 0 : i32
    %c0_i32_1 = arith.constant 0 : i32
    return %c0_i32, %c0_i32_0 : i32, i32
  }
  func.func @transform_5(%arg0: i32) -> (i32, i32) {
    %c0_i32 = arith.constant 0 : i32
    %c0_i32_0 = arith.constant 0 : i32
    return %arg0, %c0_i32 : i32, i32
  }
  func.func @transform_6(%arg0: i32) -> (i32, i32) {
    %c0_i32 = arith.constant 0 : i32
    %c0_i32_0 = arith.constant 0 : i32
    %c0_i32_1 = arith.constant 0 : i32
    return %c0_i32, %c0_i32_0 : i32, i32
  }
  func.func @transform_7(%arg0: i32) -> (i32, i32) {
    %c0_i32 = arith.constant 0 : i32
    %c0_i32_0 = arith.constant 0 : i32
    %c0_i32_1 = arith.constant 0 : i32
    return %c0_i32, %c0_i32_0 : i32, i32
  }
  func.func @transform_8(%arg0: i32) -> (i32, i32) {
    %c0_i32 = arith.constant 0 : i32
    %c0_i32_0 = arith.constant 0 : i32
    %c0_i32_1 = arith.constant 0 : i32
    return %c0_i32, %c0_i32_0 : i32, i32
  }
  func.func @transform_9(%arg0: i32) -> (i32, i32) {
    %c0_i32 = arith.constant 0 : i32
    %c0_i32_0 = arith.constant 0 : i32
    %c0_i32_1 = arith.constant 0 : i32
    return %c0_i32, %c0_i32_0 : i32, i32
  }
}

</mosaic_0001>

<sc_bundles>
// kernel: kernel.11.cloned.1.call-start
scs
__scs_entry_jumppad:
0x0: {  	(pc) =	sbr.rel $0x88, $3  }
0x1: {  	(tag) =	ssettag $0x0;
	lr =	simm.s32 $0x1  }
0x2: {  	[smem:$0x3F89] =	sst lr;
	_ =	strace $0xD0000000  }
0x3: {  	_ = 	snop  }
0x4: {  	_ = 	snop  }
0x5: {  	_ = 	snop  }
0x6: {  	_ = 	snop  }
0x7: {  	_ = 	snop  }
__scs_overlays_trampoline_lowered:
0x8: {  	[smem:$0x3F98] =	sst s0  }
0x9: {  	[smem:$0x3F99] =	sst s1  }
0xa: {  	[smem:$0x3F9A] =	sst s2  }
0xb: {  	[smem:$0x3F9B] =	sst s3  }
0xc: {  	[smem:$0x3F9C] =	sst s4  }
0xd: {  	[smem:$0x3F9D] =	sst s5  }
0xe: {  	[smem:$0x3F9E] =	sst s6  }
0xf: {  	[smem:$0x3F9F] =	sst s7  }
0x10: {  	[smem:$0x3FA0] =	sst s8  }
0x11: {  	[smem:$0x3FA1] =	sst s9;
	s0 =	simm.s32 @!p0 $0x0  }
0x12: {  	s1 =	sld [smem:$0x3F87];
	s0 =	simm.s32 @p0 $0x1  }
0x13: {  	[smem:$0x3FA2] =	sst s0;
	s0 =	simm.s32 @!p1 $0x0  }
0x14: {  	s2 =	sld [smem:$0x3F86];
	s0 =	simm.s32 @p1 $0x1  }
0x15: {  	[smem:$0x3FA3] =	sst s0;
	s0 =	simm.s32 @!p2 $0x0  }
0x16: {  	s3 =	sld [smem:$0x3FDB];
	s0 =	simm.s32 @p2 $0x1  }
0x17: {  	s4 =	simm.s32 $0x1BF5;
	[smem:$0x3FA5] =	sst s0  }
0x18: {  	s0 =	sld [smem:$0x3F88];
	_ =	swait.ge [sflag:s4], $0x0  }
0x19: {  	s7 =	sld [smem:$0x3F89]  }
0x1a: {  	s8 =	sadd.s32 $0xFFFFE003, lr  }
0x1b: {  	s9 =	sadd.s32 $0xFFFFFEF7, lr;
	s5 =	simm.s32 $0xFFFFFFFF;
	p2 =	slt.u32 s8, $0xFFFFF086  }
0x1c: {  	p1 =	slt.u32 s9, $0xF7A;
	s5 =	simm.s32 @!p2 $0x0  }
0x1d: {  	s5 =	simm.s32 @p1 $0x1;
	p0 =	seq.s32 s7, s2  }
0x1e: {  	s7 =	smul.u32 @!p0 $0xF7A, s2;
	p2 =	seq.s32 @!p0 s5, $0x0  }
0x1f: {  	s9 =	smul.u32 $0xF7A, s1;
	s8 =	simm.s32 @!p0 $0x1BF5;
	p2 =	por !p2, p0  }
0x20: {  	[sflag:s8] =	ssyncset.s32 @!p0 $0xFFFFF086;
	s6 =	sadd.s32 @!p0 s3, s7;
	s7 =	simm.s32 @!p0 $0x108  }
0x21: {  	s3 =	sadd.s32 s3, s9;
	s6 =	sadd.s32 @!p0 $0x88, s6;
	s7 =	simm.s32 @p2 $0x1082  }
0x22: {  	[simem:s7], [sflag:s8] =	dma.local @!p0 [hbm:s6], $0xF7A  }
0x23: {  	s9 =	sor.u32 $0xD0000000, s2;
	s6 =	simm.s32 $0x108;
	_ =	swait.ge @!p0 [sflag:s8], $0x0  }
0x24: {  	s3 =	sadd.s32 $0x88, s3;
	s6 =	simm.s32 @!p1 $0x1082;
	[sflag:s4] =	ssyncset.s32 $0xFFFFF086  }
0x25: {  	[simem:s6], [sflag:s4] =	dma.local [hbm:s3], $0xF7A  }
0x26: {  	[smem:$0x3F89] =	sst s1;
	(tag) =	ssettag s2;
	_ =	strace s9  }
0x27: {  	s1 =	sld [smem:$0x3F99]  }
0x28: {  	s2 =	sld [smem:$0x3F9A]  }
0x29: {  	s4 =	sld [smem:$0x3F9C]  }
0x2a: {  	p0 =	seq.s32 s5, $0x0;
	s5 =	sld [smem:$0x3F9D]  }
0x2b: {  	s6 =	sld [smem:$0x3F9E]  }
0x2c: {  	s7 =	sld [smem:$0x3F9F]  }
0x2d: {  	s3 =	simm.s32 $0x108;
	s8 =	sld [smem:$0x3FA0]  }
0x2e: {  	s3 =	simm.s32 @!p0 $0x1082;
	s9 =	sld [smem:$0x3FA1]  }
0x2f: {  	lr =	sadd.s32 s0, s3;
	s0 =	sld [smem:$0x3F98]  }
0x30: {  	s3 =	sld [smem:$0x3F9B]  }
0x31: {  	[smem:$0x3FA4] =	sst s10  }
0x32: {  	s10 =	sld [smem:$0x3FA2];
	_ =	sdelay $0x3  }
0x33: {  	p0 =	seq.s32 s10, $0x1;
	s10 =	sld [smem:$0x3FA4];
	_ =	sdelay $0x3  }
0x34: {  	[smem:$0x3FA4] =	sst s10  }
0x35: {  	s10 =	sld [smem:$0x3FA3];
	_ =	sdelay $0x3  }
0x36: {  	p1 =	seq.s32 s10, $0x1;
	s10 =	sld [smem:$0x3FA4];
	_ =	sdelay $0x3  }
0x37: {  	[smem:$0x3FA4] =	sst s10  }
0x38: {  	s10 =	sld [smem:$0x3FA5]  }
0x39: {  	_ = 	snop;
	(pc) =	sbr.ind lr, $3  }
0x3a: {  	_ = 	snop  }
0x3b: {  	_ = 	snop  }
0x3c: {  	p2 =	seq.s32 s10, $0x1;
	s10 =	sld [smem:$0x3FA4]  }
0x3d: {  	_ =	shalt  }
0x3e: {  	_ =	shalt  }
0x3f: {  	_ =	shalt  }
0x40: {  	_ =	shalt  }
0x41: {  	_ =	shalt  }
0x42: {  	_ =	shalt  }
0x43: {  	_ =	shalt  }
0x44: {  	_ =	shalt  }
0x45: {  	_ =	shalt  }
0x46: {  	_ =	shalt  }
0x47: {  	_ =	shalt  }
0x48: {  	_ =	shalt  }
0x49: {  	_ =	shalt  }
0x4a: {  	_ =	shalt  }
0x4b: {  	_ =	shalt  }
0x4c: {  	_ =	shalt  }
0x4d: {  	_ =	shalt  }
0x4e: {  	_ =	shalt  }
0x4f: {  	_ =	shalt  }
0x50: {  	_ =	shalt  }
0x51: {  	_ =	shalt  }
0x52: {  	_ =	shalt  }
0x53: {  	_ =	shalt  }
0x54: {  	_ =	shalt  }
0x55: {  	_ =	shalt  }
0x56: {  	_ =	shalt  }
0x57: {  	_ =	shalt  }
0x58: {  	_ =	shalt  }
0x59: {  	_ =	shalt  }
0x5a: {  	_ =	shalt  }
0x5b: {  	_ =	shalt  }
0x5c: {  	_ =	shalt  }
0x5d: {  	_ =	shalt  }
0x5e: {  	_ =	shalt  }
0x5f: {  	_ =	shalt  }
0x60: {  	_ =	shalt  }
0x61: {  	_ =	shalt  }
0x62: {  	_ =	shalt  }
0x63: {  	_ =	shalt  }
0x64: {  	_ =	shalt  }
0x65: {  	_ =	shalt  }
0x66: {  	_ =	shalt  }
0x67: {  	_ =	shalt  }
0x68: {  	_ =	shalt  }
0x69: {  	_ =	shalt  }
0x6a: {  	_ =	shalt  }
0x6b: {  	_ =	shalt  }
0x6c: {  	_ =	shalt  }
0x6d: {  	_ =	shalt  }
0x6e: {  	_ =	shalt  }
0x6f: {  	_ =	shalt  }
0x70: {  	_ =	shalt  }
0x71: {  	_ =	shalt  }
0x72: {  	_ =	shalt  }
0x73: {  	_ =	shalt  }
0x74: {  	_ =	shalt  }
0x75: {  	_ =	shalt  }
0x76: {  	_ =	shalt  }
0x77: {  	_ =	shalt  }
0x78: {  	_ =	shalt  }
0x79: {  	_ =	shalt  }
0x7a: {  	_ =	shalt  }
0x7b: {  	_ =	shalt  }
0x7c: {  	_ =	shalt  }
0x7d: {  	_ =	shalt  }
0x7e: {  	_ =	shalt  }
0x7f: {  	_ =	shalt  }
0x80: {  	_ =	shalt  }
0x81: {  	_ =	shalt  }
0x82: {  	_ =	shalt  }
0x83: {  	_ =	shalt  }
0x84: {  	_ =	shalt  }
0x85: {  	_ =	shalt  }
0x86: {  	_ =	shalt  }
0x87: {  	_ =	shalt  }
.Lfunc_end0:
.L_simem_size_0:
called_computation.1_lowered:
.L_overlay_start_0:
0x88: {  	s2 =	sld [smem:$0x3FD9]  }
0x89: {  	s3 =	sld [smem:$0x3FFE];
	_ =	sdelay $0x1  }
0x8a: {  	s1 =	srdreg.scid  }
0x8b: {  	s0 =	sand.u32 $0x1, s1  }
0x8c: {  	s16 =	sshll.u32 s0, $0xA;
	s2 =	sadd.s32 s3, s2  }
0x8d: {  	s2 =	sadd.s32 s2, s16  }
0x8e: {  	[smem:$0x3FB0] =	sst s2  }
0x8f: {  	_ = 	snop  }
0x90: {  	(tm) =	ssettm $0x1  }
0x91: {  	s17 =	sld [smem:$0x3FFB];
	_ =	sdelay $0x3  }
0x92: {  	_ =	strace s17  }
0x93: {  	s2 =	sld [smem:$0x3FFC];
	_ =	sdelay $0x3  }
0x94: {  	_ =	strace s2  }
0x95: {  	s2 =	sld [smem:$0x3FFD];
	_ =	sdelay $0x3  }
0x96: {  	_ =	strace s2  }
0x97: {  	_ =	strace $0x8FFFFFFF  }
0x98: {  	s18 =	sld [smem:$0x3FDB];
	_ =	sdelay $0x1  }
0x99: {  	s19 =	simm.s32 $_scs_section_size  }
0x9a: {  	s4 =	simm.s32 $_size__tile_overlayer_lowered;
	s5 =	simm.s32 $_tile_overlayer_lowered  }
0x9b: {  	s22 =	simm.s32 $0x1BFF;
	s21 =	sshll.u32 s5, $0x1;
	s2 =	sadd.s32 s19, s18  }
0x9c: {  	s6 =	simm.s32 $0x0;
	s20 =	sshll.u32 s4, $0x1;
	s4 =	sadd.s32 s21, s2  }
0x9d: {  	[timem:s6], [sflag:s22] =	dma.local [hbm:s4], s20  }
0x9e: {  	_ =	swait.ge [sflag:s22], s20  }
0x9f: {  	s3 =	ssub.s32 $0x0, s20;
	[sflag:s22] =	ssyncset.done $0x0  }
0xa0: {  	[sflag:s22] =	ssyncadd.s32 s3;
	_ =	sdelay $0x1  }
0xa1: {  	s23 =	simm.s32 $0x1B8B  }
0xa2: {  	_ =	swait.ge [sflag:s23], $0x1  }
0xa3: {  	[sflag:s23] =	ssyncset.done $0x0  }
0xa4: {  	s25 =	simm.s32 $0x1B8E;
	s24 =	sld [smem:$0x3FFE];
	[sflag:s23] =	ssyncadd.s32 $0xFFFFFFFF  }
0xa5: {  	s26 =	simm.s32 $execute0_lowered;
	[smem:$0x3FD2] =	sst s25  }
0xa6: {  	s4 =	sshll.u32 s26, $0x1;
	_ =	strace $0x80000049;
	[dreg:$0x1] =	wrdreg $0xFFFFFFFF  }
0xa7: {  	s28 =	simm.s32 $_size_execute0_lowered;
	s2 =	sadd.s32 s2, s4;
	[dreg:$0x0] =	wrdreg $0x0  }
0xa8: {  	s4 =	sshll.u32 s28, $0x1;
	[dreg:$0x2] =	wrdreg s2  }
0xa9: {  	[dreg:$0x3] =	wrdreg s4  }
0xaa: {  	[dreg:$0x4] =	wrdreg $0xC0  }
0xab: {  	_ =	task [dreg:s6], $0x5FFFF  }
0xac: {  	[dreg:$0x1] =	wrdreg $0xFFFFFFFF  }
0xad: {  	[dreg:$0x0] =	wrdreg $0x60  }
0xae: {  	[dreg:$0x2] =	wrdreg s24  }
0xaf: {  	[dreg:$0x3] =	wrdreg $0xA8000  }
0xb0: {  	[dreg:$0x4] =	wrdreg $0x9  }
0xb1: {  	_ =	task.clear_ibuf [dreg:s6], $0x5FFFF;
	_ =	strace $0x90000049  }
0xb2: {  	s29 =	simm.s32 $0x9;
	_ =	strace $0x8000004B  }
0xb3: {  	_ =	swait.ge [sflag:s29], $0x1  }
0xb4: {  	[sflag:s29] =	ssyncadd.s32 $0xFFFFFFFF  }
0xb5: {  	_ =	strace $0x9000004B  }
0xb6: {  	_ =	sfence  }
0xb7: {  	s30 =	sld [smem:$0x0];
	_ =	sdelay $0x2  }
0xb8: {  	s31 =	sshll.u32 s1, $0xD;
	s1 =	sshrl.u32 s1, $0x2  }
0xb9: {  	s3 =	sand.u32 $0x4000, s31;
	s1 =	sadd.s32 s1, s30  }
0xba: {  	s0 =	sor.u32 s3, s0;
	s1 =	sshll.u32 s1, $0x11  }
0xbb: {  	s0 =	sor.u32 s1, s0  }
0xbc: {  	s0 =	sadd.s32 $0x8F2B, s0  }
0xbd: {  	[sflag:s0] =	ssyncadd.remote.s32 $0x1  }
0xbe: {  	_ =	sfence.sel $0xFFFF  }
0xbf: {  	[dreg:$0x0] =	wrdreg $0xFFFFFFFF;
	(pc) =	sbr.abs _section_cstart, $3  }
0xc0: {  	[dreg:$0x1] =	wrdreg $0xFFFFFFFF  }
0xc1: {  	_ =	task.clear_ibuf [dreg:s6], $0x2FFFF;
	_ =	strace $0x9FFFFFFF  }
0xc2: {  	(tm) =	ssettm $0x7FFFFFFF  }
0xc3: {  	_ =	shalt  }
tec
execute0_lowered:
.L_overlay_start_1:
0x0: {  	(tag) =	ssettag $0x1  }
0x1: {  	s5 =	rddreg [dreg:$0x0];
	s0 =	srdreg.scid  }
0x2: {  	s2 =	rddreg [dreg:$0x1];
	s1 =	stileid.u32  }
0x3: {  	s3 =	simm.s32 $0x0;
	s13 =	simm.s32 $0x5;
	s14 =	simm.s32 $0x80  }
0x4: {  	s15 =	simm.s32 $0x2800;
	s16 =	simm.s32 $0x100;
	s17 =	simm.s32 $0x6800  }
0x5: {  	s18 =	simm.s32 $0x1;
	s19 =	simm.s32 $0x2;
	s20 =	simm.s32 $0x3  }
0x6: {  	s21 =	simm.s32 $0x4;
	s22 =	simm.s32 $0x2680;
	s8 =	smul.u32 $0x5000, s1  }
0x7: {  	s23 =	simm.s32 $0x2780;
	s25 =	simm.s32 $0x0;
	s10 =	smul.u32 $0x14000, s1  }
0x8: {  	s6 =	sand.u32 $0x1, s0;
	s0 =	rddreg [dreg:$0x2];
	s12 =	smul.u32 $0x50000, s1  }
0x9: {  	[smem:$0x7FF] =	sst s3;
	s4 =	sadd.s32 $0x18400, s5;
	s31 =	smul.u32 $0x2800, s1  }
0xa: {  	s11 =	sadd.s32 $0x40400, s5;
	s24 =	sshll.u32 s1, $0x6;
	s7 =	smul.u32 $0x50000, s6  }
0xb: {  	s9 =	smul.u32 $0x140000, s6;
	_ =	strace $0x8000004A;
	s28 =	ssub.s32 $0x2, s6  }
0xc: {  	p0 =	seq.s32 s6, $0x0;
	s29 =	sshrl.u32 s28, $0x1;
	s30 =	sshrl.u32 s12, $0x2  }
0xd: {  	s11 =	smov.u32 @p0 s4;
	s7 =	sadd.s32 s8, s7;
	s26 =	sadd.s32 s10, s9  }
0xe: {  	s9 =	ssub.s32 s28, s29;
	s12 =	sadd.s32 s30, s2;
	s7 =	sshrl.u32 s7, $0x3  }
0xf: {  	s10 =	simm.s32 $0x6;
	s8 =	sshrl.u32 s26, $0x3;
	s7 =	sadd.s32 s7, s5  }
0x10: {  	s12 =	sshrl.u32 s12, $0x3;
	s8 =	sadd.s32 s8, s5;
	s5 =	sadd.s32 $0x4400, s7  }
0x11: {  	s6 =	sadd.s32 $0x4900, s7;
	s7 =	sadd.s32 $0x68400, s8;
	s8 =	smax.u32 s9, $0x1  }
0x12: {  	s9 =	sadd.s32 s11, s31;
	s11 =	sor.u32 $0x1C05, s24;
	s24 =	sor.u32 $0x1C06, s24  }
.LBB2_1:
0x13: {  	[tilespmem:s3], [sflag:$0x6] =	stream.linear.gather [hbm4b:s5+s3], $0x2800, $0x38;
	[tilespmem:$0x1E800] =	vst v63  }
0x14: {  	_ =	swait.ge [sflag:s10], $0x2800  }
0x15: {  	[sflag:s10] =	ssyncset.done $0x0  }
0x16: {  	[sflag:s10] =	ssyncadd.s32 $0xFFFFD800  }
0x17: {  	[spmem:s12], [sflag:s11] =	dma.local [hbm:s9], $0x2800  }
0x18: {  	_ =	swait.ge [sflag:s13], $0x2800  }
0x19: {  	[sflag:s13] =	ssyncset.done $0x0  }
0x1a: {  	[sflag:s13] =	ssyncadd.s32 $0xFFFFD800  }
0x1b: {  	[bflag:$0x0] =	sbarrier.arrive $0xFFFF  }
0x1c: {  	[tilespmem:s15], [sflag:$0x1] =	stream.indirect.gather [hbm4b:s4+s14], $0x80, s3, s14, $0xb8;
	[tilespmem:$0x1E800] =	vst v63  }
0x1d: {  	_ = 	snop  }
0x1e: {  	[tilespmem:s17], [sflag:$0x2] =	stream.indirect.gather [hbm4b:s4+s14], $0x80, s16, s14, $0xb8;
	[tilespmem:$0x1E800] =	vst v63  }
0x1f: {  	_ =	swait.ge [sflag:s18], $0x4000  }
0x20: {  	[sflag:s18] =	ssyncset.done $0x0  }
0x21: {  	s26 =	simm.s32 $0x80;
	[sflag:s18] =	ssyncadd.s32 $0xFFFFC000  }
0x22: {  	[spmem:s2] =	stream.indirect.scatter.add.f32 [tilespmem:s15], [sflag:$0x3], $0x80, s26, s14, $0xb8;
	[tilespmem:$0x1E800] =	vst v63  }
0x23: {  	_ =	swait.ge [sflag:s19], $0x4000  }
0x24: {  	[sflag:s19] =	ssyncset.done $0x0  }
0x25: {  	s30 =	simm.s32 $0x180;
	[sflag:s19] =	ssyncadd.s32 $0xFFFFC000  }
0x26: {  	[spmem:s2] =	stream.indirect.scatter.add.f32 [tilespmem:s17], [sflag:$0x4], $0x80, s30, s14, $0xb8;
	[tilespmem:$0x1E800] =	vst v63  }
0x27: {  	_ =	swait.ge [sflag:s20], $0x4000  }
0x28: {  	[sflag:s20] =	ssyncset.done $0x0  }
0x29: {  	s31 =	simm.s32 $0x200;
	[sflag:s20] =	ssyncadd.s32 $0xFFFFC000  }
0x2a: {  	[tilespmem:s15], [sflag:$0x1] =	stream.indirect.gather [hbm4b:s4+s14], $0x80, s31, s14, $0xb8;
	[tilespmem:$0x1E800] =	vst v63  }
0x2b: {  	_ =	swait.ge [sflag:s21], $0x4000  }
0x2c: {  	[sflag:s21] =	ssyncset.done $0x0  }
0x2d: {  	s28 =	simm.s32 $0x300;
	s26 =	simm.s32 $0xFFFF7000;
	[sflag:s21] =	ssyncadd.s32 $0xFFFFC000  }
.LBB2_2:
0x2e: {  	[tilespmem:s17], [sflag:$0x2] =	stream.indirect.gather [hbm4b:s4+s14], $0x80, s28, s14, $0xb8;
	[tilespmem:$0x1E800] =	vst v63  }
0x2f: {  	s28 =	smov.u32 s26  }
0x30: {  	p0 =	sne.s32 s26, $0xFFFFF800;
	s26 =	sadd.s32 $0x800, s26;
	_ =	swait.ge [sflag:s18], $0x4000  }
0x31: {  	s28 =	sshra.s32 s28, $0x2;
	[sflag:s18] =	ssyncset.done $0x0  }
0x32: {  	s29 =	sadd.s32 $0x2680, s28;
	[sflag:s18] =	ssyncadd.s32 $0xFFFFC000  }
0x33: {  	[spmem:s2] =	stream.indirect.scatter.add.f32 [tilespmem:s15], [sflag:$0x3], $0x80, s29, s14, $0xb8;
	[tilespmem:$0x1E800] =	vst v63  }
0x34: {  	_ =	swait.ge [sflag:s19], $0x4000  }
0x35: {  	[sflag:s19] =	ssyncset.done $0x0  }
0x36: {  	s29 =	sadd.s32 $0x2780, s28;
	[sflag:s19] =	ssyncadd.s32 $0xFFFFC000  }
0x37: {  	[spmem:s2] =	stream.indirect.scatter.add.f32 [tilespmem:s17], [sflag:$0x4], $0x80, s29, s14, $0xb8;
	[tilespmem:$0x1E800] =	vst v63  }
0x38: {  	_ =	swait.ge [sflag:s20], $0x4000  }
0x39: {  	[sflag:s20] =	ssyncset.done $0x0  }
.Ltmp0:
0x3a: {  	s29 =	sadd.s32 $0x2800, s28;
	[sflag:s20] =	ssyncadd.s32 $0xFFFFC000;
	(pc) =	sbr.rel @p0 .LBB2_2-.Ltmp0, $4  }
0x3b: {  	[tilespmem:s15], [sflag:$0x1] =	stream.indirect.gather [hbm4b:s4+s14], $0x80, s29, s14, $0xb8;
	[tilespmem:$0x1E800] =	vst v63  }
0x3c: {  	_ =	swait.ge [sflag:s21], $0x4000  }
0x3d: {  	[sflag:s21] =	ssyncset.done $0x0  }
0x3e: {  	s28 =	sadd.s32 $0x2900, s28;
	[sflag:s21] =	ssyncadd.s32 $0xFFFFC000  }
0x3f: {  	[tilespmem:s17], [sflag:$0x2] =	stream.indirect.gather [hbm4b:s4+s14], $0x80, s28, s14, $0xb8;
	[tilespmem:$0x1E800] =	vst v63  }
0x40: {  	_ =	swait.ge [sflag:s18], $0x4000  }
0x41: {  	[sflag:s18] =	ssyncset.done $0x0  }
0x42: {  	[sflag:s18] =	ssyncadd.s32 $0xFFFFC000  }
0x43: {  	[spmem:s2] =	stream.indirect.scatter.add.f32 [tilespmem:s15], [sflag:$0x3], $0x80, s22, s14, $0xb8;
	[tilespmem:$0x1E800] =	vst v63  }
0x44: {  	_ =	swait.ge [sflag:s19], $0x4000  }
0x45: {  	[sflag:s19] =	ssyncset.done $0x0  }
0x46: {  	[sflag:s19] =	ssyncadd.s32 $0xFFFFC000  }
0x47: {  	[spmem:s2] =	stream.indirect.scatter.add.f32 [tilespmem:s17], [sflag:$0x4], $0x80, s23, s14, $0xb8;
	[tilespmem:$0x1E800] =	vst v63  }
0x48: {  	_ =	swait.ge [sflag:s20], $0x4000  }
0x49: {  	[sflag:s20] =	ssyncset.done $0x0  }
0x4a: {  	[sflag:s20] =	ssyncadd.s32 $0xFFFFC000  }
0x4b: {  	_ =	swait.ge [sflag:s21], $0x4000  }
0x4c: {  	[sflag:s21] =	ssyncset.done $0x0  }
0x4d: {  	[sflag:s21] =	ssyncadd.s32 $0xFFFFC000  }
0x4e: {  	[tilespmem:s3], [sflag:$0x6] =	stream.linear.gather [hbm4b:s6+s3], $0x2800, $0x38;
	[tilespmem:$0x1E800] =	vst v63  }
0x4f: {  	_ =	swait.ge [sflag:s10], $0x2800  }
0x50: {  	[sflag:s10] =	ssyncset.done $0x0  }
0x51: {  	[sflag:s10] =	ssyncadd.s32 $0xFFFFD800  }
0x52: {  	[tilespmem:s15], [sflag:$0x1] =	stream.indirect.gather [hbm4b:s4+s14], $0x80, s3, s14, $0xb8;
	[tilespmem:$0x1E800] =	vst v63  }
0x53: {  	_ = 	snop  }
0x54: {  	[tilespmem:s17], [sflag:$0x2] =	stream.indirect.gather [hbm4b:s4+s14], $0x80, s16, s14, $0xb8;
	[tilespmem:$0x1E800] =	vst v63  }
0x55: {  	_ =	swait.ge [sflag:s18], $0x4000  }
0x56: {  	[sflag:s18] =	ssyncset.done $0x0  }
0x57: {  	s26 =	simm.s32 $0x80;
	[sflag:s18] =	ssyncadd.s32 $0xFFFFC000  }
0x58: {  	[spmem:s2] =	stream.indirect.scatter.add.f32 [tilespmem:s15], [sflag:$0x3], $0x80, s26, s14, $0xb8;
	[tilespmem:$0x1E800] =	vst v63  }
0x59: {  	_ =	swait.ge [sflag:s19], $0x4000  }
0x5a: {  	[sflag:s19] =	ssyncset.done $0x0  }
0x5b: {  	s30 =	simm.s32 $0x180;
	[sflag:s19] =	ssyncadd.s32 $0xFFFFC000  }
0x5c: {  	[spmem:s2] =	stream.indirect.scatter.add.f32 [tilespmem:s17], [sflag:$0x4], $0x80, s30, s14, $0xb8;
	[tilespmem:$0x1E800] =	vst v63  }
0x5d: {  	_ =	swait.ge [sflag:s20], $0x4000  }
0x5e: {  	[sflag:s20] =	ssyncset.done $0x0  }
0x5f: {  	s31 =	simm.s32 $0x200;
	[sflag:s20] =	ssyncadd.s32 $0xFFFFC000  }
0x60: {  	[tilespmem:s15], [sflag:$0x1] =	stream.indirect.gather [hbm4b:s4+s14], $0x80, s31, s14, $0xb8;
	[tilespmem:$0x1E800] =	vst v63  }
0x61: {  	_ =	swait.ge [sflag:s21], $0x4000  }
0x62: {  	[sflag:s21] =	ssyncset.done $0x0  }
0x63: {  	s28 =	simm.s32 $0x300;
	s26 =	simm.s32 $0xFFFF7000;
	[sflag:s21] =	ssyncadd.s32 $0xFFFFC000  }
.LBB2_4:
0x64: {  	[tilespmem:s17], [sflag:$0x2] =	stream.indirect.gather [hbm4b:s4+s14], $0x80, s28, s14, $0xb8;
	[tilespmem:$0x1E800] =	vst v63  }
0x65: {  	s28 =	smov.u32 s26  }
0x66: {  	p0 =	sne.s32 s26, $0xFFFFF800;
	s26 =	sadd.s32 $0x800, s26;
	_ =	swait.ge [sflag:s18], $0x4000  }
0x67: {  	s28 =	sshra.s32 s28, $0x2;
	[sflag:s18] =	ssyncset.done $0x0  }
0x68: {  	s29 =	sadd.s32 $0x2680, s28;
	[sflag:s18] =	ssyncadd.s32 $0xFFFFC000  }
0x69: {  	[spmem:s2] =	stream.indirect.scatter.add.f32 [tilespmem:s15], [sflag:$0x3], $0x80, s29, s14, $0xb8;
	[tilespmem:$0x1E800] =	vst v63  }
0x6a: {  	_ =	swait.ge [sflag:s19], $0x4000  }
0x6b: {  	[sflag:s19] =	ssyncset.done $0x0  }
0x6c: {  	s29 =	sadd.s32 $0x2780, s28;
	[sflag:s19] =	ssyncadd.s32 $0xFFFFC000  }
0x6d: {  	[spmem:s2] =	stream.indirect.scatter.add.f32 [tilespmem:s17], [sflag:$0x4], $0x80, s29, s14, $0xb8;
	[tilespmem:$0x1E800] =	vst v63  }
0x6e: {  	_ =	swait.ge [sflag:s20], $0x4000  }
0x6f: {  	[sflag:s20] =	ssyncset.done $0x0  }
.Ltmp1:
0x70: {  	s29 =	sadd.s32 $0x2800, s28;
	[sflag:s20] =	ssyncadd.s32 $0xFFFFC000;
	(pc) =	sbr.rel @p0 .LBB2_4-.Ltmp1, $4  }
0x71: {  	[tilespmem:s15], [sflag:$0x1] =	stream.indirect.gather [hbm4b:s4+s14], $0x80, s29, s14, $0xb8;
	[tilespmem:$0x1E800] =	vst v63  }
0x72: {  	_ =	swait.ge [sflag:s21], $0x4000  }
0x73: {  	[sflag:s21] =	ssyncset.done $0x0  }
0x74: {  	s28 =	sadd.s32 $0x2900, s28;
	[sflag:s21] =	ssyncadd.s32 $0xFFFFC000  }
0x75: {  	[tilespmem:s17], [sflag:$0x2] =	stream.indirect.gather [hbm4b:s4+s14], $0x80, s28, s14, $0xb8;
	[tilespmem:$0x1E800] =	vst v63  }
0x76: {  	_ =	swait.ge [sflag:s18], $0x4000  }
0x77: {  	[sflag:s18] =	ssyncset.done $0x0  }
0x78: {  	[sflag:s18] =	ssyncadd.s32 $0xFFFFC000  }
0x79: {  	[spmem:s2] =	stream.indirect.scatter.add.f32 [tilespmem:s15], [sflag:$0x3], $0x80, s22, s14, $0xb8;
	[tilespmem:$0x1E800] =	vst v63  }
0x7a: {  	_ =	swait.ge [sflag:s19], $0x4000  }
0x7b: {  	[sflag:s19] =	ssyncset.done $0x0  }
0x7c: {  	[sflag:s19] =	ssyncadd.s32 $0xFFFFC000  }
0x7d: {  	[spmem:s2] =	stream.indirect.scatter.add.f32 [tilespmem:s17], [sflag:$0x4], $0x80, s23, s14, $0xb8;
	[tilespmem:$0x1E800] =	vst v63  }
0x7e: {  	_ =	swait.ge [sflag:s20], $0x4000  }
0x7f: {  	[sflag:s20] =	ssyncset.done $0x0  }
0x80: {  	[sflag:s20] =	ssyncadd.s32 $0xFFFFC000  }
0x81: {  	_ =	swait.ge [sflag:s21], $0x4000  }
0x82: {  	s25 =	sadd.s32 $0x1, s25;
	[sflag:s21] =	ssyncset.done $0x0  }
0x83: {  	p0 =	sne.s32 s25, s8;
	[sflag:s21] =	ssyncadd.s32 $0xFFFFC000  }
.Ltmp2:
0x84: {  	[bflag:$0x0] =	sbarrier.arrive $0xFFFF;
	(pc) =	sbr.rel @p0 .LBB2_1-.Ltmp2, $4  }
0x85: {  	[hbm:s7], [sflag:s24] =	dma.local [spmem:s12], $0x2800  }
0x86: {  	_ =	swait.ge [sflag:s10], $0x2800  }
0x87: {  	[sflag:s10] =	ssyncset.done $0x0  }
0x88: {  	[sflag:s10] =	ssyncadd.s32 $0xFFFFD800  }
0x89: {  	_ =	sfence.sel $0x180000  }
0x8a: {  	[bflag:$0x0] =	sbarrier.arrive $0xFFFF  }
0x8b: {  	p0 =	sne.s32 s1, $0x0;
	_ =	strace $0x9000004A  }
0x8c: {  	s0 =	sadd.s32 @!p0 $0x100000, s0;
	[bflag:$0x2] =	sbarrier.arrive $0xFFFF  }
0x8d: {  	[sflag:s0] =	ssyncadd.tile.s32 @!p0 $0x1;
	_ =	shalt  }
.Lfunc_end2:
_tile_overlayer_lowered:
.L_overlay_start_2:
0x8e: {  	(tag) =	ssettag $0x2  }
0x8f: {  	s0 =	rddreg [dreg:$0x0];
	s2 =	stileid.u32  }
0x90: {  	s1 =	rddreg [dreg:$0x1];
	p0 =	sne.s32 s2, $0x0  }
0x91: {  	s3 =	rddreg [dreg:$0x2];
	[bflag:$0x3] =	sbarrier.arrive $0xFFFF;
	s2 =	simm.s32 @!p0 $0x1C06  }
0x92: {  	[timem:s3], [sflag:s2] =	dma.local @!p0 [hbm:s0], s1  }
0x93: {  	s0 =	simm.s32 @!p0 $0x6  }
0x94: {  	_ =	swait.ge @!p0 [sflag:s0], s1  }
0x95: {  	s1 =	ssub.s32 @!p0 $0x0, s1;
	[sflag:s0] =	ssyncset.done @!p0 $0x0  }
0x96: {  	[sflag:s0] =	ssyncadd.s32 @!p0 s1  }
0x97: {  	[bflag:$0x3] =	sbarrier.arrive $0xFFFF  }
0x98: {  	_ =	shalt  }

// kernel: kernel.14.cloned.1.call-start
scs
__scs_entry_jumppad:
0x0: {  	(pc) =	sbr.rel $0x88, $3  }
0x1: {  	(tag) =	ssettag $0x0;
	lr =	simm.s32 $0x1  }
0x2: {  	[smem:$0x3F89] =	sst lr;
	_ =	strace $0xD0000000  }
0x3: {  	_ = 	snop  }
0x4: {  	_ = 	snop  }
0x5: {  	_ = 	snop  }
0x6: {  	_ = 	snop  }
0x7: {  	_ = 	snop  }
__scs_overlays_trampoline_lowered:
0x8: {  	[smem:$0x3F98] =	sst s0  }
0x9: {  	[smem:$0x3F99] =	sst s1  }
0xa: {  	[smem:$0x3F9A] =	sst s2  }
0xb: {  	[smem:$0x3F9B] =	sst s3  }
0xc: {  	[smem:$0x3F9C] =	sst s4  }
0xd: {  	[smem:$0x3F9D] =	sst s5  }
0xe: {  	[smem:$0x3F9E] =	sst s6  }
0xf: {  	[smem:$0x3F9F] =	sst s7  }
0x10: {  	[smem:$0x3FA0] =	sst s8  }
0x11: {  	[smem:$0x3FA1] =	sst s9;
	s0 =	simm.s32 @!p0 $0x0  }
0x12: {  	s1 =	sld [smem:$0x3F87];
	s0 =	simm.s32 @p0 $0x1  }
0x13: {  	[smem:$0x3FA2] =	sst s0;
	s0 =	simm.s32 @!p1 $0x0  }
0x14: {  	s2 =	sld [smem:$0x3F86];
	s0 =	simm.s32 @p1 $0x1  }
0x15: {  	[smem:$0x3FA3] =	sst s0;
	s0 =	simm.s32 @!p2 $0x0  }
0x16: {  	s3 =	sld [smem:$0x3FDB];
	s0 =	simm.s32 @p2 $0x1  }
0x17: {  	s4 =	simm.s32 $0x1BF5;
	[smem:$0x3FA5] =	sst s0  }
0x18: {  	s0 =	sld [smem:$0x3F88];
	_ =	swait.ge [sflag:s4], $0x0  }
0x19: {  	s7 =	sld [smem:$0x3F89]  }
0x1a: {  	s8 =	sadd.s32 $0xFFFFE003, lr  }
0x1b: {  	s9 =	sadd.s32 $0xFFFFFEF7, lr;
	s5 =	simm.s32 $0xFFFFFFFF;
	p2 =	slt.u32 s8, $0xFFFFF086  }
0x1c: {  	p1 =	slt.u32 s9, $0xF7A;
	s5 =	simm.s32 @!p2 $0x0  }
0x1d: {  	s5 =	simm.s32 @p1 $0x1;
	p0 =	seq.s32 s7, s2  }
0x1e: {  	s7 =	smul.u32 @!p0 $0xF7A, s2;
	p2 =	seq.s32 @!p0 s5, $0x0  }
0x1f: {  	s9 =	smul.u32 $0xF7A, s1;
	s8 =	simm.s32 @!p0 $0x1BF5;
	p2 =	por !p2, p0  }
0x20: {  	[sflag:s8] =	ssyncset.s32 @!p0 $0xFFFFF086;
	s6 =	sadd.s32 @!p0 s3, s7;
	s7 =	simm.s32 @!p0 $0x108  }
0x21: {  	s3 =	sadd.s32 s3, s9;
	s6 =	sadd.s32 @!p0 $0x88, s6;
	s7 =	simm.s32 @p2 $0x1082  }
0x22: {  	[simem:s7], [sflag:s8] =	dma.local @!p0 [hbm:s6], $0xF7A  }
0x23: {  	s9 =	sor.u32 $0xD0000000, s2;
	s6 =	simm.s32 $0x108;
	_ =	swait.ge @!p0 [sflag:s8], $0x0  }
0x24: {  	s3 =	sadd.s32 $0x88, s3;
	s6 =	simm.s32 @!p1 $0x1082;
	[sflag:s4] =	ssyncset.s32 $0xFFFFF086  }
0x25: {  	[simem:s6], [sflag:s4] =	dma.local [hbm:s3], $0xF7A  }
0x26: {  	[smem:$0x3F89] =	sst s1;
	(tag) =	ssettag s2;
	_ =	strace s9  }
0x27: {  	s1 =	sld [smem:$0x3F99]  }
0x28: {  	s2 =	sld [smem:$0x3F9A]  }
0x29: {  	s4 =	sld [smem:$0x3F9C]  }
0x2a: {  	p0 =	seq.s32 s5, $0x0;
	s5 =	sld [smem:$0x3F9D]  }
0x2b: {  	s6 =	sld [smem:$0x3F9E]  }
0x2c: {  	s7 =	sld [smem:$0x3F9F]  }
0x2d: {  	s3 =	simm.s32 $0x108;
	s8 =	sld [smem:$0x3FA0]  }
0x2e: {  	s3 =	simm.s32 @!p0 $0x1082;
	s9 =	sld [smem:$0x3FA1]  }
0x2f: {  	lr =	sadd.s32 s0, s3;
	s0 =	sld [smem:$0x3F98]  }
0x30: {  	s3 =	sld [smem:$0x3F9B]  }
0x31: {  	[smem:$0x3FA4] =	sst s10  }
0x32: {  	s10 =	sld [smem:$0x3FA2];
	_ =	sdelay $0x3  }
0x33: {  	p0 =	seq.s32 s10, $0x1;
	s10 =	sld [smem:$0x3FA4];
	_ =	sdelay $0x3  }
0x34: {  	[smem:$0x3FA4] =	sst s10  }
0x35: {  	s10 =	sld [smem:$0x3FA3];
	_ =	sdelay $0x3  }
0x36: {  	p1 =	seq.s32 s10, $0x1;
	s10 =	sld [smem:$0x3FA4];
	_ =	sdelay $0x3  }
0x37: {  	[smem:$0x3FA4] =	sst s10  }
0x38: {  	s10 =	sld [smem:$0x3FA5]  }
0x39: {  	_ = 	snop;
	(pc) =	sbr.ind lr, $3  }
0x3a: {  	_ = 	snop  }
0x3b: {  	_ = 	snop  }
0x3c: {  	p2 =	seq.s32 s10, $0x1;
	s10 =	sld [smem:$0x3FA4]  }
0x3d: {  	_ =	shalt  }
0x3e: {  	_ =	shalt  }
0x3f: {  	_ =	shalt  }
0x40: {  	_ =	shalt  }
0x41: {  	_ =	shalt  }
0x42: {  	_ =	shalt  }
0x43: {  	_ =	shalt  }
0x44: {  	_ =	shalt  }
0x45: {  	_ =	shalt  }
0x46: {  	_ =	shalt  }
0x47: {  	_ =	shalt  }
0x48: {  	_ =	shalt  }
0x49: {  	_ =	shalt  }
0x4a: {  	_ =	shalt  }
0x4b: {  	_ =	shalt  }
0x4c: {  	_ =	shalt  }
0x4d: {  	_ =	shalt  }
0x4e: {  	_ =	shalt  }
0x4f: {  	_ =	shalt  }
0x50: {  	_ =	shalt  }
0x51: {  	_ =	shalt  }
0x52: {  	_ =	shalt  }
0x53: {  	_ =	shalt  }
0x54: {  	_ =	shalt  }
0x55: {  	_ =	shalt  }
0x56: {  	_ =	shalt  }
0x57: {  	_ =	shalt  }
0x58: {  	_ =	shalt  }
0x59: {  	_ =	shalt  }
0x5a: {  	_ =	shalt  }
0x5b: {  	_ =	shalt  }
0x5c: {  	_ =	shalt  }
0x5d: {  	_ =	shalt  }
0x5e: {  	_ =	shalt  }
0x5f: {  	_ =	shalt  }
0x60: {  	_ =	shalt  }
0x61: {  	_ =	shalt  }
0x62: {  	_ =	shalt  }
0x63: {  	_ =	shalt  }
0x64: {  	_ =	shalt  }
0x65: {  	_ =	shalt  }
0x66: {  	_ =	shalt  }
0x67: {  	_ =	shalt  }
0x68: {  	_ =	shalt  }
0x69: {  	_ =	shalt  }
0x6a: {  	_ =	shalt  }
0x6b: {  	_ =	shalt  }
0x6c: {  	_ =	shalt  }
0x6d: {  	_ =	shalt  }
0x6e: {  	_ =	shalt  }
0x6f: {  	_ =	shalt  }
0x70: {  	_ =	shalt  }
0x71: {  	_ =	shalt  }
0x72: {  	_ =	shalt  }
0x73: {  	_ =	shalt  }
0x74: {  	_ =	shalt  }
0x75: {  	_ =	shalt  }
0x76: {  	_ =	shalt  }
0x77: {  	_ =	shalt  }
0x78: {  	_ =	shalt  }
0x79: {  	_ =	shalt  }
0x7a: {  	_ =	shalt  }
0x7b: {  	_ =	shalt  }
0x7c: {  	_ =	shalt  }
0x7d: {  	_ =	shalt  }
0x7e: {  	_ =	shalt  }
0x7f: {  	_ =	shalt  }
0x80: {  	_ =	shalt  }
0x81: {  	_ =	shalt  }
0x82: {  	_ =	shalt  }
0x83: {  	_ =	shalt  }
0x84: {  	_ =	shalt  }
0x85: {  	_ =	shalt  }
0x86: {  	_ =	shalt  }
0x87: {  	_ =	shalt  }
.Lfunc_end0:
.L_simem_size_0:
called_computation.2_lowered:
.L_overlay_start_0:
0x88: {  	s2 =	sld [smem:$0x3FD9]  }
0x89: {  	s3 =	sld [smem:$0x3FFE];
	_ =	sdelay $0x1  }
0x8a: {  	s1 =	srdreg.scid  }
0x8b: {  	s0 =	sand.u32 $0x1, s1  }
0x8c: {  	s16 =	sshll.u32 s0, $0xA;
	s2 =	sadd.s32 s3, s2  }
0x8d: {  	s2 =	sadd.s32 s2, s16  }
0x8e: {  	[smem:$0x3FB0] =	sst s2  }
0x8f: {  	_ = 	snop  }
0x90: {  	(tm) =	ssettm $0x1  }
0x91: {  	s17 =	sld [smem:$0x3FFB];
	_ =	sdelay $0x3  }
0x92: {  	_ =	strace s17  }
0x93: {  	s2 =	sld [smem:$0x3FFC];
	_ =	sdelay $0x3  }
0x94: {  	_ =	strace s2  }
0x95: {  	s2 =	sld [smem:$0x3FFD];
	_ =	sdelay $0x3  }
0x96: {  	_ =	strace s2  }
0x97: {  	_ =	strace $0x8FFFFFFF  }
0x98: {  	s18 =	sld [smem:$0x3FDB];
	_ =	sdelay $0x1  }
0x99: {  	s19 =	simm.s32 $_scs_section_size  }
0x9a: {  	s4 =	simm.s32 $_size__tile_overlayer_lowered;
	s5 =	simm.s32 $_tile_overlayer_lowered  }
0x9b: {  	s22 =	simm.s32 $0x1BFF;
	s21 =	sshll.u32 s5, $0x1;
	s2 =	sadd.s32 s19, s18  }
0x9c: {  	s6 =	simm.s32 $0x0;
	s20 =	sshll.u32 s4, $0x1;
	s4 =	sadd.s32 s21, s2  }
0x9d: {  	[timem:s6], [sflag:s22] =	dma.local [hbm:s4], s20  }
0x9e: {  	_ =	swait.ge [sflag:s22], s20  }
0x9f: {  	s3 =	ssub.s32 $0x0, s20;
	[sflag:s22] =	ssyncset.done $0x0  }
0xa0: {  	[sflag:s22] =	ssyncadd.s32 s3;
	_ =	sdelay $0x1  }
0xa1: {  	s23 =	simm.s32 $0x1B8B  }
0xa2: {  	_ =	swait.ge [sflag:s23], $0x1  }
0xa3: {  	[sflag:s23] =	ssyncset.done $0x0  }
0xa4: {  	s25 =	simm.s32 $0x1B8E;
	s24 =	sld [smem:$0x3FFE];
	[sflag:s23] =	ssyncadd.s32 $0xFFFFFFFF  }
0xa5: {  	s26 =	simm.s32 $execute0_lowered;
	[smem:$0x3FD2] =	sst s25  }
0xa6: {  	s4 =	sshll.u32 s26, $0x1;
	_ =	strace $0x8000004C;
	[dreg:$0x1] =	wrdreg $0xFFFFFFFF  }
0xa7: {  	s28 =	simm.s32 $_size_execute0_lowered;
	s2 =	sadd.s32 s2, s4;
	[dreg:$0x0] =	wrdreg $0x0  }
0xa8: {  	s4 =	sshll.u32 s28, $0x1;
	[dreg:$0x2] =	wrdreg s2  }
0xa9: {  	[dreg:$0x3] =	wrdreg s4  }
0xaa: {  	[dreg:$0x4] =	wrdreg $0xC0  }
0xab: {  	_ =	task [dreg:s6], $0x5FFFF  }
0xac: {  	[dreg:$0x1] =	wrdreg $0xFFFFFFFF  }
0xad: {  	[dreg:$0x0] =	wrdreg $0x60  }
0xae: {  	[dreg:$0x2] =	wrdreg s24  }
0xaf: {  	[dreg:$0x3] =	wrdreg $0xA8000  }
0xb0: {  	[dreg:$0x4] =	wrdreg $0x9  }
0xb1: {  	_ =	task.clear_ibuf [dreg:s6], $0x5FFFF;
	_ =	strace $0x9000004C  }
0xb2: {  	s29 =	simm.s32 $0x9;
	_ =	strace $0x8000004E  }
0xb3: {  	_ =	swait.ge [sflag:s29], $0x1  }
0xb4: {  	[sflag:s29] =	ssyncadd.s32 $0xFFFFFFFF  }
0xb5: {  	_ =	strace $0x9000004E  }
0xb6: {  	_ =	sfence  }
0xb7: {  	s30 =	sld [smem:$0x0];
	_ =	sdelay $0x2  }
0xb8: {  	s31 =	sshll.u32 s1, $0xD;
	s1 =	sshrl.u32 s1, $0x2  }
0xb9: {  	s3 =	sand.u32 $0x4000, s31;
	s1 =	sadd.s32 s1, s30  }
0xba: {  	s0 =	sor.u32 s3, s0;
	s1 =	sshll.u32 s1, $0x11  }
0xbb: {  	s0 =	sor.u32 s1, s0  }
0xbc: {  	s0 =	sadd.s32 $0x8F2B, s0  }
0xbd: {  	[sflag:s0] =	ssyncadd.remote.s32 $0x1  }
0xbe: {  	_ =	sfence.sel $0xFFFF  }
0xbf: {  	[dreg:$0x0] =	wrdreg $0xFFFFFFFF;
	(pc) =	sbr.abs _section_cstart, $3  }
0xc0: {  	[dreg:$0x1] =	wrdreg $0xFFFFFFFF  }
0xc1: {  	_ =	task.clear_ibuf [dreg:s6], $0x2FFFF;
	_ =	strace $0x9FFFFFFF  }
0xc2: {  	(tm) =	ssettm $0x7FFFFFFF  }
0xc3: {  	_ =	shalt  }
tec
execute0_lowered:
.L_overlay_start_1:
0x0: {  	(tag) =	ssettag $0x1  }
0x1: {  	s5 =	rddreg [dreg:$0x0];
	s0 =	srdreg.scid  }
0x2: {  	s2 =	rddreg [dreg:$0x1];
	s1 =	stileid.u32  }
0x3: {  	s3 =	simm.s32 $0x0;
	s13 =	simm.s32 $0x5;
	s14 =	simm.s32 $0x80  }
0x4: {  	s15 =	simm.s32 $0x2800;
	s16 =	simm.s32 $0x100;
	s17 =	simm.s32 $0x6800  }
0x5: {  	s18 =	simm.s32 $0x1;
	s19 =	simm.s32 $0x2;
	s20 =	simm.s32 $0x3  }
0x6: {  	s21 =	simm.s32 $0x4;
	s22 =	simm.s32 $0x2680;
	s8 =	smul.u32 $0x5000, s1  }
0x7: {  	s23 =	simm.s32 $0x2780;
	s25 =	simm.s32 $0x0;
	s10 =	smul.u32 $0x14000, s1  }
0x8: {  	s6 =	sand.u32 $0x1, s0;
	s0 =	rddreg [dreg:$0x2];
	s12 =	smul.u32 $0x50000, s1  }
0x9: {  	[smem:$0x7FF] =	sst s3;
	s4 =	sadd.s32 $0x18400, s5;
	s31 =	smul.u32 $0x2800, s1  }
0xa: {  	s11 =	sadd.s32 $0x40400, s5;
	s24 =	sshll.u32 s1, $0x6;
	s7 =	smul.u32 $0x50000, s6  }
0xb: {  	s9 =	smul.u32 $0x140000, s6;
	_ =	strace $0x8000004D;
	s28 =	ssub.s32 $0x2, s6  }
0xc: {  	p0 =	seq.s32 s6, $0x0;
	s29 =	sshrl.u32 s28, $0x1;
	s30 =	sshrl.u32 s12, $0x2  }
0xd: {  	s11 =	smov.u32 @p0 s4;
	s7 =	sadd.s32 s8, s7;
	s26 =	sadd.s32 s10, s9  }
0xe: {  	s9 =	ssub.s32 s28, s29;
	s12 =	sadd.s32 s30, s2;
	s7 =	sshrl.u32 s7, $0x3  }
0xf: {  	s10 =	simm.s32 $0x6;
	s8 =	sshrl.u32 s26, $0x3;
	s7 =	sadd.s32 s7, s5  }
0x10: {  	s12 =	sshrl.u32 s12, $0x3;
	s8 =	sadd.s32 s8, s5;
	s5 =	sadd.s32 $0x4400, s7  }
0x11: {  	s6 =	sadd.s32 $0x4900, s7;
	s7 =	sadd.s32 $0x68400, s8;
	s8 =	smax.u32 s9, $0x1  }
0x12: {  	s9 =	sadd.s32 s11, s31;
	s11 =	sor.u32 $0x1C05, s24;
	s24 =	sor.u32 $0x1C06, s24  }
.LBB2_1:
0x13: {  	[tilespmem:s3], [sflag:$0x6] =	stream.linear.gather [hbm4b:s5+s3], $0x2800, $0x38;
	[tilespmem:$0x1E800] =	vst v63  }
0x14: {  	_ =	swait.ge [sflag:s10], $0x2800  }
0x15: {  	[sflag:s10] =	ssyncset.done $0x0  }
0x16: {  	[sflag:s10] =	ssyncadd.s32 $0xFFFFD800  }
0x17: {  	[spmem:s12], [sflag:s11] =	dma.local [hbm:s9], $0x2800  }
0x18: {  	_ =	swait.ge [sflag:s13], $0x2800  }
0x19: {  	[sflag:s13] =	ssyncset.done $0x0  }
0x1a: {  	[sflag:s13] =	ssyncadd.s32 $0xFFFFD800  }
0x1b: {  	[bflag:$0x0] =	sbarrier.arrive $0xFFFF  }
0x1c: {  	[tilespmem:s15], [sflag:$0x1] =	stream.indirect.gather [hbm4b:s4+s14], $0x80, s3, s14, $0xb8;
	[tilespmem:$0x1E800] =	vst v63  }
0x1d: {  	_ = 	snop  }
0x1e: {  	[tilespmem:s17], [sflag:$0x2] =	stream.indirect.gather [hbm4b:s4+s14], $0x80, s16, s14, $0xb8;
	[tilespmem:$0x1E800] =	vst v63  }
0x1f: {  	_ =	swait.ge [sflag:s18], $0x4000  }
0x20: {  	[sflag:s18] =	ssyncset.done $0x0  }
0x21: {  	s26 =	simm.s32 $0x80;
	[sflag:s18] =	ssyncadd.s32 $0xFFFFC000  }
0x22: {  	[spmem:s2] =	stream.indirect.scatter.add.f32 [tilespmem:s15], [sflag:$0x3], $0x80, s26, s14, $0xb8;
	[tilespmem:$0x1E800] =	vst v63  }
0x23: {  	_ =	swait.ge [sflag:s19], $0x4000  }
0x24: {  	[sflag:s19] =	ssyncset.done $0x0  }
0x25: {  	s30 =	simm.s32 $0x180;
	[sflag:s19] =	ssyncadd.s32 $0xFFFFC000  }
0x26: {  	[spmem:s2] =	stream.indirect.scatter.add.f32 [tilespmem:s17], [sflag:$0x4], $0x80, s30, s14, $0xb8;
	[tilespmem:$0x1E800] =	vst v63  }
0x27: {  	_ =	swait.ge [sflag:s20], $0x4000  }
0x28: {  	[sflag:s20] =	ssyncset.done $0x0  }
0x29: {  	s31 =	simm.s32 $0x200;
	[sflag:s20] =	ssyncadd.s32 $0xFFFFC000  }
0x2a: {  	[tilespmem:s15], [sflag:$0x1] =	stream.indirect.gather [hbm4b:s4+s14], $0x80, s31, s14, $0xb8;
	[tilespmem:$0x1E800] =	vst v63  }
0x2b: {  	_ =	swait.ge [sflag:s21], $0x4000  }
0x2c: {  	[sflag:s21] =	ssyncset.done $0x0  }
0x2d: {  	s28 =	simm.s32 $0x300;
	s26 =	simm.s32 $0xFFFF7000;
	[sflag:s21] =	ssyncadd.s32 $0xFFFFC000  }
.LBB2_2:
0x2e: {  	[tilespmem:s17], [sflag:$0x2] =	stream.indirect.gather [hbm4b:s4+s14], $0x80, s28, s14, $0xb8;
	[tilespmem:$0x1E800] =	vst v63  }
0x2f: {  	s28 =	smov.u32 s26  }
0x30: {  	p0 =	sne.s32 s26, $0xFFFFF800;
	s26 =	sadd.s32 $0x800, s26;
	_ =	swait.ge [sflag:s18], $0x4000  }
0x31: {  	s28 =	sshra.s32 s28, $0x2;
	[sflag:s18] =	ssyncset.done $0x0  }
0x32: {  	s29 =	sadd.s32 $0x2680, s28;
	[sflag:s18] =	ssyncadd.s32 $0xFFFFC000  }
0x33: {  	[spmem:s2] =	stream.indirect.scatter.add.f32 [tilespmem:s15], [sflag:$0x3], $0x80, s29, s14, $0xb8;
	[tilespmem:$0x1E800] =	vst v63  }
0x34: {  	_ =	swait.ge [sflag:s19], $0x4000  }
0x35: {  	[sflag:s19] =	ssyncset.done $0x0  }
0x36: {  	s29 =	sadd.s32 $0x2780, s28;
	[sflag:s19] =	ssyncadd.s32 $0xFFFFC000  }
0x37: {  	[spmem:s2] =	stream.indirect.scatter.add.f32 [tilespmem:s17], [sflag:$0x4], $0x80, s29, s14, $0xb8;
	[tilespmem:$0x1E800] =	vst v63  }
0x38: {  	_ =	swait.ge [sflag:s20], $0x4000  }
0x39: {  	[sflag:s20] =	ssyncset.done $0x0  }
.Ltmp0:
0x3a: {  	s29 =	sadd.s32 $0x2800, s28;
	[sflag:s20] =	ssyncadd.s32 $0xFFFFC000;
	(pc) =	sbr.rel @p0 .LBB2_2-.Ltmp0, $4  }
0x3b: {  	[tilespmem:s15], [sflag:$0x1] =	stream.indirect.gather [hbm4b:s4+s14], $0x80, s29, s14, $0xb8;
	[tilespmem:$0x1E800] =	vst v63  }
0x3c: {  	_ =	swait.ge [sflag:s21], $0x4000  }
0x3d: {  	[sflag:s21] =	ssyncset.done $0x0  }
0x3e: {  	s28 =	sadd.s32 $0x2900, s28;
	[sflag:s21] =	ssyncadd.s32 $0xFFFFC000  }
0x3f: {  	[tilespmem:s17], [sflag:$0x2] =	stream.indirect.gather [hbm4b:s4+s14], $0x80, s28, s14, $0xb8;
	[tilespmem:$0x1E800] =	vst v63  }
0x40: {  	_ =	swait.ge [sflag:s18], $0x4000  }
0x41: {  	[sflag:s18] =	ssyncset.done $0x0  }
0x42: {  	[sflag:s18] =	ssyncadd.s32 $0xFFFFC000  }
0x43: {  	[spmem:s2] =	stream.indirect.scatter.add.f32 [tilespmem:s15], [sflag:$0x3], $0x80, s22, s14, $0xb8;
	[tilespmem:$0x1E800] =	vst v63  }
0x44: {  	_ =	swait.ge [sflag:s19], $0x4000  }
0x45: {  	[sflag:s19] =	ssyncset.done $0x0  }
0x46: {  	[sflag:s19] =	ssyncadd.s32 $0xFFFFC000  }
0x47: {  	[spmem:s2] =	stream.indirect.scatter.add.f32 [tilespmem:s17], [sflag:$0x4], $0x80, s23, s14, $0xb8;
	[tilespmem:$0x1E800] =	vst v63  }
0x48: {  	_ =	swait.ge [sflag:s20], $0x4000  }
0x49: {  	[sflag:s20] =	ssyncset.done $0x0  }
0x4a: {  	[sflag:s20] =	ssyncadd.s32 $0xFFFFC000  }
0x4b: {  	_ =	swait.ge [sflag:s21], $0x4000  }
0x4c: {  	[sflag:s21] =	ssyncset.done $0x0  }
0x4d: {  	[sflag:s21] =	ssyncadd.s32 $0xFFFFC000  }
0x4e: {  	[tilespmem:s3], [sflag:$0x6] =	stream.linear.gather [hbm4b:s6+s3], $0x2800, $0x38;
	[tilespmem:$0x1E800] =	vst v63  }
0x4f: {  	_ =	swait.ge [sflag:s10], $0x2800  }
0x50: {  	[sflag:s10] =	ssyncset.done $0x0  }
0x51: {  	[sflag:s10] =	ssyncadd.s32 $0xFFFFD800  }
0x52: {  	[tilespmem:s15], [sflag:$0x1] =	stream.indirect.gather [hbm4b:s4+s14], $0x80, s3, s14, $0xb8;
	[tilespmem:$0x1E800] =	vst v63  }
0x53: {  	_ = 	snop  }
0x54: {  	[tilespmem:s17], [sflag:$0x2] =	stream.indirect.gather [hbm4b:s4+s14], $0x80, s16, s14, $0xb8;
	[tilespmem:$0x1E800] =	vst v63  }
0x55: {  	_ =	swait.ge [sflag:s18], $0x4000  }
0x56: {  	[sflag:s18] =	ssyncset.done $0x0  }
0x57: {  	s26 =	simm.s32 $0x80;
	[sflag:s18] =	ssyncadd.s32 $0xFFFFC000  }
0x58: {  	[spmem:s2] =	stream.indirect.scatter.add.f32 [tilespmem:s15], [sflag:$0x3], $0x80, s26, s14, $0xb8;
	[tilespmem:$0x1E800] =	vst v63  }
0x59: {  	_ =	swait.ge [sflag:s19], $0x4000  }
0x5a: {  	[sflag:s19] =	ssyncset.done $0x0  }
0x5b: {  	s30 =	simm.s32 $0x180;
	[sflag:s19] =	ssyncadd.s32 $0xFFFFC000  }
0x5c: {  	[spmem:s2] =	stream.indirect.scatter.add.f32 [tilespmem:s17], [sflag:$0x4], $0x80, s30, s14, $0xb8;
	[tilespmem:$0x1E800] =	vst v63  }
0x5d: {  	_ =	swait.ge [sflag:s20], $0x4000  }
0x5e: {  	[sflag:s20] =	ssyncset.done $0x0  }
0x5f: {  	s31 =	simm.s32 $0x200;
	[sflag:s20] =	ssyncadd.s32 $0xFFFFC000  }
0x60: {  	[tilespmem:s15], [sflag:$0x1] =	stream.indirect.gather [hbm4b:s4+s14], $0x80, s31, s14, $0xb8;
	[tilespmem:$0x1E800] =	vst v63  }
0x61: {  	_ =	swait.ge [sflag:s21], $0x4000  }
0x62: {  	[sflag:s21] =	ssyncset.done $0x0  }
0x63: {  	s28 =	simm.s32 $0x300;
	s26 =	simm.s32 $0xFFFF7000;
	[sflag:s21] =	ssyncadd.s32 $0xFFFFC000  }
.LBB2_4:
0x64: {  	[tilespmem:s17], [sflag:$0x2] =	stream.indirect.gather [hbm4b:s4+s14], $0x80, s28, s14, $0xb8;
	[tilespmem:$0x1E800] =	vst v63  }
0x65: {  	s28 =	smov.u32 s26  }
0x66: {  	p0 =	sne.s32 s26, $0xFFFFF800;
	s26 =	sadd.s32 $0x800, s26;
	_ =	swait.ge [sflag:s18], $0x4000  }
0x67: {  	s28 =	sshra.s32 s28, $0x2;
	[sflag:s18] =	ssyncset.done $0x0  }
0x68: {  	s29 =	sadd.s32 $0x2680, s28;
	[sflag:s18] =	ssyncadd.s32 $0xFFFFC000  }
0x69: {  	[spmem:s2] =	stream.indirect.scatter.add.f32 [tilespmem:s15], [sflag:$0x3], $0x80, s29, s14, $0xb8;
	[tilespmem:$0x1E800] =	vst v63  }
0x6a: {  	_ =	swait.ge [sflag:s19], $0x4000  }
0x6b: {  	[sflag:s19] =	ssyncset.done $0x0  }
0x6c: {  	s29 =	sadd.s32 $0x2780, s28;
	[sflag:s19] =	ssyncadd.s32 $0xFFFFC000  }
0x6d: {  	[spmem:s2] =	stream.indirect.scatter.add.f32 [tilespmem:s17], [sflag:$0x4], $0x80, s29, s14, $0xb8;
	[tilespmem:$0x1E800] =	vst v63  }
0x6e: {  	_ =	swait.ge [sflag:s20], $0x4000  }
0x6f: {  	[sflag:s20] =	ssyncset.done $0x0  }
.Ltmp1:
0x70: {  	s29 =	sadd.s32 $0x2800, s28;
	[sflag:s20] =	ssyncadd.s32 $0xFFFFC000;
	(pc) =	sbr.rel @p0 .LBB2_4-.Ltmp1, $4  }
0x71: {  	[tilespmem:s15], [sflag:$0x1] =	stream.indirect.gather [hbm4b:s4+s14], $0x80, s29, s14, $0xb8;
	[tilespmem:$0x1E800] =	vst v63  }
0x72: {  	_ =	swait.ge [sflag:s21], $0x4000  }
0x73: {  	[sflag:s21] =	ssyncset.done $0x0  }
0x74: {  	s28 =	sadd.s32 $0x2900, s28;
	[sflag:s21] =	ssyncadd.s32 $0xFFFFC000  }
0x75: {  	[tilespmem:s17], [sflag:$0x2] =	stream.indirect.gather [hbm4b:s4+s14], $0x80, s28, s14, $0xb8;
	[tilespmem:$0x1E800] =	vst v63  }
0x76: {  	_ =	swait.ge [sflag:s18], $0x4000  }
0x77: {  	[sflag:s18] =	ssyncset.done $0x0  }
0x78: {  	[sflag:s18] =	ssyncadd.s32 $0xFFFFC000  }
0x79: {  	[spmem:s2] =	stream.indirect.scatter.add.f32 [tilespmem:s15], [sflag:$0x3], $0x80, s22, s14, $0xb8;
	[tilespmem:$0x1E800] =	vst v63  }
0x7a: {  	_ =	swait.ge [sflag:s19], $0x4000  }
0x7b: {  	[sflag:s19] =	ssyncset.done $0x0  }
0x7c: {  	[sflag:s19] =	ssyncadd.s32 $0xFFFFC000  }
0x7d: {  	[spmem:s2] =	stream.indirect.scatter.add.f32 [tilespmem:s17], [sflag:$0x4], $0x80, s23, s14, $0xb8;
	[tilespmem:$0x1E800] =	vst v63  }
0x7e: {  	_ =	swait.ge [sflag:s20], $0x4000  }
0x7f: {  	[sflag:s20] =	ssyncset.done $0x0  }
0x80: {  	[sflag:s20] =	ssyncadd.s32 $0xFFFFC000  }
0x81: {  	_ =	swait.ge [sflag:s21], $0x4000  }
0x82: {  	s25 =	sadd.s32 $0x1, s25;
	[sflag:s21] =	ssyncset.done $0x0  }
0x83: {  	p0 =	sne.s32 s25, s8;
	[sflag:s21] =	ssyncadd.s32 $0xFFFFC000  }
.Ltmp2:
0x84: {  	[bflag:$0x0] =	sbarrier.arrive $0xFFFF;
	(pc) =	sbr.rel @p0 .LBB2_1-.Ltmp2, $4  }
0x85: {  	[hbm:s7], [sflag:s24] =	dma.local [spmem:s12], $0x2800  }
0x86: {  	_ =	swait.ge [sflag:s10], $0x2800  }
0x87: {  	[sflag:s10] =	ssyncset.done $0x0  }
0x88: {  	[sflag:s10] =	ssyncadd.s32 $0xFFFFD800  }
0x89: {  	_ =	sfence.sel $0x180000  }
0x8a: {  	[bflag:$0x0] =	sbarrier.arrive $0xFFFF  }
0x8b: {  	p0 =	sne.s32 s1, $0x0;
	_ =	strace $0x9000004D  }
0x8c: {  	s0 =	sadd.s32 @!p0 $0x100000, s0;
	[bflag:$0x2] =	sbarrier.arrive $0xFFFF  }
0x8d: {  	[sflag:s0] =	ssyncadd.tile.s32 @!p0 $0x1;
	_ =	shalt  }
.Lfunc_end2:
_tile_overlayer_lowered:
.L_overlay_start_2:
0x8e: {  	(tag) =	ssettag $0x2  }
0x8f: {  	s0 =	rddreg [dreg:$0x0];
	s2 =	stileid.u32  }
0x90: {  	s1 =	rddreg [dreg:$0x1];
	p0 =	sne.s32 s2, $0x0  }
0x91: {  	s3 =	rddreg [dreg:$0x2];
	[bflag:$0x3] =	sbarrier.arrive $0xFFFF;
	s2 =	simm.s32 @!p0 $0x1C06  }
0x92: {  	[timem:s3], [sflag:s2] =	dma.local @!p0 [hbm:s0], s1  }
0x93: {  	s0 =	simm.s32 @!p0 $0x6  }
0x94: {  	_ =	swait.ge @!p0 [sflag:s0], s1  }
0x95: {  	s1 =	ssub.s32 @!p0 $0x0, s1;
	[sflag:s0] =	ssyncset.done @!p0 $0x0  }
0x96: {  	[sflag:s0] =	ssyncadd.s32 @!p0 s1  }
0x97: {  	[bflag:$0x3] =	sbarrier.arrive $0xFFFF  }
0x98: {  	_ =	shalt  }

// kernel: kernel.8.cloned.1.call-start
scs
__scs_entry_jumppad:
0x0: {  	(pc) =	sbr.rel $0x88, $3  }
0x1: {  	(tag) =	ssettag $0x0;
	lr =	simm.s32 $0x1  }
0x2: {  	[smem:$0x3F89] =	sst lr;
	_ =	strace $0xD0000000  }
0x3: {  	_ = 	snop  }
0x4: {  	_ = 	snop  }
0x5: {  	_ = 	snop  }
0x6: {  	_ = 	snop  }
0x7: {  	_ = 	snop  }
__scs_overlays_trampoline_lowered:
0x8: {  	[smem:$0x3F98] =	sst s0  }
0x9: {  	[smem:$0x3F99] =	sst s1  }
0xa: {  	[smem:$0x3F9A] =	sst s2  }
0xb: {  	[smem:$0x3F9B] =	sst s3  }
0xc: {  	[smem:$0x3F9C] =	sst s4  }
0xd: {  	[smem:$0x3F9D] =	sst s5  }
0xe: {  	[smem:$0x3F9E] =	sst s6  }
0xf: {  	[smem:$0x3F9F] =	sst s7  }
0x10: {  	[smem:$0x3FA0] =	sst s8  }
0x11: {  	[smem:$0x3FA1] =	sst s9;
	s0 =	simm.s32 @!p0 $0x0  }
0x12: {  	s1 =	sld [smem:$0x3F87];
	s0 =	simm.s32 @p0 $0x1  }
0x13: {  	[smem:$0x3FA2] =	sst s0;
	s0 =	simm.s32 @!p1 $0x0  }
0x14: {  	s2 =	sld [smem:$0x3F86];
	s0 =	simm.s32 @p1 $0x1  }
0x15: {  	[smem:$0x3FA3] =	sst s0;
	s0 =	simm.s32 @!p2 $0x0  }
0x16: {  	s3 =	sld [smem:$0x3FDB];
	s0 =	simm.s32 @p2 $0x1  }
0x17: {  	s4 =	simm.s32 $0x1BF5;
	[smem:$0x3FA5] =	sst s0  }
0x18: {  	s0 =	sld [smem:$0x3F88];
	_ =	swait.ge [sflag:s4], $0x0  }
0x19: {  	s7 =	sld [smem:$0x3F89]  }
0x1a: {  	s8 =	sadd.s32 $0xFFFFE003, lr  }
0x1b: {  	s9 =	sadd.s32 $0xFFFFFEF7, lr;
	s5 =	simm.s32 $0xFFFFFFFF;
	p2 =	slt.u32 s8, $0xFFFFF086  }
0x1c: {  	p1 =	slt.u32 s9, $0xF7A;
	s5 =	simm.s32 @!p2 $0x0  }
0x1d: {  	s5 =	simm.s32 @p1 $0x1;
	p0 =	seq.s32 s7, s2  }
0x1e: {  	s7 =	smul.u32 @!p0 $0xF7A, s2;
	p2 =	seq.s32 @!p0 s5, $0x0  }
0x1f: {  	s9 =	smul.u32 $0xF7A, s1;
	s8 =	simm.s32 @!p0 $0x1BF5;
	p2 =	por !p2, p0  }
0x20: {  	[sflag:s8] =	ssyncset.s32 @!p0 $0xFFFFF086;
	s6 =	sadd.s32 @!p0 s3, s7;
	s7 =	simm.s32 @!p0 $0x108  }
0x21: {  	s3 =	sadd.s32 s3, s9;
	s6 =	sadd.s32 @!p0 $0x88, s6;
	s7 =	simm.s32 @p2 $0x1082  }
0x22: {  	[simem:s7], [sflag:s8] =	dma.local @!p0 [hbm:s6], $0xF7A  }
0x23: {  	s9 =	sor.u32 $0xD0000000, s2;
	s6 =	simm.s32 $0x108;
	_ =	swait.ge @!p0 [sflag:s8], $0x0  }
0x24: {  	s3 =	sadd.s32 $0x88, s3;
	s6 =	simm.s32 @!p1 $0x1082;
	[sflag:s4] =	ssyncset.s32 $0xFFFFF086  }
0x25: {  	[simem:s6], [sflag:s4] =	dma.local [hbm:s3], $0xF7A  }
0x26: {  	[smem:$0x3F89] =	sst s1;
	(tag) =	ssettag s2;
	_ =	strace s9  }
0x27: {  	s1 =	sld [smem:$0x3F99]  }
0x28: {  	s2 =	sld [smem:$0x3F9A]  }
0x29: {  	s4 =	sld [smem:$0x3F9C]  }
0x2a: {  	p0 =	seq.s32 s5, $0x0;
	s5 =	sld [smem:$0x3F9D]  }
0x2b: {  	s6 =	sld [smem:$0x3F9E]  }
0x2c: {  	s7 =	sld [smem:$0x3F9F]  }
0x2d: {  	s3 =	simm.s32 $0x108;
	s8 =	sld [smem:$0x3FA0]  }
0x2e: {  	s3 =	simm.s32 @!p0 $0x1082;
	s9 =	sld [smem:$0x3FA1]  }
0x2f: {  	lr =	sadd.s32 s0, s3;
	s0 =	sld [smem:$0x3F98]  }
0x30: {  	s3 =	sld [smem:$0x3F9B]  }
0x31: {  	[smem:$0x3FA4] =	sst s10  }
0x32: {  	s10 =	sld [smem:$0x3FA2];
	_ =	sdelay $0x3  }
0x33: {  	p0 =	seq.s32 s10, $0x1;
	s10 =	sld [smem:$0x3FA4];
	_ =	sdelay $0x3  }
0x34: {  	[smem:$0x3FA4] =	sst s10  }
0x35: {  	s10 =	sld [smem:$0x3FA3];
	_ =	sdelay $0x3  }
0x36: {  	p1 =	seq.s32 s10, $0x1;
	s10 =	sld [smem:$0x3FA4];
	_ =	sdelay $0x3  }
0x37: {  	[smem:$0x3FA4] =	sst s10  }
0x38: {  	s10 =	sld [smem:$0x3FA5]  }
0x39: {  	_ = 	snop;
	(pc) =	sbr.ind lr, $3  }
0x3a: {  	_ = 	snop  }
0x3b: {  	_ = 	snop  }
0x3c: {  	p2 =	seq.s32 s10, $0x1;
	s10 =	sld [smem:$0x3FA4]  }
0x3d: {  	_ =	shalt  }
0x3e: {  	_ =	shalt  }
0x3f: {  	_ =	shalt  }
0x40: {  	_ =	shalt  }
0x41: {  	_ =	shalt  }
0x42: {  	_ =	shalt  }
0x43: {  	_ =	shalt  }
0x44: {  	_ =	shalt  }
0x45: {  	_ =	shalt  }
0x46: {  	_ =	shalt  }
0x47: {  	_ =	shalt  }
0x48: {  	_ =	shalt  }
0x49: {  	_ =	shalt  }
0x4a: {  	_ =	shalt  }
0x4b: {  	_ =	shalt  }
0x4c: {  	_ =	shalt  }
0x4d: {  	_ =	shalt  }
0x4e: {  	_ =	shalt  }
0x4f: {  	_ =	shalt  }
0x50: {  	_ =	shalt  }
0x51: {  	_ =	shalt  }
0x52: {  	_ =	shalt  }
0x53: {  	_ =	shalt  }
0x54: {  	_ =	shalt  }
0x55: {  	_ =	shalt  }
0x56: {  	_ =	shalt  }
0x57: {  	_ =	shalt  }
0x58: {  	_ =	shalt  }
0x59: {  	_ =	shalt  }
0x5a: {  	_ =	shalt  }
0x5b: {  	_ =	shalt  }
0x5c: {  	_ =	shalt  }
0x5d: {  	_ =	shalt  }
0x5e: {  	_ =	shalt  }
0x5f: {  	_ =	shalt  }
0x60: {  	_ =	shalt  }
0x61: {  	_ =	shalt  }
0x62: {  	_ =	shalt  }
0x63: {  	_ =	shalt  }
0x64: {  	_ =	shalt  }
0x65: {  	_ =	shalt  }
0x66: {  	_ =	shalt  }
0x67: {  	_ =	shalt  }
0x68: {  	_ =	shalt  }
0x69: {  	_ =	shalt  }
0x6a: {  	_ =	shalt  }
0x6b: {  	_ =	shalt  }
0x6c: {  	_ =	shalt  }
0x6d: {  	_ =	shalt  }
0x6e: {  	_ =	shalt  }
0x6f: {  	_ =	shalt  }
0x70: {  	_ =	shalt  }
0x71: {  	_ =	shalt  }
0x72: {  	_ =	shalt  }
0x73: {  	_ =	shalt  }
0x74: {  	_ =	shalt  }
0x75: {  	_ =	shalt  }
0x76: {  	_ =	shalt  }
0x77: {  	_ =	shalt  }
0x78: {  	_ =	shalt  }
0x79: {  	_ =	shalt  }
0x7a: {  	_ =	shalt  }
0x7b: {  	_ =	shalt  }
0x7c: {  	_ =	shalt  }
0x7d: {  	_ =	shalt  }
0x7e: {  	_ =	shalt  }
0x7f: {  	_ =	shalt  }
0x80: {  	_ =	shalt  }
0x81: {  	_ =	shalt  }
0x82: {  	_ =	shalt  }
0x83: {  	_ =	shalt  }
0x84: {  	_ =	shalt  }
0x85: {  	_ =	shalt  }
0x86: {  	_ =	shalt  }
0x87: {  	_ =	shalt  }
.Lfunc_end0:
.L_simem_size_0:
called_computation_lowered:
.L_overlay_start_0:
0x88: {  	s2 =	sld [smem:$0x3FD9]  }
0x89: {  	s3 =	sld [smem:$0x3FFE];
	_ =	sdelay $0x1  }
0x8a: {  	s1 =	srdreg.scid  }
0x8b: {  	s0 =	sand.u32 $0x1, s1  }
0x8c: {  	s16 =	sshll.u32 s0, $0xA;
	s2 =	sadd.s32 s3, s2  }
0x8d: {  	s2 =	sadd.s32 s2, s16  }
0x8e: {  	[smem:$0x3FB0] =	sst s2  }
0x8f: {  	_ = 	snop  }
0x90: {  	(tm) =	ssettm $0x1  }
0x91: {  	s17 =	sld [smem:$0x3FFB];
	_ =	sdelay $0x3  }
0x92: {  	_ =	strace s17  }
0x93: {  	s2 =	sld [smem:$0x3FFC];
	_ =	sdelay $0x3  }
0x94: {  	_ =	strace s2  }
0x95: {  	s2 =	sld [smem:$0x3FFD];
	_ =	sdelay $0x3  }
0x96: {  	_ =	strace s2  }
0x97: {  	_ =	strace $0x8FFFFFFF  }
0x98: {  	s18 =	sld [smem:$0x3FDB];
	_ =	sdelay $0x1  }
0x99: {  	s19 =	simm.s32 $_scs_section_size  }
0x9a: {  	s4 =	simm.s32 $_size__tile_overlayer_lowered;
	s5 =	simm.s32 $_tile_overlayer_lowered  }
0x9b: {  	s22 =	simm.s32 $0x1BFF;
	s21 =	sshll.u32 s5, $0x1;
	s2 =	sadd.s32 s19, s18  }
0x9c: {  	s6 =	simm.s32 $0x0;
	s20 =	sshll.u32 s4, $0x1;
	s4 =	sadd.s32 s21, s2  }
0x9d: {  	[timem:s6], [sflag:s22] =	dma.local [hbm:s4], s20  }
0x9e: {  	_ =	swait.ge [sflag:s22], s20  }
0x9f: {  	s3 =	ssub.s32 $0x0, s20;
	[sflag:s22] =	ssyncset.done $0x0  }
0xa0: {  	[sflag:s22] =	ssyncadd.s32 s3;
	_ =	sdelay $0x1  }
0xa1: {  	s23 =	simm.s32 $0x1B8B  }
0xa2: {  	_ =	swait.ge [sflag:s23], $0x1  }
0xa3: {  	[sflag:s23] =	ssyncset.done $0x0  }
0xa4: {  	s25 =	simm.s32 $0x1B8E;
	s24 =	sld [smem:$0x3FFE];
	[sflag:s23] =	ssyncadd.s32 $0xFFFFFFFF  }
0xa5: {  	s26 =	simm.s32 $execute0_lowered;
	[smem:$0x3FD2] =	sst s25  }
0xa6: {  	s4 =	sshll.u32 s26, $0x1;
	_ =	strace $0x80000046;
	[dreg:$0x1] =	wrdreg $0xFFFFFFFF  }
0xa7: {  	s28 =	simm.s32 $_size_execute0_lowered;
	s2 =	sadd.s32 s2, s4;
	[dreg:$0x0] =	wrdreg $0x0  }
0xa8: {  	s4 =	sshll.u32 s28, $0x1;
	[dreg:$0x2] =	wrdreg s2  }
0xa9: {  	[dreg:$0x3] =	wrdreg s4  }
0xaa: {  	[dreg:$0x4] =	wrdreg $0xC0  }
0xab: {  	_ =	task [dreg:s6], $0x5FFFF  }
0xac: {  	[dreg:$0x1] =	wrdreg $0xFFFFFFFF  }
0xad: {  	[dreg:$0x0] =	wrdreg $0x60  }
0xae: {  	[dreg:$0x2] =	wrdreg s24  }
0xaf: {  	[dreg:$0x3] =	wrdreg $0xA8000  }
0xb0: {  	[dreg:$0x4] =	wrdreg $0x9  }
0xb1: {  	_ =	task.clear_ibuf [dreg:s6], $0x5FFFF;
	_ =	strace $0x90000046  }
0xb2: {  	s29 =	simm.s32 $0x9;
	_ =	strace $0x80000048  }
0xb3: {  	_ =	swait.ge [sflag:s29], $0x1  }
0xb4: {  	[sflag:s29] =	ssyncadd.s32 $0xFFFFFFFF  }
0xb5: {  	_ =	strace $0x90000048  }
0xb6: {  	_ =	sfence  }
0xb7: {  	s30 =	sld [smem:$0x0];
	_ =	sdelay $0x2  }
0xb8: {  	s31 =	sshll.u32 s1, $0xD;
	s1 =	sshrl.u32 s1, $0x2  }
0xb9: {  	s3 =	sand.u32 $0x4000, s31;
	s1 =	sadd.s32 s1, s30  }
0xba: {  	s0 =	sor.u32 s3, s0;
	s1 =	sshll.u32 s1, $0x11  }
0xbb: {  	s0 =	sor.u32 s1, s0  }
0xbc: {  	s0 =	sadd.s32 $0x8F2B, s0  }
0xbd: {  	[sflag:s0] =	ssyncadd.remote.s32 $0x1  }
0xbe: {  	_ =	sfence.sel $0xFFFF  }
0xbf: {  	[dreg:$0x0] =	wrdreg $0xFFFFFFFF;
	(pc) =	sbr.abs _section_cstart, $3  }
0xc0: {  	[dreg:$0x1] =	wrdreg $0xFFFFFFFF  }
0xc1: {  	_ =	task.clear_ibuf [dreg:s6], $0x2FFFF;
	_ =	strace $0x9FFFFFFF  }
0xc2: {  	(tm) =	ssettm $0x7FFFFFFF  }
0xc3: {  	_ =	shalt  }
tec
execute0_lowered:
.L_overlay_start_1:
0x0: {  	(tag) =	ssettag $0x1  }
0x1: {  	s5 =	rddreg [dreg:$0x0];
	s0 =	srdreg.scid  }
0x2: {  	s2 =	rddreg [dreg:$0x1];
	s1 =	stileid.u32  }
0x3: {  	s3 =	simm.s32 $0x0;
	s13 =	simm.s32 $0x5;
	s14 =	simm.s32 $0x80  }
0x4: {  	s15 =	simm.s32 $0x2800;
	s16 =	simm.s32 $0x100;
	s17 =	simm.s32 $0x6800  }
0x5: {  	s18 =	simm.s32 $0x1;
	s19 =	simm.s32 $0x2;
	s20 =	simm.s32 $0x3  }
0x6: {  	s21 =	simm.s32 $0x4;
	s22 =	simm.s32 $0x2680;
	s8 =	smul.u32 $0x5000, s1  }
0x7: {  	s23 =	simm.s32 $0x2780;
	s25 =	simm.s32 $0x0;
	s10 =	smul.u32 $0x14000, s1  }
0x8: {  	s6 =	sand.u32 $0x1, s0;
	s0 =	rddreg [dreg:$0x2];
	s12 =	smul.u32 $0x50000, s1  }
0x9: {  	[smem:$0x7FF] =	sst s3;
	s4 =	sadd.s32 $0x18400, s5;
	s31 =	smul.u32 $0x2800, s1  }
0xa: {  	s11 =	sadd.s32 $0x40400, s5;
	s24 =	sshll.u32 s1, $0x6;
	s7 =	smul.u32 $0x50000, s6  }
0xb: {  	s9 =	smul.u32 $0x140000, s6;
	_ =	strace $0x80000047;
	s28 =	ssub.s32 $0x2, s6  }
0xc: {  	p0 =	seq.s32 s6, $0x0;
	s29 =	sshrl.u32 s28, $0x1;
	s30 =	sshrl.u32 s12, $0x2  }
0xd: {  	s11 =	smov.u32 @p0 s4;
	s7 =	sadd.s32 s8, s7;
	s26 =	sadd.s32 s10, s9  }
0xe: {  	s9 =	ssub.s32 s28, s29;
	s12 =	sadd.s32 s30, s2;
	s7 =	sshrl.u32 s7, $0x3  }
0xf: {  	s10 =	simm.s32 $0x6;
	s8 =	sshrl.u32 s26, $0x3;
	s7 =	sadd.s32 s7, s5  }
0x10: {  	s12 =	sshrl.u32 s12, $0x3;
	s8 =	sadd.s32 s8, s5;
	s5 =	sadd.s32 $0x4400, s7  }
0x11: {  	s6 =	sadd.s32 $0x4900, s7;
	s7 =	sadd.s32 $0x68400, s8;
	s8 =	smax.u32 s9, $0x1  }
0x12: {  	s9 =	sadd.s32 s11, s31;
	s11 =	sor.u32 $0x1C05, s24;
	s24 =	sor.u32 $0x1C06, s24  }
.LBB2_1:
0x13: {  	[tilespmem:s3], [sflag:$0x6] =	stream.linear.gather [hbm4b:s5+s3], $0x2800, $0x38;
	[tilespmem:$0x1E800] =	vst v63  }
0x14: {  	_ =	swait.ge [sflag:s10], $0x2800  }
0x15: {  	[sflag:s10] =	ssyncset.done $0x0  }
0x16: {  	[sflag:s10] =	ssyncadd.s32 $0xFFFFD800  }
0x17: {  	[spmem:s12], [sflag:s11] =	dma.local [hbm:s9], $0x2800  }
0x18: {  	_ =	swait.ge [sflag:s13], $0x2800  }
0x19: {  	[sflag:s13] =	ssyncset.done $0x0  }
0x1a: {  	[sflag:s13] =	ssyncadd.s32 $0xFFFFD800  }
0x1b: {  	[bflag:$0x0] =	sbarrier.arrive $0xFFFF  }
0x1c: {  	[tilespmem:s15], [sflag:$0x1] =	stream.indirect.gather [hbm4b:s4+s14], $0x80, s3, s14, $0xb8;
	[tilespmem:$0x1E800] =	vst v63  }
0x1d: {  	_ = 	snop  }
0x1e: {  	[tilespmem:s17], [sflag:$0x2] =	stream.indirect.gather [hbm4b:s4+s14], $0x80, s16, s14, $0xb8;
	[tilespmem:$0x1E800] =	vst v63  }
0x1f: {  	_ =	swait.ge [sflag:s18], $0x4000  }
0x20: {  	[sflag:s18] =	ssyncset.done $0x0  }
0x21: {  	s26 =	simm.s32 $0x80;
	[sflag:s18] =	ssyncadd.s32 $0xFFFFC000  }
0x22: {  	[spmem:s2] =	stream.indirect.scatter.add.f32 [tilespmem:s15], [sflag:$0x3], $0x80, s26, s14, $0xb8;
	[tilespmem:$0x1E800] =	vst v63  }
0x23: {  	_ =	swait.ge [sflag:s19], $0x4000  }
0x24: {  	[sflag:s19] =	ssyncset.done $0x0  }
0x25: {  	s30 =	simm.s32 $0x180;
	[sflag:s19] =	ssyncadd.s32 $0xFFFFC000  }
0x26: {  	[spmem:s2] =	stream.indirect.scatter.add.f32 [tilespmem:s17], [sflag:$0x4], $0x80, s30, s14, $0xb8;
	[tilespmem:$0x1E800] =	vst v63  }
0x27: {  	_ =	swait.ge [sflag:s20], $0x4000  }
0x28: {  	[sflag:s20] =	ssyncset.done $0x0  }
0x29: {  	s31 =	simm.s32 $0x200;
	[sflag:s20] =	ssyncadd.s32 $0xFFFFC000  }
0x2a: {  	[tilespmem:s15], [sflag:$0x1] =	stream.indirect.gather [hbm4b:s4+s14], $0x80, s31, s14, $0xb8;
	[tilespmem:$0x1E800] =	vst v63  }
0x2b: {  	_ =	swait.ge [sflag:s21], $0x4000  }
0x2c: {  	[sflag:s21] =	ssyncset.done $0x0  }
0x2d: {  	s28 =	simm.s32 $0x300;
	s26 =	simm.s32 $0xFFFF7000;
	[sflag:s21] =	ssyncadd.s32 $0xFFFFC000  }
.LBB2_2:
0x2e: {  	[tilespmem:s17], [sflag:$0x2] =	stream.indirect.gather [hbm4b:s4+s14], $0x80, s28, s14, $0xb8;
	[tilespmem:$0x1E800] =	vst v63  }
0x2f: {  	s28 =	smov.u32 s26  }
0x30: {  	p0 =	sne.s32 s26, $0xFFFFF800;
	s26 =	sadd.s32 $0x800, s26;
	_ =	swait.ge [sflag:s18], $0x4000  }
0x31: {  	s28 =	sshra.s32 s28, $0x2;
	[sflag:s18] =	ssyncset.done $0x0  }
0x32: {  	s29 =	sadd.s32 $0x2680, s28;
	[sflag:s18] =	ssyncadd.s32 $0xFFFFC000  }
0x33: {  	[spmem:s2] =	stream.indirect.scatter.add.f32 [tilespmem:s15], [sflag:$0x3], $0x80, s29, s14, $0xb8;
	[tilespmem:$0x1E800] =	vst v63  }
0x34: {  	_ =	swait.ge [sflag:s19], $0x4000  }
0x35: {  	[sflag:s19] =	ssyncset.done $0x0  }
0x36: {  	s29 =	sadd.s32 $0x2780, s28;
	[sflag:s19] =	ssyncadd.s32 $0xFFFFC000  }
0x37: {  	[spmem:s2] =	stream.indirect.scatter.add.f32 [tilespmem:s17], [sflag:$0x4], $0x80, s29, s14, $0xb8;
	[tilespmem:$0x1E800] =	vst v63  }
0x38: {  	_ =	swait.ge [sflag:s20], $0x4000  }
0x39: {  	[sflag:s20] =	ssyncset.done $0x0  }
.Ltmp0:
0x3a: {  	s29 =	sadd.s32 $0x2800, s28;
	[sflag:s20] =	ssyncadd.s32 $0xFFFFC000;
	(pc) =	sbr.rel @p0 .LBB2_2-.Ltmp0, $4  }
0x3b: {  	[tilespmem:s15], [sflag:$0x1] =	stream.indirect.gather [hbm4b:s4+s14], $0x80, s29, s14, $0xb8;
	[tilespmem:$0x1E800] =	vst v63  }
0x3c: {  	_ =	swait.ge [sflag:s21], $0x4000  }
0x3d: {  	[sflag:s21] =	ssyncset.done $0x0  }
0x3e: {  	s28 =	sadd.s32 $0x2900, s28;
	[sflag:s21] =	ssyncadd.s32 $0xFFFFC000  }
0x3f: {  	[tilespmem:s17], [sflag:$0x2] =	stream.indirect.gather [hbm4b:s4+s14], $0x80, s28, s14, $0xb8;
	[tilespmem:$0x1E800] =	vst v63  }
0x40: {  	_ =	swait.ge [sflag:s18], $0x4000  }
0x41: {  	[sflag:s18] =	ssyncset.done $0x0  }
0x42: {  	[sflag:s18] =	ssyncadd.s32 $0xFFFFC000  }
0x43: {  	[spmem:s2] =	stream.indirect.scatter.add.f32 [tilespmem:s15], [sflag:$0x3], $0x80, s22, s14, $0xb8;
	[tilespmem:$0x1E800] =	vst v63  }
0x44: {  	_ =	swait.ge [sflag:s19], $0x4000  }
0x45: {  	[sflag:s19] =	ssyncset.done $0x0  }
0x46: {  	[sflag:s19] =	ssyncadd.s32 $0xFFFFC000  }
0x47: {  	[spmem:s2] =	stream.indirect.scatter.add.f32 [tilespmem:s17], [sflag:$0x4], $0x80, s23, s14, $0xb8;
	[tilespmem:$0x1E800] =	vst v63  }
0x48: {  	_ =	swait.ge [sflag:s20], $0x4000  }
0x49: {  	[sflag:s20] =	ssyncset.done $0x0  }
0x4a: {  	[sflag:s20] =	ssyncadd.s32 $0xFFFFC000  }
0x4b: {  	_ =	swait.ge [sflag:s21], $0x4000  }
0x4c: {  	[sflag:s21] =	ssyncset.done $0x0  }
0x4d: {  	[sflag:s21] =	ssyncadd.s32 $0xFFFFC000  }
0x4e: {  	[tilespmem:s3], [sflag:$0x6] =	stream.linear.gather [hbm4b:s6+s3], $0x2800, $0x38;
	[tilespmem:$0x1E800] =	vst v63  }
0x4f: {  	_ =	swait.ge [sflag:s10], $0x2800  }
0x50: {  	[sflag:s10] =	ssyncset.done $0x0  }
0x51: {  	[sflag:s10] =	ssyncadd.s32 $0xFFFFD800  }
0x52: {  	[tilespmem:s15], [sflag:$0x1] =	stream.indirect.gather [hbm4b:s4+s14], $0x80, s3, s14, $0xb8;
	[tilespmem:$0x1E800] =	vst v63  }
0x53: {  	_ = 	snop  }
0x54: {  	[tilespmem:s17], [sflag:$0x2] =	stream.indirect.gather [hbm4b:s4+s14], $0x80, s16, s14, $0xb8;
	[tilespmem:$0x1E800] =	vst v63  }
0x55: {  	_ =	swait.ge [sflag:s18], $0x4000  }
0x56: {  	[sflag:s18] =	ssyncset.done $0x0  }
0x57: {  	s26 =	simm.s32 $0x80;
	[sflag:s18] =	ssyncadd.s32 $0xFFFFC000  }
0x58: {  	[spmem:s2] =	stream.indirect.scatter.add.f32 [tilespmem:s15], [sflag:$0x3], $0x80, s26, s14, $0xb8;
	[tilespmem:$0x1E800] =	vst v63  }
0x59: {  	_ =	swait.ge [sflag:s19], $0x4000  }
0x5a: {  	[sflag:s19] =	ssyncset.done $0x0  }
0x5b: {  	s30 =	simm.s32 $0x180;
	[sflag:s19] =	ssyncadd.s32 $0xFFFFC000  }
0x5c: {  	[spmem:s2] =	stream.indirect.scatter.add.f32 [tilespmem:s17], [sflag:$0x4], $0x80, s30, s14, $0xb8;
	[tilespmem:$0x1E800] =	vst v63  }
0x5d: {  	_ =	swait.ge [sflag:s20], $0x4000  }
0x5e: {  	[sflag:s20] =	ssyncset.done $0x0  }
0x5f: {  	s31 =	simm.s32 $0x200;
	[sflag:s20] =	ssyncadd.s32 $0xFFFFC000  }
0x60: {  	[tilespmem:s15], [sflag:$0x1] =	stream.indirect.gather [hbm4b:s4+s14], $0x80, s31, s14, $0xb8;
	[tilespmem:$0x1E800] =	vst v63  }
0x61: {  	_ =	swait.ge [sflag:s21], $0x4000  }
0x62: {  	[sflag:s21] =	ssyncset.done $0x0  }
0x63: {  	s28 =	simm.s32 $0x300;
	s26 =	simm.s32 $0xFFFF7000;
	[sflag:s21] =	ssyncadd.s32 $0xFFFFC000  }
.LBB2_4:
0x64: {  	[tilespmem:s17], [sflag:$0x2] =	stream.indirect.gather [hbm4b:s4+s14], $0x80, s28, s14, $0xb8;
	[tilespmem:$0x1E800] =	vst v63  }
0x65: {  	s28 =	smov.u32 s26  }
0x66: {  	p0 =	sne.s32 s26, $0xFFFFF800;
	s26 =	sadd.s32 $0x800, s26;
	_ =	swait.ge [sflag:s18], $0x4000  }
0x67: {  	s28 =	sshra.s32 s28, $0x2;
	[sflag:s18] =	ssyncset.done $0x0  }
0x68: {  	s29 =	sadd.s32 $0x2680, s28;
	[sflag:s18] =	ssyncadd.s32 $0xFFFFC000  }
0x69: {  	[spmem:s2] =	stream.indirect.scatter.add.f32 [tilespmem:s15], [sflag:$0x3], $0x80, s29, s14, $0xb8;
	[tilespmem:$0x1E800] =	vst v63  }
0x6a: {  	_ =	swait.ge [sflag:s19], $0x4000  }
0x6b: {  	[sflag:s19] =	ssyncset.done $0x0  }
0x6c: {  	s29 =	sadd.s32 $0x2780, s28;
	[sflag:s19] =	ssyncadd.s32 $0xFFFFC000  }
0x6d: {  	[spmem:s2] =	stream.indirect.scatter.add.f32 [tilespmem:s17], [sflag:$0x4], $0x80, s29, s14, $0xb8;
	[tilespmem:$0x1E800] =	vst v63  }
0x6e: {  	_ =	swait.ge [sflag:s20], $0x4000  }
0x6f: {  	[sflag:s20] =	ssyncset.done $0x0  }
.Ltmp1:
0x70: {  	s29 =	sadd.s32 $0x2800, s28;
	[sflag:s20] =	ssyncadd.s32 $0xFFFFC000;
	(pc) =	sbr.rel @p0 .LBB2_4-.Ltmp1, $4  }
0x71: {  	[tilespmem:s15], [sflag:$0x1] =	stream.indirect.gather [hbm4b:s4+s14], $0x80, s29, s14, $0xb8;
	[tilespmem:$0x1E800] =	vst v63  }
0x72: {  	_ =	swait.ge [sflag:s21], $0x4000  }
0x73: {  	[sflag:s21] =	ssyncset.done $0x0  }
0x74: {  	s28 =	sadd.s32 $0x2900, s28;
	[sflag:s21] =	ssyncadd.s32 $0xFFFFC000  }
0x75: {  	[tilespmem:s17], [sflag:$0x2] =	stream.indirect.gather [hbm4b:s4+s14], $0x80, s28, s14, $0xb8;
	[tilespmem:$0x1E800] =	vst v63  }
0x76: {  	_ =	swait.ge [sflag:s18], $0x4000  }
0x77: {  	[sflag:s18] =	ssyncset.done $0x0  }
0x78: {  	[sflag:s18] =	ssyncadd.s32 $0xFFFFC000  }
0x79: {  	[spmem:s2] =	stream.indirect.scatter.add.f32 [tilespmem:s15], [sflag:$0x3], $0x80, s22, s14, $0xb8;
	[tilespmem:$0x1E800] =	vst v63  }
0x7a: {  	_ =	swait.ge [sflag:s19], $0x4000  }
0x7b: {  	[sflag:s19] =	ssyncset.done $0x0  }
0x7c: {  	[sflag:s19] =	ssyncadd.s32 $0xFFFFC000  }
0x7d: {  	[spmem:s2] =	stream.indirect.scatter.add.f32 [tilespmem:s17], [sflag:$0x4], $0x80, s23, s14, $0xb8;
	[tilespmem:$0x1E800] =	vst v63  }
0x7e: {  	_ =	swait.ge [sflag:s20], $0x4000  }
0x7f: {  	[sflag:s20] =	ssyncset.done $0x0  }
0x80: {  	[sflag:s20] =	ssyncadd.s32 $0xFFFFC000  }
0x81: {  	_ =	swait.ge [sflag:s21], $0x4000  }
0x82: {  	s25 =	sadd.s32 $0x1, s25;
	[sflag:s21] =	ssyncset.done $0x0  }
0x83: {  	p0 =	sne.s32 s25, s8;
	[sflag:s21] =	ssyncadd.s32 $0xFFFFC000  }
.Ltmp2:
0x84: {  	[bflag:$0x0] =	sbarrier.arrive $0xFFFF;
	(pc) =	sbr.rel @p0 .LBB2_1-.Ltmp2, $4  }
0x85: {  	[hbm:s7], [sflag:s24] =	dma.local [spmem:s12], $0x2800  }
0x86: {  	_ =	swait.ge [sflag:s10], $0x2800  }
0x87: {  	[sflag:s10] =	ssyncset.done $0x0  }
0x88: {  	[sflag:s10] =	ssyncadd.s32 $0xFFFFD800  }
0x89: {  	_ =	sfence.sel $0x180000  }
0x8a: {  	[bflag:$0x0] =	sbarrier.arrive $0xFFFF  }
0x8b: {  	p0 =	sne.s32 s1, $0x0;
	_ =	strace $0x90000047  }
0x8c: {  	s0 =	sadd.s32 @!p0 $0x100000, s0;
	[bflag:$0x2] =	sbarrier.arrive $0xFFFF  }
0x8d: {  	[sflag:s0] =	ssyncadd.tile.s32 @!p0 $0x1;
	_ =	shalt  }
.Lfunc_end2:
_tile_overlayer_lowered:
.L_overlay_start_2:
0x8e: {  	(tag) =	ssettag $0x2  }
0x8f: {  	s0 =	rddreg [dreg:$0x0];
	s2 =	stileid.u32  }
0x90: {  	s1 =	rddreg [dreg:$0x1];
	p0 =	sne.s32 s2, $0x0  }
0x91: {  	s3 =	rddreg [dreg:$0x2];
	[bflag:$0x3] =	sbarrier.arrive $0xFFFF;
	s2 =	simm.s32 @!p0 $0x1C06  }
0x92: {  	[timem:s3], [sflag:s2] =	dma.local @!p0 [hbm:s0], s1  }
0x93: {  	s0 =	simm.s32 @!p0 $0x6  }
0x94: {  	_ =	swait.ge @!p0 [sflag:s0], s1  }
0x95: {  	s1 =	ssub.s32 @!p0 $0x0, s1;
	[sflag:s0] =	ssyncset.done @!p0 $0x0  }
0x96: {  	[sflag:s0] =	ssyncadd.s32 @!p0 s1  }
0x97: {  	[bflag:$0x3] =	sbarrier.arrive $0xFFFF  }
0x98: {  	_ =	shalt  }

</sc_bundles>
